<compile_context>
chip_gen: v7x
topology: tpu7x:2x2x1
jax: 0.10.2.dev20260603
libtpu: 0.0.44.dev20260713+nightly
codegen_flags: <defaults>
</compile_context>

<pallas_src>
import functools
import jax
import jax.numpy as jnp
from jax import lax
from jax.experimental import pallas as pl
from jax.experimental.pallas import tpu as pltpu
from jax.experimental.pallas import tpu_sc as plsc

EMB_DIM = 64
N_NEG = 20
LANES = 16
DCH = EMB_DIM // LANES
GRP = 8


def _make_sc_partials(B):
    info = plsc.get_sparse_core_info()
    NC, NS = info.num_cores, info.num_subcores
    NW = NC * NS
    per_w = B // NW
    C = 32
    n_chunks = per_w // C
    NEG_C = C * N_NEG
    NSUB = NEG_C // 128

    mesh = plsc.VectorSubcoreMesh(core_axis_name="c", subcore_axis_name="s")

    @functools.partial(
        pl.kernel,
        mesh=mesh,
        compiler_params=pltpu.CompilerParams(use_tc_tiling_on_sc=True),
        out_type=[
            jax.ShapeDtypeStruct((B, LANES), jnp.float32),
            jax.ShapeDtypeStruct((B, LANES), jnp.float32),
        ],
        scratch_types=[
            pltpu.VMEM((C + LANES,), jnp.int32),
            pltpu.VMEM((C + LANES,), jnp.int32),
            pltpu.VMEM((NEG_C + LANES,), jnp.int32),
            pltpu.VMEM((C,), jnp.int32),
            pltpu.VMEM((NEG_C,), jnp.int32),
            pltpu.VMEM((C * GRP, EMB_DIM), jnp.float32),
            pltpu.VMEM((C, 2 * EMB_DIM), jnp.float32),
            pltpu.VMEM((NEG_C, 2 * EMB_DIM), jnp.float32),
            pltpu.VMEM((C, LANES), jnp.float32),
            pltpu.VMEM((C, LANES), jnp.float32),
            pltpu.SemaphoreType.DMA,
        ],
    )
    def sc_kernel(tgt_hbm, ctx_hbm, negidx_hbm, u_hbm, v_hbm,
                  pos_hbm, negp_hbm,
                  tgt_v, ctx_v, neg_iv, ctx_p, neg_p,
                  u_b, v_b, neg_b, posbuf, negbuf, sem):
        wid = lax.axis_index("s") * NC + lax.axis_index("c")
        base_w = wid * per_w

        def chunk_body(ci, carry):
            base = base_w + ci * C
            pltpu.sync_copy(tgt_hbm.at[pl.ds(base, C)],
                            tgt_v.at[pl.ds(0, C)])
            pltpu.sync_copy(ctx_hbm.at[pl.ds(base, C)],
                            ctx_v.at[pl.ds(0, C)])
            pltpu.sync_copy(negidx_hbm.at[pl.ds(base * N_NEG, NEG_C)],
                            neg_iv.at[pl.ds(0, NEG_C)])
            for j in range(C // LANES):
                sl = pl.ds(j * LANES, LANES)
                ctx_p[sl] = lax.shift_right_logical(ctx_v[sl], 1)
            for j in range(NEG_C // LANES):
                sl = pl.ds(j * LANES, LANES)
                neg_p[sl] = lax.shift_right_logical(neg_iv[sl], 1)

            copies = [pltpu.async_copy(v_hbm.at[ctx_p], v_b, sem)]
            for j in range(NSUB):
                copies.append(pltpu.async_copy(
                    v_hbm.at[neg_p.at[pl.ds(j * 128, 128)]],
                    neg_b.at[pl.ds(j * 128, 128)], sem))
            for i in range(C):
                t = tgt_v[pl.ds(i, LANES)][0]
                gstart = pl.multiple_of(
                    lax.shift_left(lax.shift_right_logical(t, 3), 3), GRP)
                copies.append(pltpu.async_copy(
                    u_hbm.at[pl.ds(gstart, GRP)],
                    u_b.at[pl.ds(i * GRP, GRP)], sem))
            for cp in copies:
                cp.wait()

            def elem_body(i, carry2):
                rt = tgt_v[pl.ds(i, LANES)][0] & (GRP - 1)
                oc = (ctx_v[pl.ds(i, LANES)][0] & 1) * EMB_DIM
                pos = None
                negp = None
                uks = []
                for kk in range(DCH):
                    uk = u_b[i * GRP + rt, pl.ds(kk * LANES, LANES)]
                    vk = v_b[i, pl.ds(oc + kk * LANES, LANES)]
                    uks.append(uk)
                    pk = uk * vk
                    pos = pk if pos is None else pos + pk
                accs = [None] * DCH
                for n in range(N_NEG):
                    on = (neg_iv[pl.ds(i * N_NEG + n, LANES)][0] & 1) * EMB_DIM
                    for kk in range(DCH):
                        r = neg_b[i * N_NEG + n, pl.ds(on + kk * LANES, LANES)]
                        accs[kk] = r if accs[kk] is None else accs[kk] + r
                for kk in range(DCH):
                    nk = uks[kk] * accs[kk]
                    negp = nk if negp is None else negp + nk
                posbuf[i, :] = pos
                negbuf[i, :] = negp
                return carry2

            lax.fori_loop(0, C, elem_body, 0)
            pltpu.sync_copy(posbuf, pos_hbm.at[pl.ds(base, C)])
            pltpu.sync_copy(negbuf, negp_hbm.at[pl.ds(base, C)])
            return carry

        lax.fori_loop(0, n_chunks, chunk_body, 0)

    return sc_kernel


def _tc_finish(pos_part, neg_part):
    def body(p_ref, n_ref, o_ref):
        p = jnp.sum(p_ref[...], axis=1)
        q = jnp.sum(n_ref[...], axis=1)

        def logsig(x):
            return jnp.minimum(x, 0.0) - jnp.log1p(jnp.exp(-jnp.abs(x)))

        loss = logsig(p) + logsig(-q)
        o_ref[...] = jnp.broadcast_to(-jnp.mean(loss), (1, 1))

    out = pl.pallas_call(
        body,
        out_shape=jax.ShapeDtypeStruct((1, 1), jnp.float32),
    )(pos_part, neg_part)
    return out[0, 0]


def kernel(target_word, context_word, neg_word, u_weight, v_weight):
    B = target_word.shape[0]
    neg_flat = neg_word.reshape(B * N_NEG)
    v2 = v_weight.reshape(-1, 2 * EMB_DIM)
    sc = _make_sc_partials(B)
    pos_part, neg_part = sc(target_word, context_word, neg_flat,
                            u_weight, v2)
    return _tc_finish(pos_part, neg_part)

# --- scband reference (transcript-rebuilt; emitter-appended) ---
"""Pipeline reference for scband-skip-gram-model-2731599200974 (READ-ONLY COPY).

The authoritative reference and input builder live on the scoring server;
editing this copy changes nothing except your own understanding.
"""

import jax, jax.numpy as jnp
import numpy as np

EMB_SIZE = 1000000
EMB_DIM = 64
BATCH = 16384
N_NEG = 20


def setup_inputs(seed: int = 0) -> dict:
    key = jax.random.key(seed)
    k1, k2, k3, k4, k5 = jax.random.split(key, 5)
    target_word = jax.random.randint(k1, (BATCH,), 0, EMB_SIZE, dtype=jnp.int64 if jax.config.read('jax_enable_x64') else jnp.int32)
    context_word = jax.random.randint(k2, (BATCH,), 0, EMB_SIZE, dtype=jnp.int64 if jax.config.read('jax_enable_x64') else jnp.int32)
    neg_word = jax.random.randint(k3, (BATCH, N_NEG), 0, EMB_SIZE, dtype=jnp.int64 if jax.config.read('jax_enable_x64') else jnp.int32)
    initrange = (2.0 / (EMB_SIZE + EMB_DIM)) ** 0.5
    u_weight = jax.random.uniform(k4, (EMB_SIZE, EMB_DIM), dtype=jnp.float32, minval=-initrange, maxval=initrange)
    # v_embeddings initialized to zeros in the torch module; use small random values so gradients are non-trivial
    v_weight = jax.random.uniform(k5, (EMB_SIZE, EMB_DIM), dtype=jnp.float32, minval=-initrange, maxval=initrange)
    return {"target_word": target_word, "context_word": context_word, "neg_word": neg_word, "u_weight": u_weight, "v_weight": v_weight}


def reference(target_word, context_word, neg_word, u_weight, v_weight):
    emb_u = jnp.take(u_weight, target_word, axis=0)          # [B, D]
    emb_v = jnp.take(v_weight, context_word, axis=0)         # [B, D]
    positive = jax.nn.log_sigmoid(jnp.sum(emb_u * emb_v, axis=1))  # [B]
    emb_neg = jnp.take(v_weight, neg_word, axis=0)           # [B, N, D]
    negative = jnp.einsum('bnd,bd->bn', emb_neg, emb_u)      # bmm(emb_neg, emb_u.unsqueeze(2)).squeeze(2)
    negative = jax.nn.log_sigmoid(-jnp.sum(negative, axis=1))  # [B]
    loss = positive + negative
    return -jnp.mean(loss)

if __name__ == "__main__":
    import jax
    _d = setup_inputs()
    print(jax.jit(kernel)(*tuple(_d.values())))

</pallas_src>

<mosaic_0001>
#map = affine_map<(d0, d1) -> (0)>
#map1 = affine_map<(d0, d1) -> (0, 0)>
module attributes {stable_mosaic.version = 14 : i64} {
  func.func @sc_kernel(%arg0: i32, %arg1: i32, %arg2: memref<16384xi32, #tpu.memory_space<hbm>>, %arg3: memref<16384xi32, #tpu.memory_space<hbm>>, %arg4: memref<327680xi32, #tpu.memory_space<hbm>>, %arg5: memref<1000000x64xf32, #tpu.memory_space<hbm>>, %arg6: memref<500000x128xf32, #tpu.memory_space<hbm>>, %arg7: memref<16384x16xf32, #tpu.memory_space<hbm>>, %arg8: memref<16384x16xf32, #tpu.memory_space<hbm>>, %arg9: memref<48xi32, #tpu.memory_space<vmem>>, %arg10: memref<48xi32, #tpu.memory_space<vmem>>, %arg11: memref<656xi32, #tpu.memory_space<vmem>>, %arg12: memref<32xi32, #tpu.memory_space<vmem>>, %arg13: memref<640xi32, #tpu.memory_space<vmem>>, %arg14: memref<256x64xf32, #tpu.memory_space<vmem>>, %arg15: memref<32x128xf32, #tpu.memory_space<vmem>>, %arg16: memref<640x128xf32, #tpu.memory_space<vmem>>, %arg17: memref<32x16xf32, #tpu.memory_space<vmem>>, %arg18: memref<32x16xf32, #tpu.memory_space<vmem>>, %arg19: memref<!tpu.dma_semaphore, #tpu.memory_space<semaphore_mem>>) attributes {dimension_semantics = [#tpu.dimension_semantics<core_parallel>, #tpu.dimension_semantics<subcore_parallel>], iteration_bounds = array<i64: 2, 16>, scalar_prefetch = 0 : i64, scratch_operands = 11 : i64, tpu.core_type = #tpu.core_type<sc_vector_subcore>, window_params = [{transform_indices = #map}, {transform_indices = #map}, {transform_indices = #map}, {transform_indices = #map1}, {transform_indices = #map1}, {transform_indices = #map1}, {transform_indices = #map1}]} {
    %mul3A = arith.constant 2 : i32
    %mul3A_0 = arith.muli %arg1, %mul3A : i32
    %add3A = arith.addi %mul3A_0, %arg0 : i32
    %mul3A_1 = arith.constant 512 : i32
    %mul3A_2 = arith.muli %add3A, %mul3A_1 : i32
    %scan3A = arith.constant 0 : i32
    %scan3A_3 = arith.constant 0 : i32
    %scan3A_4 = arith.constant 16 : i32
    %scan3A_5 = arith.addi %scan3A_3, %scan3A_4 : i32
    %scan3A_6 = arith.constant 1 : i32
    scf.for %scan3A_8 = %scan3A_3 to %scan3A_5 step %scan3A_6  : i32 {
      %mul3A_9 = arith.constant 32 : i32
      %mul3A_10 = arith.muli %scan3A_8, %mul3A_9 : i32
      %add3A_11 = arith.addi %mul3A_2, %mul3A_10 : i32
      "tpu.region"() ({
        %run_scoped3A = tpu.sem_alloc : memref<!tpu.dma_semaphore, #tpu.memory_space<semaphore_mem>>
        %dma_start3A_1477 = arith.constant 0 : i32
        %dma_start3A_1478 = tpu.memref_slice %arg9[%dma_start3A_1477] : memref<48xi32, #tpu.memory_space<vmem>> -> memref<32xi32, #tpu.memory_space<vmem>>
        %dma_start3A_1479 = tpu.memref_slice %arg2[%add3A_11] : memref<16384xi32, #tpu.memory_space<hbm>> -> memref<32xi32, #tpu.memory_space<hbm>>
        %dma_start3A_1480 = arith.constant 0 : i32
        %dma_start3A_1481 = tpu.memref_slice %arg9[%dma_start3A_1480] : memref<48xi32, #tpu.memory_space<vmem>> -> memref<32xi32, #tpu.memory_space<vmem>>
        %dma_start3A_1482 = tpu.memref_slice %arg2[%add3A_11] : memref<16384xi32, #tpu.memory_space<hbm>> -> memref<32xi32, #tpu.memory_space<hbm>>
        tpu.enqueue_dma source(%dma_start3A_1482 : memref<32xi32, #tpu.memory_space<hbm>>) target(%dma_start3A_1481 : memref<32xi32, #tpu.memory_space<vmem>>) target_semaphore(%run_scoped3A : memref<!tpu.dma_semaphore, #tpu.memory_space<semaphore_mem>>)
        %dma_wait3A_1483 = arith.constant 0 : i32
        %dma_wait3A_1484 = tpu.memref_slice %arg9[%dma_wait3A_1483] : memref<48xi32, #tpu.memory_space<vmem>> -> memref<32xi32, #tpu.memory_space<vmem>>
        %dma_wait3A_1485 = tpu.memref_slice %arg2[%add3A_11] : memref<16384xi32, #tpu.memory_space<hbm>> -> memref<32xi32, #tpu.memory_space<hbm>>
        %dma_wait3A_1486 = arith.constant 0 : i32
        %dma_wait3A_1487 = tpu.memref_slice %arg9[%dma_wait3A_1486] : memref<48xi32, #tpu.memory_space<vmem>> -> memref<32xi32, #tpu.memory_space<vmem>>
        %dma_wait3A_1488 = tpu.memref_slice %arg2[%add3A_11] : memref<16384xi32, #tpu.memory_space<hbm>> -> memref<32xi32, #tpu.memory_space<hbm>>
        tpu.wait_dma2 semaphore(%run_scoped3A : memref<!tpu.dma_semaphore, #tpu.memory_space<semaphore_mem>>) src(%dma_wait3A_1488 : memref<32xi32, #tpu.memory_space<hbm>>) dst(%dma_wait3A_1487 : memref<32xi32, #tpu.memory_space<vmem>>)
        tpu.yield
      }) : () -> ()
      "tpu.region"() ({
        %run_scoped3A = tpu.sem_alloc : memref<!tpu.dma_semaphore, #tpu.memory_space<semaphore_mem>>
        %dma_start3A_1477 = arith.constant 0 : i32
        %dma_start3A_1478 = tpu.memref_slice %arg10[%dma_start3A_1477] : memref<48xi32, #tpu.memory_space<vmem>> -> memref<32xi32, #tpu.memory_space<vmem>>
        %dma_start3A_1479 = tpu.memref_slice %arg3[%add3A_11] : memref<16384xi32, #tpu.memory_space<hbm>> -> memref<32xi32, #tpu.memory_space<hbm>>
        %dma_start3A_1480 = arith.constant 0 : i32
        %dma_start3A_1481 = tpu.memref_slice %arg10[%dma_start3A_1480] : memref<48xi32, #tpu.memory_space<vmem>> -> memref<32xi32, #tpu.memory_space<vmem>>
        %dma_start3A_1482 = tpu.memref_slice %arg3[%add3A_11] : memref<16384xi32, #tpu.memory_space<hbm>> -> memref<32xi32, #tpu.memory_space<hbm>>
        tpu.enqueue_dma source(%dma_start3A_1482 : memref<32xi32, #tpu.memory_space<hbm>>) target(%dma_start3A_1481 : memref<32xi32, #tpu.memory_space<vmem>>) target_semaphore(%run_scoped3A : memref<!tpu.dma_semaphore, #tpu.memory_space<semaphore_mem>>)
        %dma_wait3A_1483 = arith.constant 0 : i32
        %dma_wait3A_1484 = tpu.memref_slice %arg10[%dma_wait3A_1483] : memref<48xi32, #tpu.memory_space<vmem>> -> memref<32xi32, #tpu.memory_space<vmem>>
        %dma_wait3A_1485 = tpu.memref_slice %arg3[%add3A_11] : memref<16384xi32, #tpu.memory_space<hbm>> -> memref<32xi32, #tpu.memory_space<hbm>>
        %dma_wait3A_1486 = arith.constant 0 : i32
        %dma_wait3A_1487 = tpu.memref_slice %arg10[%dma_wait3A_1486] : memref<48xi32, #tpu.memory_space<vmem>> -> memref<32xi32, #tpu.memory_space<vmem>>
        %dma_wait3A_1488 = tpu.memref_slice %arg3[%add3A_11] : memref<16384xi32, #tpu.memory_space<hbm>> -> memref<32xi32, #tpu.memory_space<hbm>>
        tpu.wait_dma2 semaphore(%run_scoped3A : memref<!tpu.dma_semaphore, #tpu.memory_space<semaphore_mem>>) src(%dma_wait3A_1488 : memref<32xi32, #tpu.memory_space<hbm>>) dst(%dma_wait3A_1487 : memref<32xi32, #tpu.memory_space<vmem>>)
        tpu.yield
      }) : () -> ()
      %mul3A_12 = arith.constant 20 : i32
      %mul3A_13 = arith.muli %add3A_11, %mul3A_12 : i32
      "tpu.region"() ({
        %run_scoped3A = tpu.sem_alloc : memref<!tpu.dma_semaphore, #tpu.memory_space<semaphore_mem>>
        %dma_start3A_1477 = arith.constant 0 : i32
        %dma_start3A_1478 = tpu.memref_slice %arg11[%dma_start3A_1477] : memref<656xi32, #tpu.memory_space<vmem>> -> memref<640xi32, #tpu.memory_space<vmem>>
        %dma_start3A_1479 = tpu.memref_slice %arg4[%mul3A_13] : memref<327680xi32, #tpu.memory_space<hbm>> -> memref<640xi32, #tpu.memory_space<hbm>>
        %dma_start3A_1480 = arith.constant 0 : i32
        %dma_start3A_1481 = tpu.memref_slice %arg11[%dma_start3A_1480] : memref<656xi32, #tpu.memory_space<vmem>> -> memref<640xi32, #tpu.memory_space<vmem>>
        %dma_start3A_1482 = tpu.memref_slice %arg4[%mul3A_13] : memref<327680xi32, #tpu.memory_space<hbm>> -> memref<640xi32, #tpu.memory_space<hbm>>
        tpu.enqueue_dma source(%dma_start3A_1482 : memref<640xi32, #tpu.memory_space<hbm>>) target(%dma_start3A_1481 : memref<640xi32, #tpu.memory_space<vmem>>) target_semaphore(%run_scoped3A : memref<!tpu.dma_semaphore, #tpu.memory_space<semaphore_mem>>)
        %dma_wait3A_1483 = arith.constant 0 : i32
        %dma_wait3A_1484 = tpu.memref_slice %arg11[%dma_wait3A_1483] : memref<656xi32, #tpu.memory_space<vmem>> -> memref<640xi32, #tpu.memory_space<vmem>>
        %dma_wait3A_1485 = tpu.memref_slice %arg4[%mul3A_13] : memref<327680xi32, #tpu.memory_space<hbm>> -> memref<640xi32, #tpu.memory_space<hbm>>
        %dma_wait3A_1486 = arith.constant 0 : i32
        %dma_wait3A_1487 = tpu.memref_slice %arg11[%dma_wait3A_1486] : memref<656xi32, #tpu.memory_space<vmem>> -> memref<640xi32, #tpu.memory_space<vmem>>
        %dma_wait3A_1488 = tpu.memref_slice %arg4[%mul3A_13] : memref<327680xi32, #tpu.memory_space<hbm>> -> memref<640xi32, #tpu.memory_space<hbm>>
        tpu.wait_dma2 semaphore(%run_scoped3A : memref<!tpu.dma_semaphore, #tpu.memory_space<semaphore_mem>>) src(%dma_wait3A_1488 : memref<640xi32, #tpu.memory_space<hbm>>) dst(%dma_wait3A_1487 : memref<640xi32, #tpu.memory_space<vmem>>)
        tpu.yield
      }) : () -> ()
      %get3A = arith.constant 0 : index
      %get3A_14 = tpu.vector_load %arg10[%get3A] {strides = array<i32>} : memref<48xi32, #tpu.memory_space<vmem>>, vector<16xi32>,
      %get3A_15 = vector.shape_cast %get3A_14 : vector<16xi32> to vector<16xi32>
      %shift_right_logical3A = arith.constant 1 : i32
      %shift_right_logical3A_16 = vector.broadcast %shift_right_logical3A : i32 to vector<16xi32>
      %shift_right_logical3A_17 = arith.shrui %get3A_15, %shift_right_logical3A_16 : vector<16xi32>
      %swap3A = arith.constant 0 : index
      %swap3A_18 = tpu.vector_load %arg12[%swap3A] {strides = array<i32>} : memref<32xi32, #tpu.memory_space<vmem>>, vector<16xi32>,
      %swap3A_19 = vector.shape_cast %swap3A_18 : vector<16xi32> to vector<16xi32>
      %swap3A_20 = vector.shape_cast %shift_right_logical3A_17 : vector<16xi32> to vector<16xi32>
      tpu.vector_store %arg12[%swap3A], %swap3A_20 {strides = array<i32>} : memref<32xi32, #tpu.memory_space<vmem>>, vector<16xi32>,
      %get3A_21 = arith.constant 16 : index
      %get3A_22 = tpu.vector_load %arg10[%get3A_21] {strides = array<i32>} : memref<48xi32, #tpu.memory_space<vmem>>, vector<16xi32>,
      %get3A_23 = vector.shape_cast %get3A_22 : vector<16xi32> to vector<16xi32>
      %shift_right_logical3A_24 = arith.constant 1 : i32
      %shift_right_logical3A_25 = vector.broadcast %shift_right_logical3A_24 : i32 to vector<16xi32>
      %shift_right_logical3A_26 = arith.shrui %get3A_23, %shift_right_logical3A_25 : vector<16xi32>
      %swap3A_27 = arith.constant 16 : index
      %swap3A_28 = tpu.vector_load %arg12[%swap3A_27] {strides = array<i32>} : memref<32xi32, #tpu.memory_space<vmem>>, vector<16xi32>,
      %swap3A_29 = vector.shape_cast %swap3A_28 : vector<16xi32> to vector<16xi32>
      %swap3A_30 = vector.shape_cast %shift_right_logical3A_26 : vector<16xi32> to vector<16xi32>
      tpu.vector_store %arg12[%swap3A_27], %swap3A_30 {strides = array<i32>} : memref<32xi32, #tpu.memory_space<vmem>>, vector<16xi32>,
      %get3A_31 = arith.constant 0 : index
      %get3A_32 = tpu.vector_load %arg11[%get3A_31] {strides = array<i32>} : memref<656xi32, #tpu.memory_space<vmem>>, vector<16xi32>,
      %get3A_33 = vector.shape_cast %get3A_32 : vector<16xi32> to vector<16xi32>
      %shift_right_logical3A_34 = arith.constant 1 : i32
      %shift_right_logical3A_35 = vector.broadcast %shift_right_logical3A_34 : i32 to vector<16xi32>
      %shift_right_logical3A_36 = arith.shrui %get3A_33, %shift_right_logical3A_35 : vector<16xi32>
      %swap3A_37 = arith.constant 0 : index
      %swap3A_38 = tpu.vector_load %arg13[%swap3A_37] {strides = array<i32>} : memref<640xi32, #tpu.memory_space<vmem>>, vector<16xi32>,
      %swap3A_39 = vector.shape_cast %swap3A_38 : vector<16xi32> to vector<16xi32>
      %swap3A_40 = vector.shape_cast %shift_right_logical3A_36 : vector<16xi32> to vector<16xi32>
      tpu.vector_store %arg13[%swap3A_37], %swap3A_40 {strides = array<i32>} : memref<640xi32, #tpu.memory_space<vmem>>, vector<16xi32>,
      %get3A_41 = arith.constant 16 : index
      %get3A_42 = tpu.vector_load %arg11[%get3A_41] {strides = array<i32>} : memref<656xi32, #tpu.memory_space<vmem>>, vector<16xi32>,
      %get3A_43 = vector.shape_cast %get3A_42 : vector<16xi32> to vector<16xi32>
      %shift_right_logical3A_44 = arith.constant 1 : i32
      %shift_right_logical3A_45 = vector.broadcast %shift_right_logical3A_44 : i32 to vector<16xi32>
      %shift_right_logical3A_46 = arith.shrui %get3A_43, %shift_right_logical3A_45 : vector<16xi32>
      %swap3A_47 = arith.constant 16 : index
      %swap3A_48 = tpu.vector_load %arg13[%swap3A_47] {strides = array<i32>} : memref<640xi32, #tpu.memory_space<vmem>>, vector<16xi32>,
      %swap3A_49 = vector.shape_cast %swap3A_48 : vector<16xi32> to vector<16xi32>
      %swap3A_50 = vector.shape_cast %shift_right_logical3A_46 : vector<16xi32> to vector<16xi32>
      tpu.vector_store %arg13[%swap3A_47], %swap3A_50 {strides = array<i32>} : memref<640xi32, #tpu.memory_space<vmem>>, vector<16xi32>,
      %get3A_51 = arith.constant 32 : index
      %get3A_52 = tpu.vector_load %arg11[%get3A_51] {strides = array<i32>} : memref<656xi32, #tpu.memory_space<vmem>>, vector<16xi32>,
      %get3A_53 = vector.shape_cast %get3A_52 : vector<16xi32> to vector<16xi32>
      %shift_right_logical3A_54 = arith.constant 1 : i32
      %shift_right_logical3A_55 = vector.broadcast %shift_right_logical3A_54 : i32 to vector<16xi32>
      %shift_right_logical3A_56 = arith.shrui %get3A_53, %shift_right_logical3A_55 : vector<16xi32>
      %swap3A_57 = arith.constant 32 : index
      %swap3A_58 = tpu.vector_load %arg13[%swap3A_57] {strides = array<i32>} : memref<640xi32, #tpu.memory_space<vmem>>, vector<16xi32>,
      %swap3A_59 = vector.shape_cast %swap3A_58 : vector<16xi32> to vector<16xi32>
      %swap3A_60 = vector.shape_cast %shift_right_logical3A_56 : vector<16xi32> to vector<16xi32>
      tpu.vector_store %arg13[%swap3A_57], %swap3A_60 {strides = array<i32>} : memref<640xi32, #tpu.memory_space<vmem>>, vector<16xi32>,
      %get3A_61 = arith.constant 48 : index
      %get3A_62 = tpu.vector_load %arg11[%get3A_61] {strides = array<i32>} : memref<656xi32, #tpu.memory_space<vmem>>, vector<16xi32>,
      %get3A_63 = vector.shape_cast %get3A_62 : vector<16xi32> to vector<16xi32>
      %shift_right_logical3A_64 = arith.constant 1 : i32
      %shift_right_logical3A_65 = vector.broadcast %shift_right_logical3A_64 : i32 to vector<16xi32>
      %shift_right_logical3A_66 = arith.shrui %get3A_63, %shift_right_logical3A_65 : vector<16xi32>
      %swap3A_67 = arith.constant 48 : index
      %swap3A_68 = tpu.vector_load %arg13[%swap3A_67] {strides = array<i32>} : memref<640xi32, #tpu.memory_space<vmem>>, vector<16xi32>,
      %swap3A_69 = vector.shape_cast %swap3A_68 : vector<16xi32> to vector<16xi32>
      %swap3A_70 = vector.shape_cast %shift_right_logical3A_66 : vector<16xi32> to vector<16xi32>
      tpu.vector_store %arg13[%swap3A_67], %swap3A_70 {strides = array<i32>} : memref<640xi32, #tpu.memory_space<vmem>>, vector<16xi32>,
      %get3A_71 = arith.constant 64 : index
      %get3A_72 = tpu.vector_load %arg11[%get3A_71] {strides = array<i32>} : memref<656xi32, #tpu.memory_space<vmem>>, vector<16xi32>,
      %get3A_73 = vector.shape_cast %get3A_72 : vector<16xi32> to vector<16xi32>
      %shift_right_logical3A_74 = arith.constant 1 : i32
      %shift_right_logical3A_75 = vector.broadcast %shift_right_logical3A_74 : i32 to vector<16xi32>
      %shift_right_logical3A_76 = arith.shrui %get3A_73, %shift_right_logical3A_75 : vector<16xi32>
      %swap3A_77 = arith.constant 64 : index
      %swap3A_78 = tpu.vector_load %arg13[%swap3A_77] {strides = array<i32>} : memref<640xi32, #tpu.memory_space<vmem>>, vector<16xi32>,
      %swap3A_79 = vector.shape_cast %swap3A_78 : vector<16xi32> to vector<16xi32>
      %swap3A_80 = vector.shape_cast %shift_right_logical3A_76 : vector<16xi32> to vector<16xi32>
      tpu.vector_store %arg13[%swap3A_77], %swap3A_80 {strides = array<i32>} : memref<640xi32, #tpu.memory_space<vmem>>, vector<16xi32>,
      %get3A_81 = arith.constant 80 : index
      %get3A_82 = tpu.vector_load %arg11[%get3A_81] {strides = array<i32>} : memref<656xi32, #tpu.memory_space<vmem>>, vector<16xi32>,
      %get3A_83 = vector.shape_cast %get3A_82 : vector<16xi32> to vector<16xi32>
      %shift_right_logical3A_84 = arith.constant 1 : i32
      %shift_right_logical3A_85 = vector.broadcast %shift_right_logical3A_84 : i32 to vector<16xi32>
      %shift_right_logical3A_86 = arith.shrui %get3A_83, %shift_right_logical3A_85 : vector<16xi32>
      %swap3A_87 = arith.constant 80 : index
      %swap3A_88 = tpu.vector_load %arg13[%swap3A_87] {strides = array<i32>} : memref<640xi32, #tpu.memory_space<vmem>>, vector<16xi32>,
      %swap3A_89 = vector.shape_cast %swap3A_88 : vector<16xi32> to vector<16xi32>
      %swap3A_90 = vector.shape_cast %shift_right_logical3A_86 : vector<16xi32> to vector<16xi32>
      tpu.vector_store %arg13[%swap3A_87], %swap3A_90 {strides = array<i32>} : memref<640xi32, #tpu.memory_space<vmem>>, vector<16xi32>,
      %get3A_91 = arith.constant 96 : index
      %get3A_92 = tpu.vector_load %arg11[%get3A_91] {strides = array<i32>} : memref<656xi32, #tpu.memory_space<vmem>>, vector<16xi32>,
      %get3A_93 = vector.shape_cast %get3A_92 : vector<16xi32> to vector<16xi32>
      %shift_right_logical3A_94 = arith.constant 1 : i32
      %shift_right_logical3A_95 = vector.broadcast %shift_right_logical3A_94 : i32 to vector<16xi32>
      %shift_right_logical3A_96 = arith.shrui %get3A_93, %shift_right_logical3A_95 : vector<16xi32>
      %swap3A_97 = arith.constant 96 : index
      %swap3A_98 = tpu.vector_load %arg13[%swap3A_97] {strides = array<i32>} : memref<640xi32, #tpu.memory_space<vmem>>, vector<16xi32>,
      %swap3A_99 = vector.shape_cast %swap3A_98 : vector<16xi32> to vector<16xi32>
      %swap3A_100 = vector.shape_cast %shift_right_logical3A_96 : vector<16xi32> to vector<16xi32>
      tpu.vector_store %arg13[%swap3A_97], %swap3A_100 {strides = array<i32>} : memref<640xi32, #tpu.memory_space<vmem>>, vector<16xi32>,
      %get3A_101 = arith.constant 112 : index
      %get3A_102 = tpu.vector_load %arg11[%get3A_101] {strides = array<i32>} : memref<656xi32, #tpu.memory_space<vmem>>, vector<16xi32>,
      %get3A_103 = vector.shape_cast %get3A_102 : vector<16xi32> to vector<16xi32>
      %shift_right_logical3A_104 = arith.constant 1 : i32
      %shift_right_logical3A_105 = vector.broadcast %shift_right_logical3A_104 : i32 to vector<16xi32>
      %shift_right_logical3A_106 = arith.shrui %get3A_103, %shift_right_logical3A_105 : vector<16xi32>
      %swap3A_107 = arith.constant 112 : index
      %swap3A_108 = tpu.vector_load %arg13[%swap3A_107] {strides = array<i32>} : memref<640xi32, #tpu.memory_space<vmem>>, vector<16xi32>,
      %swap3A_109 = vector.shape_cast %swap3A_108 : vector<16xi32> to vector<16xi32>
      %swap3A_110 = vector.shape_cast %shift_right_logical3A_106 : vector<16xi32> to vector<16xi32>
      tpu.vector_store %arg13[%swap3A_107], %swap3A_110 {strides = array<i32>} : memref<640xi32, #tpu.memory_space<vmem>>, vector<16xi32>,
      %get3A_111 = arith.constant 128 : index
      %get3A_112 = tpu.vector_load %arg11[%get3A_111] {strides = array<i32>} : memref<656xi32, #tpu.memory_space<vmem>>, vector<16xi32>,
      %get3A_113 = vector.shape_cast %get3A_112 : vector<16xi32> to vector<16xi32>
      %shift_right_logical3A_114 = arith.constant 1 : i32
      %shift_right_logical3A_115 = vector.broadcast %shift_right_logical3A_114 : i32 to vector<16xi32>
      %shift_right_logical3A_116 = arith.shrui %get3A_113, %shift_right_logical3A_115 : vector<16xi32>
      %swap3A_117 = arith.constant 128 : index
      %swap3A_118 = tpu.vector_load %arg13[%swap3A_117] {strides = array<i32>} : memref<640xi32, #tpu.memory_space<vmem>>, vector<16xi32>,
      %swap3A_119 = vector.shape_cast %swap3A_118 : vector<16xi32> to vector<16xi32>
      %swap3A_120 = vector.shape_cast %shift_right_logical3A_116 : vector<16xi32> to vector<16xi32>
      tpu.vector_store %arg13[%swap3A_117], %swap3A_120 {strides = array<i32>} : memref<640xi32, #tpu.memory_space<vmem>>, vector<16xi32>,
      %get3A_121 = arith.constant 144 : index
      %get3A_122 = tpu.vector_load %arg11[%get3A_121] {strides = array<i32>} : memref<656xi32, #tpu.memory_space<vmem>>, vector<16xi32>,
      %get3A_123 = vector.shape_cast %get3A_122 : vector<16xi32> to vector<16xi32>
      %shift_right_logical3A_124 = arith.constant 1 : i32
      %shift_right_logical3A_125 = vector.broadcast %shift_right_logical3A_124 : i32 to vector<16xi32>
      %shift_right_logical3A_126 = arith.shrui %get3A_123, %shift_right_logical3A_125 : vector<16xi32>
      %swap3A_127 = arith.constant 144 : index
      %swap3A_128 = tpu.vector_load %arg13[%swap3A_127] {strides = array<i32>} : memref<640xi32, #tpu.memory_space<vmem>>, vector<16xi32>,
      %swap3A_129 = vector.shape_cast %swap3A_128 : vector<16xi32> to vector<16xi32>
      %swap3A_130 = vector.shape_cast %shift_right_logical3A_126 : vector<16xi32> to vector<16xi32>
      tpu.vector_store %arg13[%swap3A_127], %swap3A_130 {strides = array<i32>} : memref<640xi32, #tpu.memory_space<vmem>>, vector<16xi32>,
      %get3A_131 = arith.constant 160 : index
      %get3A_132 = tpu.vector_load %arg11[%get3A_131] {strides = array<i32>} : memref<656xi32, #tpu.memory_space<vmem>>, vector<16xi32>,
      %get3A_133 = vector.shape_cast %get3A_132 : vector<16xi32> to vector<16xi32>
      %shift_right_logical3A_134 = arith.constant 1 : i32
      %shift_right_logical3A_135 = vector.broadcast %shift_right_logical3A_134 : i32 to vector<16xi32>
      %shift_right_logical3A_136 = arith.shrui %get3A_133, %shift_right_logical3A_135 : vector<16xi32>
      %swap3A_137 = arith.constant 160 : index
      %swap3A_138 = tpu.vector_load %arg13[%swap3A_137] {strides = array<i32>} : memref<640xi32, #tpu.memory_space<vmem>>, vector<16xi32>,
      %swap3A_139 = vector.shape_cast %swap3A_138 : vector<16xi32> to vector<16xi32>
      %swap3A_140 = vector.shape_cast %shift_right_logical3A_136 : vector<16xi32> to vector<16xi32>
      tpu.vector_store %arg13[%swap3A_137], %swap3A_140 {strides = array<i32>} : memref<640xi32, #tpu.memory_space<vmem>>, vector<16xi32>,
      %get3A_141 = arith.constant 176 : index
      %get3A_142 = tpu.vector_load %arg11[%get3A_141] {strides = array<i32>} : memref<656xi32, #tpu.memory_space<vmem>>, vector<16xi32>,
      %get3A_143 = vector.shape_cast %get3A_142 : vector<16xi32> to vector<16xi32>
      %shift_right_logical3A_144 = arith.constant 1 : i32
      %shift_right_logical3A_145 = vector.broadcast %shift_right_logical3A_144 : i32 to vector<16xi32>
      %shift_right_logical3A_146 = arith.shrui %get3A_143, %shift_right_logical3A_145 : vector<16xi32>
      %swap3A_147 = arith.constant 176 : index
      %swap3A_148 = tpu.vector_load %arg13[%swap3A_147] {strides = array<i32>} : memref<640xi32, #tpu.memory_space<vmem>>, vector<16xi32>,
      %swap3A_149 = vector.shape_cast %swap3A_148 : vector<16xi32> to vector<16xi32>
      %swap3A_150 = vector.shape_cast %shift_right_logical3A_146 : vector<16xi32> to vector<16xi32>
      tpu.vector_store %arg13[%swap3A_147], %swap3A_150 {strides = array<i32>} : memref<640xi32, #tpu.memory_space<vmem>>, vector<16xi32>,
      %get3A_151 = arith.constant 192 : index
      %get3A_152 = tpu.vector_load %arg11[%get3A_151] {strides = array<i32>} : memref<656xi32, #tpu.memory_space<vmem>>, vector<16xi32>,
      %get3A_153 = vector.shape_cast %get3A_152 : vector<16xi32> to vector<16xi32>
      %shift_right_logical3A_154 = arith.constant 1 : i32
      %shift_right_logical3A_155 = vector.broadcast %shift_right_logical3A_154 : i32 to vector<16xi32>
      %shift_right_logical3A_156 = arith.shrui %get3A_153, %shift_right_logical3A_155 : vector<16xi32>
      %swap3A_157 = arith.constant 192 : index
      %swap3A_158 = tpu.vector_load %arg13[%swap3A_157] {strides = array<i32>} : memref<640xi32, #tpu.memory_space<vmem>>, vector<16xi32>,
      %swap3A_159 = vector.shape_cast %swap3A_158 : vector<16xi32> to vector<16xi32>
      %swap3A_160 = vector.shape_cast %shift_right_logical3A_156 : vector<16xi32> to vector<16xi32>
      tpu.vector_store %arg13[%swap3A_157], %swap3A_160 {strides = array<i32>} : memref<640xi32, #tpu.memory_space<vmem>>, vector<16xi32>,
      %get3A_161 = arith.constant 208 : index
      %get3A_162 = tpu.vector_load %arg11[%get3A_161] {strides = array<i32>} : memref<656xi32, #tpu.memory_space<vmem>>, vector<16xi32>,
      %get3A_163 = vector.shape_cast %get3A_162 : vector<16xi32> to vector<16xi32>
      %shift_right_logical3A_164 = arith.constant 1 : i32
      %shift_right_logical3A_165 = vector.broadcast %shift_right_logical3A_164 : i32 to vector<16xi32>
      %shift_right_logical3A_166 = arith.shrui %get3A_163, %shift_right_logical3A_165 : vector<16xi32>
      %swap3A_167 = arith.constant 208 : index
      %swap3A_168 = tpu.vector_load %arg13[%swap3A_167] {strides = array<i32>} : memref<640xi32, #tpu.memory_space<vmem>>, vector<16xi32>,
      %swap3A_169 = vector.shape_cast %swap3A_168 : vector<16xi32> to vector<16xi32>
      %swap3A_170 = vector.shape_cast %shift_right_logical3A_166 : vector<16xi32> to vector<16xi32>
      tpu.vector_store %arg13[%swap3A_167], %swap3A_170 {strides = array<i32>} : memref<640xi32, #tpu.memory_space<vmem>>, vector<16xi32>,
      %get3A_171 = arith.constant 224 : index
      %get3A_172 = tpu.vector_load %arg11[%get3A_171] {strides = array<i32>} : memref<656xi32, #tpu.memory_space<vmem>>, vector<16xi32>,
      %get3A_173 = vector.shape_cast %get3A_172 : vector<16xi32> to vector<16xi32>
      %shift_right_logical3A_174 = arith.constant 1 : i32
      %shift_right_logical3A_175 = vector.broadcast %shift_right_logical3A_174 : i32 to vector<16xi32>
      %shift_right_logical3A_176 = arith.shrui %get3A_173, %shift_right_logical3A_175 : vector<16xi32>
      %swap3A_177 = arith.constant 224 : index
      %swap3A_178 = tpu.vector_load %arg13[%swap3A_177] {strides = array<i32>} : memref<640xi32, #tpu.memory_space<vmem>>, vector<16xi32>,
      %swap3A_179 = vector.shape_cast %swap3A_178 : vector<16xi32> to vector<16xi32>
      %swap3A_180 = vector.shape_cast %shift_right_logical3A_176 : vector<16xi32> to vector<16xi32>
      tpu.vector_store %arg13[%swap3A_177], %swap3A_180 {strides = array<i32>} : memref<640xi32, #tpu.memory_space<vmem>>, vector<16xi32>,
      %get3A_181 = arith.constant 240 : index
      %get3A_182 = tpu.vector_load %arg11[%get3A_181] {strides = array<i32>} : memref<656xi32, #tpu.memory_space<vmem>>, vector<16xi32>,
      %get3A_183 = vector.shape_cast %get3A_182 : vector<16xi32> to vector<16xi32>
      %shift_right_logical3A_184 = arith.constant 1 : i32
      %shift_right_logical3A_185 = vector.broadcast %shift_right_logical3A_184 : i32 to vector<16xi32>
      %shift_right_logical3A_186 = arith.shrui %get3A_183, %shift_right_logical3A_185 : vector<16xi32>
      %swap3A_187 = arith.constant 240 : index
      %swap3A_188 = tpu.vector_load %arg13[%swap3A_187] {strides = array<i32>} : memref<640xi32, #tpu.memory_space<vmem>>, vector<16xi32>,
      %swap3A_189 = vector.shape_cast %swap3A_188 : vector<16xi32> to vector<16xi32>
      %swap3A_190 = vector.shape_cast %shift_right_logical3A_186 : vector<16xi32> to vector<16xi32>
      tpu.vector_store %arg13[%swap3A_187], %swap3A_190 {strides = array<i32>} : memref<640xi32, #tpu.memory_space<vmem>>, vector<16xi32>,
      %get3A_191 = arith.constant 256 : index
      %get3A_192 = tpu.vector_load %arg11[%get3A_191] {strides = array<i32>} : memref<656xi32, #tpu.memory_space<vmem>>, vector<16xi32>,
      %get3A_193 = vector.shape_cast %get3A_192 : vector<16xi32> to vector<16xi32>
      %shift_right_logical3A_194 = arith.constant 1 : i32
      %shift_right_logical3A_195 = vector.broadcast %shift_right_logical3A_194 : i32 to vector<16xi32>
      %shift_right_logical3A_196 = arith.shrui %get3A_193, %shift_right_logical3A_195 : vector<16xi32>
      %swap3A_197 = arith.constant 256 : index
      %swap3A_198 = tpu.vector_load %arg13[%swap3A_197] {strides = array<i32>} : memref<640xi32, #tpu.memory_space<vmem>>, vector<16xi32>,
      %swap3A_199 = vector.shape_cast %swap3A_198 : vector<16xi32> to vector<16xi32>
      %swap3A_200 = vector.shape_cast %shift_right_logical3A_196 : vector<16xi32> to vector<16xi32>
      tpu.vector_store %arg13[%swap3A_197], %swap3A_200 {strides = array<i32>} : memref<640xi32, #tpu.memory_space<vmem>>, vector<16xi32>,
      %get3A_201 = arith.constant 272 : index
      %get3A_202 = tpu.vector_load %arg11[%get3A_201] {strides = array<i32>} : memref<656xi32, #tpu.memory_space<vmem>>, vector<16xi32>,
      %get3A_203 = vector.shape_cast %get3A_202 : vector<16xi32> to vector<16xi32>
      %shift_right_logical3A_204 = arith.constant 1 : i32
      %shift_right_logical3A_205 = vector.broadcast %shift_right_logical3A_204 : i32 to vector<16xi32>
      %shift_right_logical3A_206 = arith.shrui %get3A_203, %shift_right_logical3A_205 : vector<16xi32>
      %swap3A_207 = arith.constant 272 : index
      %swap3A_208 = tpu.vector_load %arg13[%swap3A_207] {strides = array<i32>} : memref<640xi32, #tpu.memory_space<vmem>>, vector<16xi32>,
      %swap3A_209 = vector.shape_cast %swap3A_208 : vector<16xi32> to vector<16xi32>
      %swap3A_210 = vector.shape_cast %shift_right_logical3A_206 : vector<16xi32> to vector<16xi32>
      tpu.vector_store %arg13[%swap3A_207], %swap3A_210 {strides = array<i32>} : memref<640xi32, #tpu.memory_space<vmem>>, vector<16xi32>,
      %get3A_211 = arith.constant 288 : index
      %get3A_212 = tpu.vector_load %arg11[%get3A_211] {strides = array<i32>} : memref<656xi32, #tpu.memory_space<vmem>>, vector<16xi32>,
      %get3A_213 = vector.shape_cast %get3A_212 : vector<16xi32> to vector<16xi32>
      %shift_right_logical3A_214 = arith.constant 1 : i32
      %shift_right_logical3A_215 = vector.broadcast %shift_right_logical3A_214 : i32 to vector<16xi32>
      %shift_right_logical3A_216 = arith.shrui %get3A_213, %shift_right_logical3A_215 : vector<16xi32>
      %swap3A_217 = arith.constant 288 : index
      %swap3A_218 = tpu.vector_load %arg13[%swap3A_217] {strides = array<i32>} : memref<640xi32, #tpu.memory_space<vmem>>, vector<16xi32>,
      %swap3A_219 = vector.shape_cast %swap3A_218 : vector<16xi32> to vector<16xi32>
      %swap3A_220 = vector.shape_cast %shift_right_logical3A_216 : vector<16xi32> to vector<16xi32>
      tpu.vector_store %arg13[%swap3A_217], %swap3A_220 {strides = array<i32>} : memref<640xi32, #tpu.memory_space<vmem>>, vector<16xi32>,
      %get3A_221 = arith.constant 304 : index
      %get3A_222 = tpu.vector_load %arg11[%get3A_221] {strides = array<i32>} : memref<656xi32, #tpu.memory_space<vmem>>, vector<16xi32>,
      %get3A_223 = vector.shape_cast %get3A_222 : vector<16xi32> to vector<16xi32>
      %shift_right_logical3A_224 = arith.constant 1 : i32
      %shift_right_logical3A_225 = vector.broadcast %shift_right_logical3A_224 : i32 to vector<16xi32>
      %shift_right_logical3A_226 = arith.shrui %get3A_223, %shift_right_logical3A_225 : vector<16xi32>
      %swap3A_227 = arith.constant 304 : index
      %swap3A_228 = tpu.vector_load %arg13[%swap3A_227] {strides = array<i32>} : memref<640xi32, #tpu.memory_space<vmem>>, vector<16xi32>,
      %swap3A_229 = vector.shape_cast %swap3A_228 : vector<16xi32> to vector<16xi32>
      %swap3A_230 = vector.shape_cast %shift_right_logical3A_226 : vector<16xi32> to vector<16xi32>
      tpu.vector_store %arg13[%swap3A_227], %swap3A_230 {strides = array<i32>} : memref<640xi32, #tpu.memory_space<vmem>>, vector<16xi32>,
      %get3A_231 = arith.constant 320 : index
      %get3A_232 = tpu.vector_load %arg11[%get3A_231] {strides = array<i32>} : memref<656xi32, #tpu.memory_space<vmem>>, vector<16xi32>,
      %get3A_233 = vector.shape_cast %get3A_232 : vector<16xi32> to vector<16xi32>
      %shift_right_logical3A_234 = arith.constant 1 : i32
      %shift_right_logical3A_235 = vector.broadcast %shift_right_logical3A_234 : i32 to vector<16xi32>
      %shift_right_logical3A_236 = arith.shrui %get3A_233, %shift_right_logical3A_235 : vector<16xi32>
      %swap3A_237 = arith.constant 320 : index
      %swap3A_238 = tpu.vector_load %arg13[%swap3A_237] {strides = array<i32>} : memref<640xi32, #tpu.memory_space<vmem>>, vector<16xi32>,
      %swap3A_239 = vector.shape_cast %swap3A_238 : vector<16xi32> to vector<16xi32>
      %swap3A_240 = vector.shape_cast %shift_right_logical3A_236 : vector<16xi32> to vector<16xi32>
      tpu.vector_store %arg13[%swap3A_237], %swap3A_240 {strides = array<i32>} : memref<640xi32, #tpu.memory_space<vmem>>, vector<16xi32>,
      %get3A_241 = arith.constant 336 : index
      %get3A_242 = tpu.vector_load %arg11[%get3A_241] {strides = array<i32>} : memref<656xi32, #tpu.memory_space<vmem>>, vector<16xi32>,
      %get3A_243 = vector.shape_cast %get3A_242 : vector<16xi32> to vector<16xi32>
      %shift_right_logical3A_244 = arith.constant 1 : i32
      %shift_right_logical3A_245 = vector.broadcast %shift_right_logical3A_244 : i32 to vector<16xi32>
      %shift_right_logical3A_246 = arith.shrui %get3A_243, %shift_right_logical3A_245 : vector<16xi32>
      %swap3A_247 = arith.constant 336 : index
      %swap3A_248 = tpu.vector_load %arg13[%swap3A_247] {strides = array<i32>} : memref<640xi32, #tpu.memory_space<vmem>>, vector<16xi32>,
      %swap3A_249 = vector.shape_cast %swap3A_248 : vector<16xi32> to vector<16xi32>
      %swap3A_250 = vector.shape_cast %shift_right_logical3A_246 : vector<16xi32> to vector<16xi32>
      tpu.vector_store %arg13[%swap3A_247], %swap3A_250 {strides = array<i32>} : memref<640xi32, #tpu.memory_space<vmem>>, vector<16xi32>,
      %get3A_251 = arith.constant 352 : index
      %get3A_252 = tpu.vector_load %arg11[%get3A_251] {strides = array<i32>} : memref<656xi32, #tpu.memory_space<vmem>>, vector<16xi32>,
      %get3A_253 = vector.shape_cast %get3A_252 : vector<16xi32> to vector<16xi32>
      %shift_right_logical3A_254 = arith.constant 1 : i32
      %shift_right_logical3A_255 = vector.broadcast %shift_right_logical3A_254 : i32 to vector<16xi32>
      %shift_right_logical3A_256 = arith.shrui %get3A_253, %shift_right_logical3A_255 : vector<16xi32>
      %swap3A_257 = arith.constant 352 : index
      %swap3A_258 = tpu.vector_load %arg13[%swap3A_257] {strides = array<i32>} : memref<640xi32, #tpu.memory_space<vmem>>, vector<16xi32>,
      %swap3A_259 = vector.shape_cast %swap3A_258 : vector<16xi32> to vector<16xi32>
      %swap3A_260 = vector.shape_cast %shift_right_logical3A_256 : vector<16xi32> to vector<16xi32>
      tpu.vector_store %arg13[%swap3A_257], %swap3A_260 {strides = array<i32>} : memref<640xi32, #tpu.memory_space<vmem>>, vector<16xi32>,
      %get3A_261 = arith.constant 368 : index
      %get3A_262 = tpu.vector_load %arg11[%get3A_261] {strides = array<i32>} : memref<656xi32, #tpu.memory_space<vmem>>, vector<16xi32>,
      %get3A_263 = vector.shape_cast %get3A_262 : vector<16xi32> to vector<16xi32>
      %shift_right_logical3A_264 = arith.constant 1 : i32
      %shift_right_logical3A_265 = vector.broadcast %shift_right_logical3A_264 : i32 to vector<16xi32>
      %shift_right_logical3A_266 = arith.shrui %get3A_263, %shift_right_logical3A_265 : vector<16xi32>
      %swap3A_267 = arith.constant 368 : index
      %swap3A_268 = tpu.vector_load %arg13[%swap3A_267] {strides = array<i32>} : memref<640xi32, #tpu.memory_space<vmem>>, vector<16xi32>,
      %swap3A_269 = vector.shape_cast %swap3A_268 : vector<16xi32> to vector<16xi32>
      %swap3A_270 = vector.shape_cast %shift_right_logical3A_266 : vector<16xi32> to vector<16xi32>
      tpu.vector_store %arg13[%swap3A_267], %swap3A_270 {strides = array<i32>} : memref<640xi32, #tpu.memory_space<vmem>>, vector<16xi32>,
      %get3A_271 = arith.constant 384 : index
      %get3A_272 = tpu.vector_load %arg11[%get3A_271] {strides = array<i32>} : memref<656xi32, #tpu.memory_space<vmem>>, vector<16xi32>,
      %get3A_273 = vector.shape_cast %get3A_272 : vector<16xi32> to vector<16xi32>
      %shift_right_logical3A_274 = arith.constant 1 : i32
      %shift_right_logical3A_275 = vector.broadcast %shift_right_logical3A_274 : i32 to vector<16xi32>
      %shift_right_logical3A_276 = arith.shrui %get3A_273, %shift_right_logical3A_275 : vector<16xi32>
      %swap3A_277 = arith.constant 384 : index
      %swap3A_278 = tpu.vector_load %arg13[%swap3A_277] {strides = array<i32>} : memref<640xi32, #tpu.memory_space<vmem>>, vector<16xi32>,
      %swap3A_279 = vector.shape_cast %swap3A_278 : vector<16xi32> to vector<16xi32>
      %swap3A_280 = vector.shape_cast %shift_right_logical3A_276 : vector<16xi32> to vector<16xi32>
      tpu.vector_store %arg13[%swap3A_277], %swap3A_280 {strides = array<i32>} : memref<640xi32, #tpu.memory_space<vmem>>, vector<16xi32>,
      %get3A_281 = arith.constant 400 : index
      %get3A_282 = tpu.vector_load %arg11[%get3A_281] {strides = array<i32>} : memref<656xi32, #tpu.memory_space<vmem>>, vector<16xi32>,
      %get3A_283 = vector.shape_cast %get3A_282 : vector<16xi32> to vector<16xi32>
      %shift_right_logical3A_284 = arith.constant 1 : i32
      %shift_right_logical3A_285 = vector.broadcast %shift_right_logical3A_284 : i32 to vector<16xi32>
      %shift_right_logical3A_286 = arith.shrui %get3A_283, %shift_right_logical3A_285 : vector<16xi32>
      %swap3A_287 = arith.constant 400 : index
      %swap3A_288 = tpu.vector_load %arg13[%swap3A_287] {strides = array<i32>} : memref<640xi32, #tpu.memory_space<vmem>>, vector<16xi32>,
      %swap3A_289 = vector.shape_cast %swap3A_288 : vector<16xi32> to vector<16xi32>
      %swap3A_290 = vector.shape_cast %shift_right_logical3A_286 : vector<16xi32> to vector<16xi32>
      tpu.vector_store %arg13[%swap3A_287], %swap3A_290 {strides = array<i32>} : memref<640xi32, #tpu.memory_space<vmem>>, vector<16xi32>,
      %get3A_291 = arith.constant 416 : index
      %get3A_292 = tpu.vector_load %arg11[%get3A_291] {strides = array<i32>} : memref<656xi32, #tpu.memory_space<vmem>>, vector<16xi32>,
      %get3A_293 = vector.shape_cast %get3A_292 : vector<16xi32> to vector<16xi32>
      %shift_right_logical3A_294 = arith.constant 1 : i32
      %shift_right_logical3A_295 = vector.broadcast %shift_right_logical3A_294 : i32 to vector<16xi32>
      %shift_right_logical3A_296 = arith.shrui %get3A_293, %shift_right_logical3A_295 : vector<16xi32>
      %swap3A_297 = arith.constant 416 : index
      %swap3A_298 = tpu.vector_load %arg13[%swap3A_297] {strides = array<i32>} : memref<640xi32, #tpu.memory_space<vmem>>, vector<16xi32>,
      %swap3A_299 = vector.shape_cast %swap3A_298 : vector<16xi32> to vector<16xi32>
      %swap3A_300 = vector.shape_cast %shift_right_logical3A_296 : vector<16xi32> to vector<16xi32>
      tpu.vector_store %arg13[%swap3A_297], %swap3A_300 {strides = array<i32>} : memref<640xi32, #tpu.memory_space<vmem>>, vector<16xi32>,
      %get3A_301 = arith.constant 432 : index
      %get3A_302 = tpu.vector_load %arg11[%get3A_301] {strides = array<i32>} : memref<656xi32, #tpu.memory_space<vmem>>, vector<16xi32>,
      %get3A_303 = vector.shape_cast %get3A_302 : vector<16xi32> to vector<16xi32>
      %shift_right_logical3A_304 = arith.constant 1 : i32
      %shift_right_logical3A_305 = vector.broadcast %shift_right_logical3A_304 : i32 to vector<16xi32>
      %shift_right_logical3A_306 = arith.shrui %get3A_303, %shift_right_logical3A_305 : vector<16xi32>
      %swap3A_307 = arith.constant 432 : index
      %swap3A_308 = tpu.vector_load %arg13[%swap3A_307] {strides = array<i32>} : memref<640xi32, #tpu.memory_space<vmem>>, vector<16xi32>,
      %swap3A_309 = vector.shape_cast %swap3A_308 : vector<16xi32> to vector<16xi32>
      %swap3A_310 = vector.shape_cast %shift_right_logical3A_306 : vector<16xi32> to vector<16xi32>
      tpu.vector_store %arg13[%swap3A_307], %swap3A_310 {strides = array<i32>} : memref<640xi32, #tpu.memory_space<vmem>>, vector<16xi32>,
      %get3A_311 = arith.constant 448 : index
      %get3A_312 = tpu.vector_load %arg11[%get3A_311] {strides = array<i32>} : memref<656xi32, #tpu.memory_space<vmem>>, vector<16xi32>,
      %get3A_313 = vector.shape_cast %get3A_312 : vector<16xi32> to vector<16xi32>
      %shift_right_logical3A_314 = arith.constant 1 : i32
      %shift_right_logical3A_315 = vector.broadcast %shift_right_logical3A_314 : i32 to vector<16xi32>
      %shift_right_logical3A_316 = arith.shrui %get3A_313, %shift_right_logical3A_315 : vector<16xi32>
      %swap3A_317 = arith.constant 448 : index
      %swap3A_318 = tpu.vector_load %arg13[%swap3A_317] {strides = array<i32>} : memref<640xi32, #tpu.memory_space<vmem>>, vector<16xi32>,
      %swap3A_319 = vector.shape_cast %swap3A_318 : vector<16xi32> to vector<16xi32>
      %swap3A_320 = vector.shape_cast %shift_right_logical3A_316 : vector<16xi32> to vector<16xi32>
      tpu.vector_store %arg13[%swap3A_317], %swap3A_320 {strides = array<i32>} : memref<640xi32, #tpu.memory_space<vmem>>, vector<16xi32>,
      %get3A_321 = arith.constant 464 : index
      %get3A_322 = tpu.vector_load %arg11[%get3A_321] {strides = array<i32>} : memref<656xi32, #tpu.memory_space<vmem>>, vector<16xi32>,
      %get3A_323 = vector.shape_cast %get3A_322 : vector<16xi32> to vector<16xi32>
      %shift_right_logical3A_324 = arith.constant 1 : i32
      %shift_right_logical3A_325 = vector.broadcast %shift_right_logical3A_324 : i32 to vector<16xi32>
      %shift_right_logical3A_326 = arith.shrui %get3A_323, %shift_right_logical3A_325 : vector<16xi32>
      %swap3A_327 = arith.constant 464 : index
      %swap3A_328 = tpu.vector_load %arg13[%swap3A_327] {strides = array<i32>} : memref<640xi32, #tpu.memory_space<vmem>>, vector<16xi32>,
      %swap3A_329 = vector.shape_cast %swap3A_328 : vector<16xi32> to vector<16xi32>
      %swap3A_330 = vector.shape_cast %shift_right_logical3A_326 : vector<16xi32> to vector<16xi32>
      tpu.vector_store %arg13[%swap3A_327], %swap3A_330 {strides = array<i32>} : memref<640xi32, #tpu.memory_space<vmem>>, vector<16xi32>,
      %get3A_331 = arith.constant 480 : index
      %get3A_332 = tpu.vector_load %arg11[%get3A_331] {strides = array<i32>} : memref<656xi32, #tpu.memory_space<vmem>>, vector<16xi32>,
      %get3A_333 = vector.shape_cast %get3A_332 : vector<16xi32> to vector<16xi32>
      %shift_right_logical3A_334 = arith.constant 1 : i32
      %shift_right_logical3A_335 = vector.broadcast %shift_right_logical3A_334 : i32 to vector<16xi32>
      %shift_right_logical3A_336 = arith.shrui %get3A_333, %shift_right_logical3A_335 : vector<16xi32>
      %swap3A_337 = arith.constant 480 : index
      %swap3A_338 = tpu.vector_load %arg13[%swap3A_337] {strides = array<i32>} : memref<640xi32, #tpu.memory_space<vmem>>, vector<16xi32>,
      %swap3A_339 = vector.shape_cast %swap3A_338 : vector<16xi32> to vector<16xi32>
      %swap3A_340 = vector.shape_cast %shift_right_logical3A_336 : vector<16xi32> to vector<16xi32>
      tpu.vector_store %arg13[%swap3A_337], %swap3A_340 {strides = array<i32>} : memref<640xi32, #tpu.memory_space<vmem>>, vector<16xi32>,
      %get3A_341 = arith.constant 496 : index
      %get3A_342 = tpu.vector_load %arg11[%get3A_341] {strides = array<i32>} : memref<656xi32, #tpu.memory_space<vmem>>, vector<16xi32>,
      %get3A_343 = vector.shape_cast %get3A_342 : vector<16xi32> to vector<16xi32>
      %shift_right_logical3A_344 = arith.constant 1 : i32
      %shift_right_logical3A_345 = vector.broadcast %shift_right_logical3A_344 : i32 to vector<16xi32>
      %shift_right_logical3A_346 = arith.shrui %get3A_343, %shift_right_logical3A_345 : vector<16xi32>
      %swap3A_347 = arith.constant 496 : index
      %swap3A_348 = tpu.vector_load %arg13[%swap3A_347] {strides = array<i32>} : memref<640xi32, #tpu.memory_space<vmem>>, vector<16xi32>,
      %swap3A_349 = vector.shape_cast %swap3A_348 : vector<16xi32> to vector<16xi32>
      %swap3A_350 = vector.shape_cast %shift_right_logical3A_346 : vector<16xi32> to vector<16xi32>
      tpu.vector_store %arg13[%swap3A_347], %swap3A_350 {strides = array<i32>} : memref<640xi32, #tpu.memory_space<vmem>>, vector<16xi32>,
      %get3A_351 = arith.constant 512 : index
      %get3A_352 = tpu.vector_load %arg11[%get3A_351] {strides = array<i32>} : memref<656xi32, #tpu.memory_space<vmem>>, vector<16xi32>,
      %get3A_353 = vector.shape_cast %get3A_352 : vector<16xi32> to vector<16xi32>
      %shift_right_logical3A_354 = arith.constant 1 : i32
      %shift_right_logical3A_355 = vector.broadcast %shift_right_logical3A_354 : i32 to vector<16xi32>
      %shift_right_logical3A_356 = arith.shrui %get3A_353, %shift_right_logical3A_355 : vector<16xi32>
      %swap3A_357 = arith.constant 512 : index
      %swap3A_358 = tpu.vector_load %arg13[%swap3A_357] {strides = array<i32>} : memref<640xi32, #tpu.memory_space<vmem>>, vector<16xi32>,
      %swap3A_359 = vector.shape_cast %swap3A_358 : vector<16xi32> to vector<16xi32>
      %swap3A_360 = vector.shape_cast %shift_right_logical3A_356 : vector<16xi32> to vector<16xi32>
      tpu.vector_store %arg13[%swap3A_357], %swap3A_360 {strides = array<i32>} : memref<640xi32, #tpu.memory_space<vmem>>, vector<16xi32>,
      %get3A_361 = arith.constant 528 : index
      %get3A_362 = tpu.vector_load %arg11[%get3A_361] {strides = array<i32>} : memref<656xi32, #tpu.memory_space<vmem>>, vector<16xi32>,
      %get3A_363 = vector.shape_cast %get3A_362 : vector<16xi32> to vector<16xi32>
      %shift_right_logical3A_364 = arith.constant 1 : i32
      %shift_right_logical3A_365 = vector.broadcast %shift_right_logical3A_364 : i32 to vector<16xi32>
      %shift_right_logical3A_366 = arith.shrui %get3A_363, %shift_right_logical3A_365 : vector<16xi32>
      %swap3A_367 = arith.constant 528 : index
      %swap3A_368 = tpu.vector_load %arg13[%swap3A_367] {strides = array<i32>} : memref<640xi32, #tpu.memory_space<vmem>>, vector<16xi32>,
      %swap3A_369 = vector.shape_cast %swap3A_368 : vector<16xi32> to vector<16xi32>
      %swap3A_370 = vector.shape_cast %shift_right_logical3A_366 : vector<16xi32> to vector<16xi32>
      tpu.vector_store %arg13[%swap3A_367], %swap3A_370 {strides = array<i32>} : memref<640xi32, #tpu.memory_space<vmem>>, vector<16xi32>,
      %get3A_371 = arith.constant 544 : index
      %get3A_372 = tpu.vector_load %arg11[%get3A_371] {strides = array<i32>} : memref<656xi32, #tpu.memory_space<vmem>>, vector<16xi32>,
      %get3A_373 = vector.shape_cast %get3A_372 : vector<16xi32> to vector<16xi32>
      %shift_right_logical3A_374 = arith.constant 1 : i32
      %shift_right_logical3A_375 = vector.broadcast %shift_right_logical3A_374 : i32 to vector<16xi32>
      %shift_right_logical3A_376 = arith.shrui %get3A_373, %shift_right_logical3A_375 : vector<16xi32>
      %swap3A_377 = arith.constant 544 : index
      %swap3A_378 = tpu.vector_load %arg13[%swap3A_377] {strides = array<i32>} : memref<640xi32, #tpu.memory_space<vmem>>, vector<16xi32>,
      %swap3A_379 = vector.shape_cast %swap3A_378 : vector<16xi32> to vector<16xi32>
      %swap3A_380 = vector.shape_cast %shift_right_logical3A_376 : vector<16xi32> to vector<16xi32>
      tpu.vector_store %arg13[%swap3A_377], %swap3A_380 {strides = array<i32>} : memref<640xi32, #tpu.memory_space<vmem>>, vector<16xi32>,
      %get3A_381 = arith.constant 560 : index
      %get3A_382 = tpu.vector_load %arg11[%get3A_381] {strides = array<i32>} : memref<656xi32, #tpu.memory_space<vmem>>, vector<16xi32>,
      %get3A_383 = vector.shape_cast %get3A_382 : vector<16xi32> to vector<16xi32>
      %shift_right_logical3A_384 = arith.constant 1 : i32
      %shift_right_logical3A_385 = vector.broadcast %shift_right_logical3A_384 : i32 to vector<16xi32>
      %shift_right_logical3A_386 = arith.shrui %get3A_383, %shift_right_logical3A_385 : vector<16xi32>
      %swap3A_387 = arith.constant 560 : index
      %swap3A_388 = tpu.vector_load %arg13[%swap3A_387] {strides = array<i32>} : memref<640xi32, #tpu.memory_space<vmem>>, vector<16xi32>,
      %swap3A_389 = vector.shape_cast %swap3A_388 : vector<16xi32> to vector<16xi32>
      %swap3A_390 = vector.shape_cast %shift_right_logical3A_386 : vector<16xi32> to vector<16xi32>
      tpu.vector_store %arg13[%swap3A_387], %swap3A_390 {strides = array<i32>} : memref<640xi32, #tpu.memory_space<vmem>>, vector<16xi32>,
      %get3A_391 = arith.constant 576 : index
      %get3A_392 = tpu.vector_load %arg11[%get3A_391] {strides = array<i32>} : memref<656xi32, #tpu.memory_space<vmem>>, vector<16xi32>,
      %get3A_393 = vector.shape_cast %get3A_392 : vector<16xi32> to vector<16xi32>
      %shift_right_logical3A_394 = arith.constant 1 : i32
      %shift_right_logical3A_395 = vector.broadcast %shift_right_logical3A_394 : i32 to vector<16xi32>
      %shift_right_logical3A_396 = arith.shrui %get3A_393, %shift_right_logical3A_395 : vector<16xi32>
      %swap3A_397 = arith.constant 576 : index
      %swap3A_398 = tpu.vector_load %arg13[%swap3A_397] {strides = array<i32>} : memref<640xi32, #tpu.memory_space<vmem>>, vector<16xi32>,
      %swap3A_399 = vector.shape_cast %swap3A_398 : vector<16xi32> to vector<16xi32>
      %swap3A_400 = vector.shape_cast %shift_right_logical3A_396 : vector<16xi32> to vector<16xi32>
      tpu.vector_store %arg13[%swap3A_397], %swap3A_400 {strides = array<i32>} : memref<640xi32, #tpu.memory_space<vmem>>, vector<16xi32>,
      %get3A_401 = arith.constant 592 : index
      %get3A_402 = tpu.vector_load %arg11[%get3A_401] {strides = array<i32>} : memref<656xi32, #tpu.memory_space<vmem>>, vector<16xi32>,
      %get3A_403 = vector.shape_cast %get3A_402 : vector<16xi32> to vector<16xi32>
      %shift_right_logical3A_404 = arith.constant 1 : i32
      %shift_right_logical3A_405 = vector.broadcast %shift_right_logical3A_404 : i32 to vector<16xi32>
      %shift_right_logical3A_406 = arith.shrui %get3A_403, %shift_right_logical3A_405 : vector<16xi32>
      %swap3A_407 = arith.constant 592 : index
      %swap3A_408 = tpu.vector_load %arg13[%swap3A_407] {strides = array<i32>} : memref<640xi32, #tpu.memory_space<vmem>>, vector<16xi32>,
      %swap3A_409 = vector.shape_cast %swap3A_408 : vector<16xi32> to vector<16xi32>
      %swap3A_410 = vector.shape_cast %shift_right_logical3A_406 : vector<16xi32> to vector<16xi32>
      tpu.vector_store %arg13[%swap3A_407], %swap3A_410 {strides = array<i32>} : memref<640xi32, #tpu.memory_space<vmem>>, vector<16xi32>,
      %get3A_411 = arith.constant 608 : index
      %get3A_412 = tpu.vector_load %arg11[%get3A_411] {strides = array<i32>} : memref<656xi32, #tpu.memory_space<vmem>>, vector<16xi32>,
      %get3A_413 = vector.shape_cast %get3A_412 : vector<16xi32> to vector<16xi32>
      %shift_right_logical3A_414 = arith.constant 1 : i32
      %shift_right_logical3A_415 = vector.broadcast %shift_right_logical3A_414 : i32 to vector<16xi32>
      %shift_right_logical3A_416 = arith.shrui %get3A_413, %shift_right_logical3A_415 : vector<16xi32>
      %swap3A_417 = arith.constant 608 : index
      %swap3A_418 = tpu.vector_load %arg13[%swap3A_417] {strides = array<i32>} : memref<640xi32, #tpu.memory_space<vmem>>, vector<16xi32>,
      %swap3A_419 = vector.shape_cast %swap3A_418 : vector<16xi32> to vector<16xi32>
      %swap3A_420 = vector.shape_cast %shift_right_logical3A_416 : vector<16xi32> to vector<16xi32>
      tpu.vector_store %arg13[%swap3A_417], %swap3A_420 {strides = array<i32>} : memref<640xi32, #tpu.memory_space<vmem>>, vector<16xi32>,
      %get3A_421 = arith.constant 624 : index
      %get3A_422 = tpu.vector_load %arg11[%get3A_421] {strides = array<i32>} : memref<656xi32, #tpu.memory_space<vmem>>, vector<16xi32>,
      %get3A_423 = vector.shape_cast %get3A_422 : vector<16xi32> to vector<16xi32>
      %shift_right_logical3A_424 = arith.constant 1 : i32
      %shift_right_logical3A_425 = vector.broadcast %shift_right_logical3A_424 : i32 to vector<16xi32>
      %shift_right_logical3A_426 = arith.shrui %get3A_423, %shift_right_logical3A_425 : vector<16xi32>
      %swap3A_427 = arith.constant 624 : index
      %swap3A_428 = tpu.vector_load %arg13[%swap3A_427] {strides = array<i32>} : memref<640xi32, #tpu.memory_space<vmem>>, vector<16xi32>,
      %swap3A_429 = vector.shape_cast %swap3A_428 : vector<16xi32> to vector<16xi32>
      %swap3A_430 = vector.shape_cast %shift_right_logical3A_426 : vector<16xi32> to vector<16xi32>
      tpu.vector_store %arg13[%swap3A_427], %swap3A_430 {strides = array<i32>} : memref<640xi32, #tpu.memory_space<vmem>>, vector<16xi32>,
      %dma_start3A = arith.constant 0 : i32
      %dma_start3A_431 = arith.constant 0 : i32
      %dma_start3A_432 = tpu.memref_slice %arg6[%dma_start3A, %dma_start3A_431] : memref<500000x128xf32, #tpu.memory_space<hbm>> -> memref<500000x128xf32, #tpu.memory_space<hbm>>
      tpu.enqueue_indirect_dma source(%dma_start3A_432 : memref<500000x128xf32, #tpu.memory_space<hbm>>) target(%arg15 : memref<32x128xf32, #tpu.memory_space<vmem>>) offsets(%arg12 : memref<32xi32, #tpu.memory_space<vmem>>) semaphore(%arg19 : memref<!tpu.dma_semaphore, #tpu.memory_space<semaphore_mem>>)
      %dma_start3A_433 = arith.constant 0 : i32
      %dma_start3A_434 = arith.constant 0 : i32
      %dma_start3A_435 = tpu.memref_slice %arg16[%dma_start3A_433, %dma_start3A_434] : memref<640x128xf32, #tpu.memory_space<vmem>> -> memref<128x128xf32, #tpu.memory_space<vmem>>
      %dma_start3A_436 = arith.constant 0 : i32
      %dma_start3A_437 = tpu.memref_slice %arg13[%dma_start3A_436] : memref<640xi32, #tpu.memory_space<vmem>> -> memref<128xi32, #tpu.memory_space<vmem>>
      %dma_start3A_438 = arith.constant 0 : i32
      %dma_start3A_439 = arith.constant 0 : i32
      %dma_start3A_440 = tpu.memref_slice %arg6[%dma_start3A_438, %dma_start3A_439] : memref<500000x128xf32, #tpu.memory_space<hbm>> -> memref<500000x128xf32, #tpu.memory_space<hbm>>
      tpu.enqueue_indirect_dma source(%dma_start3A_440 : memref<500000x128xf32, #tpu.memory_space<hbm>>) target(%dma_start3A_435 : memref<128x128xf32, #tpu.memory_space<vmem>>) offsets(%dma_start3A_437 : memref<128xi32, #tpu.memory_space<vmem>>) semaphore(%arg19 : memref<!tpu.dma_semaphore, #tpu.memory_space<semaphore_mem>>)
      %dma_start3A_441 = arith.constant 128 : i32
      %dma_start3A_442 = arith.constant 0 : i32
      %dma_start3A_443 = tpu.memref_slice %arg16[%dma_start3A_441, %dma_start3A_442] : memref<640x128xf32, #tpu.memory_space<vmem>> -> memref<128x128xf32, #tpu.memory_space<vmem>>
      %dma_start3A_444 = arith.constant 128 : i32
      %dma_start3A_445 = tpu.memref_slice %arg13[%dma_start3A_444] : memref<640xi32, #tpu.memory_space<vmem>> -> memref<128xi32, #tpu.memory_space<vmem>>
      %dma_start3A_446 = arith.constant 0 : i32
      %dma_start3A_447 = arith.constant 0 : i32
      %dma_start3A_448 = tpu.memref_slice %arg6[%dma_start3A_446, %dma_start3A_447] : memref<500000x128xf32, #tpu.memory_space<hbm>> -> memref<500000x128xf32, #tpu.memory_space<hbm>>
      tpu.enqueue_indirect_dma source(%dma_start3A_448 : memref<500000x128xf32, #tpu.memory_space<hbm>>) target(%dma_start3A_443 : memref<128x128xf32, #tpu.memory_space<vmem>>) offsets(%dma_start3A_445 : memref<128xi32, #tpu.memory_space<vmem>>) semaphore(%arg19 : memref<!tpu.dma_semaphore, #tpu.memory_space<semaphore_mem>>)
      %dma_start3A_449 = arith.constant 256 : i32
      %dma_start3A_450 = arith.constant 0 : i32
      %dma_start3A_451 = tpu.memref_slice %arg16[%dma_start3A_449, %dma_start3A_450] : memref<640x128xf32, #tpu.memory_space<vmem>> -> memref<128x128xf32, #tpu.memory_space<vmem>>
      %dma_start3A_452 = arith.constant 256 : i32
      %dma_start3A_453 = tpu.memref_slice %arg13[%dma_start3A_452] : memref<640xi32, #tpu.memory_space<vmem>> -> memref<128xi32, #tpu.memory_space<vmem>>
      %dma_start3A_454 = arith.constant 0 : i32
      %dma_start3A_455 = arith.constant 0 : i32
      %dma_start3A_456 = tpu.memref_slice %arg6[%dma_start3A_454, %dma_start3A_455] : memref<500000x128xf32, #tpu.memory_space<hbm>> -> memref<500000x128xf32, #tpu.memory_space<hbm>>
      tpu.enqueue_indirect_dma source(%dma_start3A_456 : memref<500000x128xf32, #tpu.memory_space<hbm>>) target(%dma_start3A_451 : memref<128x128xf32, #tpu.memory_space<vmem>>) offsets(%dma_start3A_453 : memref<128xi32, #tpu.memory_space<vmem>>) semaphore(%arg19 : memref<!tpu.dma_semaphore, #tpu.memory_space<semaphore_mem>>)
      %dma_start3A_457 = arith.constant 384 : i32
      %dma_start3A_458 = arith.constant 0 : i32
      %dma_start3A_459 = tpu.memref_slice %arg16[%dma_start3A_457, %dma_start3A_458] : memref<640x128xf32, #tpu.memory_space<vmem>> -> memref<128x128xf32, #tpu.memory_space<vmem>>
      %dma_start3A_460 = arith.constant 384 : i32
      %dma_start3A_461 = tpu.memref_slice %arg13[%dma_start3A_460] : memref<640xi32, #tpu.memory_space<vmem>> -> memref<128xi32, #tpu.memory_space<vmem>>
      %dma_start3A_462 = arith.constant 0 : i32
      %dma_start3A_463 = arith.constant 0 : i32
      %dma_start3A_464 = tpu.memref_slice %arg6[%dma_start3A_462, %dma_start3A_463] : memref<500000x128xf32, #tpu.memory_space<hbm>> -> memref<500000x128xf32, #tpu.memory_space<hbm>>
      tpu.enqueue_indirect_dma source(%dma_start3A_464 : memref<500000x128xf32, #tpu.memory_space<hbm>>) target(%dma_start3A_459 : memref<128x128xf32, #tpu.memory_space<vmem>>) offsets(%dma_start3A_461 : memref<128xi32, #tpu.memory_space<vmem>>) semaphore(%arg19 : memref<!tpu.dma_semaphore, #tpu.memory_space<semaphore_mem>>)
      %dma_start3A_465 = arith.constant 512 : i32
      %dma_start3A_466 = arith.constant 0 : i32
      %dma_start3A_467 = tpu.memref_slice %arg16[%dma_start3A_465, %dma_start3A_466] : memref<640x128xf32, #tpu.memory_space<vmem>> -> memref<128x128xf32, #tpu.memory_space<vmem>>
      %dma_start3A_468 = arith.constant 512 : i32
      %dma_start3A_469 = tpu.memref_slice %arg13[%dma_start3A_468] : memref<640xi32, #tpu.memory_space<vmem>> -> memref<128xi32, #tpu.memory_space<vmem>>
      %dma_start3A_470 = arith.constant 0 : i32
      %dma_start3A_471 = arith.constant 0 : i32
      %dma_start3A_472 = tpu.memref_slice %arg6[%dma_start3A_470, %dma_start3A_471] : memref<500000x128xf32, #tpu.memory_space<hbm>> -> memref<500000x128xf32, #tpu.memory_space<hbm>>
      tpu.enqueue_indirect_dma source(%dma_start3A_472 : memref<500000x128xf32, #tpu.memory_space<hbm>>) target(%dma_start3A_467 : memref<128x128xf32, #tpu.memory_space<vmem>>) offsets(%dma_start3A_469 : memref<128xi32, #tpu.memory_space<vmem>>) semaphore(%arg19 : memref<!tpu.dma_semaphore, #tpu.memory_space<semaphore_mem>>)
      %get3A_473 = arith.constant 0 : index
      %get3A_474 = tpu.vector_load %arg9[%get3A_473] {strides = array<i32>} : memref<48xi32, #tpu.memory_space<vmem>>, vector<16xi32>,
      %get3A_475 = vector.shape_cast %get3A_474 : vector<16xi32> to vector<16xi32>
      %slice3A = vector.extract_strided_slice %get3A_475 {offsets = [0], sizes = [1], strides = [1]} : vector<16xi32> to vector<1xi32>
      %squeeze3A = vector.extract %slice3A[0] : i32 from vector<1xi32>
      %shift_right_logical3A_476 = arith.constant 3 : i32
      %shift_right_logical3A_477 = arith.shrui %squeeze3A, %shift_right_logical3A_476 : i32
      %shift_left3A = arith.constant 3 : i32
      %shift_left3A_478 = arith.shli %shift_right_logical3A_477, %shift_left3A : i32
      %multiple_of3A = tpu.assume_multiple %shift_left3A_478, 8 : i32
      %dma_start3A_479 = arith.constant 0 : i32
      %dma_start3A_480 = arith.constant 0 : i32
      %dma_start3A_481 = tpu.memref_slice %arg14[%dma_start3A_479, %dma_start3A_480] : memref<256x64xf32, #tpu.memory_space<vmem>> -> memref<8x64xf32, #tpu.memory_space<vmem>>
      %dma_start3A_482 = arith.constant 0 : i32
      %dma_start3A_483 = tpu.memref_slice %arg5[%multiple_of3A, %dma_start3A_482] : memref<1000000x64xf32, #tpu.memory_space<hbm>> -> memref<8x64xf32, #tpu.memory_space<hbm>>
      %dma_start3A_484 = arith.constant 0 : i32
      %dma_start3A_485 = arith.constant 0 : i32
      %dma_start3A_486 = tpu.memref_slice %arg14[%dma_start3A_484, %dma_start3A_485] : memref<256x64xf32, #tpu.memory_space<vmem>> -> memref<8x64xf32, #tpu.memory_space<vmem>>
      %dma_start3A_487 = arith.constant 0 : i32
      %dma_start3A_488 = tpu.memref_slice %arg5[%multiple_of3A, %dma_start3A_487] : memref<1000000x64xf32, #tpu.memory_space<hbm>> -> memref<8x64xf32, #tpu.memory_space<hbm>>
      tpu.enqueue_dma source(%dma_start3A_488 : memref<8x64xf32, #tpu.memory_space<hbm>>) target(%dma_start3A_486 : memref<8x64xf32, #tpu.memory_space<vmem>>) target_semaphore(%arg19 : memref<!tpu.dma_semaphore, #tpu.memory_space<semaphore_mem>>)
      %get3A_489 = arith.constant 1 : index
      %get3A_490 = tpu.vector_load %arg9[%get3A_489] {strides = array<i32>} : memref<48xi32, #tpu.memory_space<vmem>>, vector<16xi32>,
      %get3A_491 = vector.shape_cast %get3A_490 : vector<16xi32> to vector<16xi32>
      %slice3A_492 = vector.extract_strided_slice %get3A_491 {offsets = [0], sizes = [1], strides = [1]} : vector<16xi32> to vector<1xi32>
      %squeeze3A_493 = vector.extract %slice3A_492[0] : i32 from vector<1xi32>
      %shift_right_logical3A_494 = arith.constant 3 : i32
      %shift_right_logical3A_495 = arith.shrui %squeeze3A_493, %shift_right_logical3A_494 : i32
      %shift_left3A_496 = arith.constant 3 : i32
      %shift_left3A_497 = arith.shli %shift_right_logical3A_495, %shift_left3A_496 : i32
      %multiple_of3A_498 = tpu.assume_multiple %shift_left3A_497, 8 : i32
      %dma_start3A_499 = arith.constant 8 : i32
      %dma_start3A_500 = arith.constant 0 : i32
      %dma_start3A_501 = tpu.memref_slice %arg14[%dma_start3A_499, %dma_start3A_500] : memref<256x64xf32, #tpu.memory_space<vmem>> -> memref<8x64xf32, #tpu.memory_space<vmem>>
      %dma_start3A_502 = arith.constant 0 : i32
      %dma_start3A_503 = tpu.memref_slice %arg5[%multiple_of3A_498, %dma_start3A_502] : memref<1000000x64xf32, #tpu.memory_space<hbm>> -> memref<8x64xf32, #tpu.memory_space<hbm>>
      %dma_start3A_504 = arith.constant 8 : i32
      %dma_start3A_505 = arith.constant 0 : i32
      %dma_start3A_506 = tpu.memref_slice %arg14[%dma_start3A_504, %dma_start3A_505] : memref<256x64xf32, #tpu.memory_space<vmem>> -> memref<8x64xf32, #tpu.memory_space<vmem>>
      %dma_start3A_507 = arith.constant 0 : i32
      %dma_start3A_508 = tpu.memref_slice %arg5[%multiple_of3A_498, %dma_start3A_507] : memref<1000000x64xf32, #tpu.memory_space<hbm>> -> memref<8x64xf32, #tpu.memory_space<hbm>>
      tpu.enqueue_dma source(%dma_start3A_508 : memref<8x64xf32, #tpu.memory_space<hbm>>) target(%dma_start3A_506 : memref<8x64xf32, #tpu.memory_space<vmem>>) target_semaphore(%arg19 : memref<!tpu.dma_semaphore, #tpu.memory_space<semaphore_mem>>)
      %get3A_509 = arith.constant 2 : index
      %get3A_510 = tpu.vector_load %arg9[%get3A_509] {strides = array<i32>} : memref<48xi32, #tpu.memory_space<vmem>>, vector<16xi32>,
      %get3A_511 = vector.shape_cast %get3A_510 : vector<16xi32> to vector<16xi32>
      %slice3A_512 = vector.extract_strided_slice %get3A_511 {offsets = [0], sizes = [1], strides = [1]} : vector<16xi32> to vector<1xi32>
      %squeeze3A_513 = vector.extract %slice3A_512[0] : i32 from vector<1xi32>
      %shift_right_logical3A_514 = arith.constant 3 : i32
      %shift_right_logical3A_515 = arith.shrui %squeeze3A_513, %shift_right_logical3A_514 : i32
      %shift_left3A_516 = arith.constant 3 : i32
      %shift_left3A_517 = arith.shli %shift_right_logical3A_515, %shift_left3A_516 : i32
      %multiple_of3A_518 = tpu.assume_multiple %shift_left3A_517, 8 : i32
      %dma_start3A_519 = arith.constant 16 : i32
      %dma_start3A_520 = arith.constant 0 : i32
      %dma_start3A_521 = tpu.memref_slice %arg14[%dma_start3A_519, %dma_start3A_520] : memref<256x64xf32, #tpu.memory_space<vmem>> -> memref<8x64xf32, #tpu.memory_space<vmem>>
      %dma_start3A_522 = arith.constant 0 : i32
      %dma_start3A_523 = tpu.memref_slice %arg5[%multiple_of3A_518, %dma_start3A_522] : memref<1000000x64xf32, #tpu.memory_space<hbm>> -> memref<8x64xf32, #tpu.memory_space<hbm>>
      %dma_start3A_524 = arith.constant 16 : i32
      %dma_start3A_525 = arith.constant 0 : i32
      %dma_start3A_526 = tpu.memref_slice %arg14[%dma_start3A_524, %dma_start3A_525] : memref<256x64xf32, #tpu.memory_space<vmem>> -> memref<8x64xf32, #tpu.memory_space<vmem>>
      %dma_start3A_527 = arith.constant 0 : i32
      %dma_start3A_528 = tpu.memref_slice %arg5[%multiple_of3A_518, %dma_start3A_527] : memref<1000000x64xf32, #tpu.memory_space<hbm>> -> memref<8x64xf32, #tpu.memory_space<hbm>>
      tpu.enqueue_dma source(%dma_start3A_528 : memref<8x64xf32, #tpu.memory_space<hbm>>) target(%dma_start3A_526 : memref<8x64xf32, #tpu.memory_space<vmem>>) target_semaphore(%arg19 : memref<!tpu.dma_semaphore, #tpu.memory_space<semaphore_mem>>)
      %get3A_529 = arith.constant 3 : index
      %get3A_530 = tpu.vector_load %arg9[%get3A_529] {strides = array<i32>} : memref<48xi32, #tpu.memory_space<vmem>>, vector<16xi32>,
      %get3A_531 = vector.shape_cast %get3A_530 : vector<16xi32> to vector<16xi32>
      %slice3A_532 = vector.extract_strided_slice %get3A_531 {offsets = [0], sizes = [1], strides = [1]} : vector<16xi32> to vector<1xi32>
      %squeeze3A_533 = vector.extract %slice3A_532[0] : i32 from vector<1xi32>
      %shift_right_logical3A_534 = arith.constant 3 : i32
      %shift_right_logical3A_535 = arith.shrui %squeeze3A_533, %shift_right_logical3A_534 : i32
      %shift_left3A_536 = arith.constant 3 : i32
      %shift_left3A_537 = arith.shli %shift_right_logical3A_535, %shift_left3A_536 : i32
      %multiple_of3A_538 = tpu.assume_multiple %shift_left3A_537, 8 : i32
      %dma_start3A_539 = arith.constant 24 : i32
      %dma_start3A_540 = arith.constant 0 : i32
      %dma_start3A_541 = tpu.memref_slice %arg14[%dma_start3A_539, %dma_start3A_540] : memref<256x64xf32, #tpu.memory_space<vmem>> -> memref<8x64xf32, #tpu.memory_space<vmem>>
      %dma_start3A_542 = arith.constant 0 : i32
      %dma_start3A_543 = tpu.memref_slice %arg5[%multiple_of3A_538, %dma_start3A_542] : memref<1000000x64xf32, #tpu.memory_space<hbm>> -> memref<8x64xf32, #tpu.memory_space<hbm>>
      %dma_start3A_544 = arith.constant 24 : i32
      %dma_start3A_545 = arith.constant 0 : i32
      %dma_start3A_546 = tpu.memref_slice %arg14[%dma_start3A_544, %dma_start3A_545] : memref<256x64xf32, #tpu.memory_space<vmem>> -> memref<8x64xf32, #tpu.memory_space<vmem>>
      %dma_start3A_547 = arith.constant 0 : i32
      %dma_start3A_548 = tpu.memref_slice %arg5[%multiple_of3A_538, %dma_start3A_547] : memref<1000000x64xf32, #tpu.memory_space<hbm>> -> memref<8x64xf32, #tpu.memory_space<hbm>>
      tpu.enqueue_dma source(%dma_start3A_548 : memref<8x64xf32, #tpu.memory_space<hbm>>) target(%dma_start3A_546 : memref<8x64xf32, #tpu.memory_space<vmem>>) target_semaphore(%arg19 : memref<!tpu.dma_semaphore, #tpu.memory_space<semaphore_mem>>)
      %get3A_549 = arith.constant 4 : index
      %get3A_550 = tpu.vector_load %arg9[%get3A_549] {strides = array<i32>} : memref<48xi32, #tpu.memory_space<vmem>>, vector<16xi32>,
      %get3A_551 = vector.shape_cast %get3A_550 : vector<16xi32> to vector<16xi32>
      %slice3A_552 = vector.extract_strided_slice %get3A_551 {offsets = [0], sizes = [1], strides = [1]} : vector<16xi32> to vector<1xi32>
      %squeeze3A_553 = vector.extract %slice3A_552[0] : i32 from vector<1xi32>
      %shift_right_logical3A_554 = arith.constant 3 : i32
      %shift_right_logical3A_555 = arith.shrui %squeeze3A_553, %shift_right_logical3A_554 : i32
      %shift_left3A_556 = arith.constant 3 : i32
      %shift_left3A_557 = arith.shli %shift_right_logical3A_555, %shift_left3A_556 : i32
      %multiple_of3A_558 = tpu.assume_multiple %shift_left3A_557, 8 : i32
      %dma_start3A_559 = arith.constant 32 : i32
      %dma_start3A_560 = arith.constant 0 : i32
      %dma_start3A_561 = tpu.memref_slice %arg14[%dma_start3A_559, %dma_start3A_560] : memref<256x64xf32, #tpu.memory_space<vmem>> -> memref<8x64xf32, #tpu.memory_space<vmem>>
      %dma_start3A_562 = arith.constant 0 : i32
      %dma_start3A_563 = tpu.memref_slice %arg5[%multiple_of3A_558, %dma_start3A_562] : memref<1000000x64xf32, #tpu.memory_space<hbm>> -> memref<8x64xf32, #tpu.memory_space<hbm>>
      %dma_start3A_564 = arith.constant 32 : i32
      %dma_start3A_565 = arith.constant 0 : i32
      %dma_start3A_566 = tpu.memref_slice %arg14[%dma_start3A_564, %dma_start3A_565] : memref<256x64xf32, #tpu.memory_space<vmem>> -> memref<8x64xf32, #tpu.memory_space<vmem>>
      %dma_start3A_567 = arith.constant 0 : i32
      %dma_start3A_568 = tpu.memref_slice %arg5[%multiple_of3A_558, %dma_start3A_567] : memref<1000000x64xf32, #tpu.memory_space<hbm>> -> memref<8x64xf32, #tpu.memory_space<hbm>>
      tpu.enqueue_dma source(%dma_start3A_568 : memref<8x64xf32, #tpu.memory_space<hbm>>) target(%dma_start3A_566 : memref<8x64xf32, #tpu.memory_space<vmem>>) target_semaphore(%arg19 : memref<!tpu.dma_semaphore, #tpu.memory_space<semaphore_mem>>)
      %get3A_569 = arith.constant 5 : index
      %get3A_570 = tpu.vector_load %arg9[%get3A_569] {strides = array<i32>} : memref<48xi32, #tpu.memory_space<vmem>>, vector<16xi32>,
      %get3A_571 = vector.shape_cast %get3A_570 : vector<16xi32> to vector<16xi32>
      %slice3A_572 = vector.extract_strided_slice %get3A_571 {offsets = [0], sizes = [1], strides = [1]} : vector<16xi32> to vector<1xi32>
      %squeeze3A_573 = vector.extract %slice3A_572[0] : i32 from vector<1xi32>
      %shift_right_logical3A_574 = arith.constant 3 : i32
      %shift_right_logical3A_575 = arith.shrui %squeeze3A_573, %shift_right_logical3A_574 : i32
      %shift_left3A_576 = arith.constant 3 : i32
      %shift_left3A_577 = arith.shli %shift_right_logical3A_575, %shift_left3A_576 : i32
      %multiple_of3A_578 = tpu.assume_multiple %shift_left3A_577, 8 : i32
      %dma_start3A_579 = arith.constant 40 : i32
      %dma_start3A_580 = arith.constant 0 : i32
      %dma_start3A_581 = tpu.memref_slice %arg14[%dma_start3A_579, %dma_start3A_580] : memref<256x64xf32, #tpu.memory_space<vmem>> -> memref<8x64xf32, #tpu.memory_space<vmem>>
      %dma_start3A_582 = arith.constant 0 : i32
      %dma_start3A_583 = tpu.memref_slice %arg5[%multiple_of3A_578, %dma_start3A_582] : memref<1000000x64xf32, #tpu.memory_space<hbm>> -> memref<8x64xf32, #tpu.memory_space<hbm>>
      %dma_start3A_584 = arith.constant 40 : i32
      %dma_start3A_585 = arith.constant 0 : i32
      %dma_start3A_586 = tpu.memref_slice %arg14[%dma_start3A_584, %dma_start3A_585] : memref<256x64xf32, #tpu.memory_space<vmem>> -> memref<8x64xf32, #tpu.memory_space<vmem>>
      %dma_start3A_587 = arith.constant 0 : i32
      %dma_start3A_588 = tpu.memref_slice %arg5[%multiple_of3A_578, %dma_start3A_587] : memref<1000000x64xf32, #tpu.memory_space<hbm>> -> memref<8x64xf32, #tpu.memory_space<hbm>>
      tpu.enqueue_dma source(%dma_start3A_588 : memref<8x64xf32, #tpu.memory_space<hbm>>) target(%dma_start3A_586 : memref<8x64xf32, #tpu.memory_space<vmem>>) target_semaphore(%arg19 : memref<!tpu.dma_semaphore, #tpu.memory_space<semaphore_mem>>)
      %get3A_589 = arith.constant 6 : index
      %get3A_590 = tpu.vector_load %arg9[%get3A_589] {strides = array<i32>} : memref<48xi32, #tpu.memory_space<vmem>>, vector<16xi32>,
      %get3A_591 = vector.shape_cast %get3A_590 : vector<16xi32> to vector<16xi32>
      %slice3A_592 = vector.extract_strided_slice %get3A_591 {offsets = [0], sizes = [1], strides = [1]} : vector<16xi32> to vector<1xi32>
      %squeeze3A_593 = vector.extract %slice3A_592[0] : i32 from vector<1xi32>
      %shift_right_logical3A_594 = arith.constant 3 : i32
      %shift_right_logical3A_595 = arith.shrui %squeeze3A_593, %shift_right_logical3A_594 : i32
      %shift_left3A_596 = arith.constant 3 : i32
      %shift_left3A_597 = arith.shli %shift_right_logical3A_595, %shift_left3A_596 : i32
      %multiple_of3A_598 = tpu.assume_multiple %shift_left3A_597, 8 : i32
      %dma_start3A_599 = arith.constant 48 : i32
      %dma_start3A_600 = arith.constant 0 : i32
      %dma_start3A_601 = tpu.memref_slice %arg14[%dma_start3A_599, %dma_start3A_600] : memref<256x64xf32, #tpu.memory_space<vmem>> -> memref<8x64xf32, #tpu.memory_space<vmem>>
      %dma_start3A_602 = arith.constant 0 : i32
      %dma_start3A_603 = tpu.memref_slice %arg5[%multiple_of3A_598, %dma_start3A_602] : memref<1000000x64xf32, #tpu.memory_space<hbm>> -> memref<8x64xf32, #tpu.memory_space<hbm>>
      %dma_start3A_604 = arith.constant 48 : i32
      %dma_start3A_605 = arith.constant 0 : i32
      %dma_start3A_606 = tpu.memref_slice %arg14[%dma_start3A_604, %dma_start3A_605] : memref<256x64xf32, #tpu.memory_space<vmem>> -> memref<8x64xf32, #tpu.memory_space<vmem>>
      %dma_start3A_607 = arith.constant 0 : i32
      %dma_start3A_608 = tpu.memref_slice %arg5[%multiple_of3A_598, %dma_start3A_607] : memref<1000000x64xf32, #tpu.memory_space<hbm>> -> memref<8x64xf32, #tpu.memory_space<hbm>>
      tpu.enqueue_dma source(%dma_start3A_608 : memref<8x64xf32, #tpu.memory_space<hbm>>) target(%dma_start3A_606 : memref<8x64xf32, #tpu.memory_space<vmem>>) target_semaphore(%arg19 : memref<!tpu.dma_semaphore, #tpu.memory_space<semaphore_mem>>)
      %get3A_609 = arith.constant 7 : index
      %get3A_610 = tpu.vector_load %arg9[%get3A_609] {strides = array<i32>} : memref<48xi32, #tpu.memory_space<vmem>>, vector<16xi32>,
      %get3A_611 = vector.shape_cast %get3A_610 : vector<16xi32> to vector<16xi32>
      %slice3A_612 = vector.extract_strided_slice %get3A_611 {offsets = [0], sizes = [1], strides = [1]} : vector<16xi32> to vector<1xi32>
      %squeeze3A_613 = vector.extract %slice3A_612[0] : i32 from vector<1xi32>
      %shift_right_logical3A_614 = arith.constant 3 : i32
      %shift_right_logical3A_615 = arith.shrui %squeeze3A_613, %shift_right_logical3A_614 : i32
      %shift_left3A_616 = arith.constant 3 : i32
      %shift_left3A_617 = arith.shli %shift_right_logical3A_615, %shift_left3A_616 : i32
      %multiple_of3A_618 = tpu.assume_multiple %shift_left3A_617, 8 : i32
      %dma_start3A_619 = arith.constant 56 : i32
      %dma_start3A_620 = arith.constant 0 : i32
      %dma_start3A_621 = tpu.memref_slice %arg14[%dma_start3A_619, %dma_start3A_620] : memref<256x64xf32, #tpu.memory_space<vmem>> -> memref<8x64xf32, #tpu.memory_space<vmem>>
      %dma_start3A_622 = arith.constant 0 : i32
      %dma_start3A_623 = tpu.memref_slice %arg5[%multiple_of3A_618, %dma_start3A_622] : memref<1000000x64xf32, #tpu.memory_space<hbm>> -> memref<8x64xf32, #tpu.memory_space<hbm>>
      %dma_start3A_624 = arith.constant 56 : i32
      %dma_start3A_625 = arith.constant 0 : i32
      %dma_start3A_626 = tpu.memref_slice %arg14[%dma_start3A_624, %dma_start3A_625] : memref<256x64xf32, #tpu.memory_space<vmem>> -> memref<8x64xf32, #tpu.memory_space<vmem>>
      %dma_start3A_627 = arith.constant 0 : i32
      %dma_start3A_628 = tpu.memref_slice %arg5[%multiple_of3A_618, %dma_start3A_627] : memref<1000000x64xf32, #tpu.memory_space<hbm>> -> memref<8x64xf32, #tpu.memory_space<hbm>>
      tpu.enqueue_dma source(%dma_start3A_628 : memref<8x64xf32, #tpu.memory_space<hbm>>) target(%dma_start3A_626 : memref<8x64xf32, #tpu.memory_space<vmem>>) target_semaphore(%arg19 : memref<!tpu.dma_semaphore, #tpu.memory_space<semaphore_mem>>)
      %get3A_629 = arith.constant 8 : index
      %get3A_630 = tpu.vector_load %arg9[%get3A_629] {strides = array<i32>} : memref<48xi32, #tpu.memory_space<vmem>>, vector<16xi32>,
      %get3A_631 = vector.shape_cast %get3A_630 : vector<16xi32> to vector<16xi32>
      %slice3A_632 = vector.extract_strided_slice %get3A_631 {offsets = [0], sizes = [1], strides = [1]} : vector<16xi32> to vector<1xi32>
      %squeeze3A_633 = vector.extract %slice3A_632[0] : i32 from vector<1xi32>
      %shift_right_logical3A_634 = arith.constant 3 : i32
      %shift_right_logical3A_635 = arith.shrui %squeeze3A_633, %shift_right_logical3A_634 : i32
      %shift_left3A_636 = arith.constant 3 : i32
      %shift_left3A_637 = arith.shli %shift_right_logical3A_635, %shift_left3A_636 : i32
      %multiple_of3A_638 = tpu.assume_multiple %shift_left3A_637, 8 : i32
      %dma_start3A_639 = arith.constant 64 : i32
      %dma_start3A_640 = arith.constant 0 : i32
      %dma_start3A_641 = tpu.memref_slice %arg14[%dma_start3A_639, %dma_start3A_640] : memref<256x64xf32, #tpu.memory_space<vmem>> -> memref<8x64xf32, #tpu.memory_space<vmem>>
      %dma_start3A_642 = arith.constant 0 : i32
      %dma_start3A_643 = tpu.memref_slice %arg5[%multiple_of3A_638, %dma_start3A_642] : memref<1000000x64xf32, #tpu.memory_space<hbm>> -> memref<8x64xf32, #tpu.memory_space<hbm>>
      %dma_start3A_644 = arith.constant 64 : i32
      %dma_start3A_645 = arith.constant 0 : i32
      %dma_start3A_646 = tpu.memref_slice %arg14[%dma_start3A_644, %dma_start3A_645] : memref<256x64xf32, #tpu.memory_space<vmem>> -> memref<8x64xf32, #tpu.memory_space<vmem>>
      %dma_start3A_647 = arith.constant 0 : i32
      %dma_start3A_648 = tpu.memref_slice %arg5[%multiple_of3A_638, %dma_start3A_647] : memref<1000000x64xf32, #tpu.memory_space<hbm>> -> memref<8x64xf32, #tpu.memory_space<hbm>>
      tpu.enqueue_dma source(%dma_start3A_648 : memref<8x64xf32, #tpu.memory_space<hbm>>) target(%dma_start3A_646 : memref<8x64xf32, #tpu.memory_space<vmem>>) target_semaphore(%arg19 : memref<!tpu.dma_semaphore, #tpu.memory_space<semaphore_mem>>)
      %get3A_649 = arith.constant 9 : index
      %get3A_650 = tpu.vector_load %arg9[%get3A_649] {strides = array<i32>} : memref<48xi32, #tpu.memory_space<vmem>>, vector<16xi32>,
      %get3A_651 = vector.shape_cast %get3A_650 : vector<16xi32> to vector<16xi32>
      %slice3A_652 = vector.extract_strided_slice %get3A_651 {offsets = [0], sizes = [1], strides = [1]} : vector<16xi32> to vector<1xi32>
      %squeeze3A_653 = vector.extract %slice3A_652[0] : i32 from vector<1xi32>
      %shift_right_logical3A_654 = arith.constant 3 : i32
      %shift_right_logical3A_655 = arith.shrui %squeeze3A_653, %shift_right_logical3A_654 : i32
      %shift_left3A_656 = arith.constant 3 : i32
      %shift_left3A_657 = arith.shli %shift_right_logical3A_655, %shift_left3A_656 : i32
      %multiple_of3A_658 = tpu.assume_multiple %shift_left3A_657, 8 : i32
      %dma_start3A_659 = arith.constant 72 : i32
      %dma_start3A_660 = arith.constant 0 : i32
      %dma_start3A_661 = tpu.memref_slice %arg14[%dma_start3A_659, %dma_start3A_660] : memref<256x64xf32, #tpu.memory_space<vmem>> -> memref<8x64xf32, #tpu.memory_space<vmem>>
      %dma_start3A_662 = arith.constant 0 : i32
      %dma_start3A_663 = tpu.memref_slice %arg5[%multiple_of3A_658, %dma_start3A_662] : memref<1000000x64xf32, #tpu.memory_space<hbm>> -> memref<8x64xf32, #tpu.memory_space<hbm>>
      %dma_start3A_664 = arith.constant 72 : i32
      %dma_start3A_665 = arith.constant 0 : i32
      %dma_start3A_666 = tpu.memref_slice %arg14[%dma_start3A_664, %dma_start3A_665] : memref<256x64xf32, #tpu.memory_space<vmem>> -> memref<8x64xf32, #tpu.memory_space<vmem>>
      %dma_start3A_667 = arith.constant 0 : i32
      %dma_start3A_668 = tpu.memref_slice %arg5[%multiple_of3A_658, %dma_start3A_667] : memref<1000000x64xf32, #tpu.memory_space<hbm>> -> memref<8x64xf32, #tpu.memory_space<hbm>>
      tpu.enqueue_dma source(%dma_start3A_668 : memref<8x64xf32, #tpu.memory_space<hbm>>) target(%dma_start3A_666 : memref<8x64xf32, #tpu.memory_space<vmem>>) target_semaphore(%arg19 : memref<!tpu.dma_semaphore, #tpu.memory_space<semaphore_mem>>)
      %get3A_669 = arith.constant 10 : index
      %get3A_670 = tpu.vector_load %arg9[%get3A_669] {strides = array<i32>} : memref<48xi32, #tpu.memory_space<vmem>>, vector<16xi32>,
      %get3A_671 = vector.shape_cast %get3A_670 : vector<16xi32> to vector<16xi32>
      %slice3A_672 = vector.extract_strided_slice %get3A_671 {offsets = [0], sizes = [1], strides = [1]} : vector<16xi32> to vector<1xi32>
      %squeeze3A_673 = vector.extract %slice3A_672[0] : i32 from vector<1xi32>
      %shift_right_logical3A_674 = arith.constant 3 : i32
      %shift_right_logical3A_675 = arith.shrui %squeeze3A_673, %shift_right_logical3A_674 : i32
      %shift_left3A_676 = arith.constant 3 : i32
      %shift_left3A_677 = arith.shli %shift_right_logical3A_675, %shift_left3A_676 : i32
      %multiple_of3A_678 = tpu.assume_multiple %shift_left3A_677, 8 : i32
      %dma_start3A_679 = arith.constant 80 : i32
      %dma_start3A_680 = arith.constant 0 : i32
      %dma_start3A_681 = tpu.memref_slice %arg14[%dma_start3A_679, %dma_start3A_680] : memref<256x64xf32, #tpu.memory_space<vmem>> -> memref<8x64xf32, #tpu.memory_space<vmem>>
      %dma_start3A_682 = arith.constant 0 : i32
      %dma_start3A_683 = tpu.memref_slice %arg5[%multiple_of3A_678, %dma_start3A_682] : memref<1000000x64xf32, #tpu.memory_space<hbm>> -> memref<8x64xf32, #tpu.memory_space<hbm>>
      %dma_start3A_684 = arith.constant 80 : i32
      %dma_start3A_685 = arith.constant 0 : i32
      %dma_start3A_686 = tpu.memref_slice %arg14[%dma_start3A_684, %dma_start3A_685] : memref<256x64xf32, #tpu.memory_space<vmem>> -> memref<8x64xf32, #tpu.memory_space<vmem>>
      %dma_start3A_687 = arith.constant 0 : i32
      %dma_start3A_688 = tpu.memref_slice %arg5[%multiple_of3A_678, %dma_start3A_687] : memref<1000000x64xf32, #tpu.memory_space<hbm>> -> memref<8x64xf32, #tpu.memory_space<hbm>>
      tpu.enqueue_dma source(%dma_start3A_688 : memref<8x64xf32, #tpu.memory_space<hbm>>) target(%dma_start3A_686 : memref<8x64xf32, #tpu.memory_space<vmem>>) target_semaphore(%arg19 : memref<!tpu.dma_semaphore, #tpu.memory_space<semaphore_mem>>)
      %get3A_689 = arith.constant 11 : index
      %get3A_690 = tpu.vector_load %arg9[%get3A_689] {strides = array<i32>} : memref<48xi32, #tpu.memory_space<vmem>>, vector<16xi32>,
      %get3A_691 = vector.shape_cast %get3A_690 : vector<16xi32> to vector<16xi32>
      %slice3A_692 = vector.extract_strided_slice %get3A_691 {offsets = [0], sizes = [1], strides = [1]} : vector<16xi32> to vector<1xi32>
      %squeeze3A_693 = vector.extract %slice3A_692[0] : i32 from vector<1xi32>
      %shift_right_logical3A_694 = arith.constant 3 : i32
      %shift_right_logical3A_695 = arith.shrui %squeeze3A_693, %shift_right_logical3A_694 : i32
      %shift_left3A_696 = arith.constant 3 : i32
      %shift_left3A_697 = arith.shli %shift_right_logical3A_695, %shift_left3A_696 : i32
      %multiple_of3A_698 = tpu.assume_multiple %shift_left3A_697, 8 : i32
      %dma_start3A_699 = arith.constant 88 : i32
      %dma_start3A_700 = arith.constant 0 : i32
      %dma_start3A_701 = tpu.memref_slice %arg14[%dma_start3A_699, %dma_start3A_700] : memref<256x64xf32, #tpu.memory_space<vmem>> -> memref<8x64xf32, #tpu.memory_space<vmem>>
      %dma_start3A_702 = arith.constant 0 : i32
      %dma_start3A_703 = tpu.memref_slice %arg5[%multiple_of3A_698, %dma_start3A_702] : memref<1000000x64xf32, #tpu.memory_space<hbm>> -> memref<8x64xf32, #tpu.memory_space<hbm>>
      %dma_start3A_704 = arith.constant 88 : i32
      %dma_start3A_705 = arith.constant 0 : i32
      %dma_start3A_706 = tpu.memref_slice %arg14[%dma_start3A_704, %dma_start3A_705] : memref<256x64xf32, #tpu.memory_space<vmem>> -> memref<8x64xf32, #tpu.memory_space<vmem>>
      %dma_start3A_707 = arith.constant 0 : i32
      %dma_start3A_708 = tpu.memref_slice %arg5[%multiple_of3A_698, %dma_start3A_707] : memref<1000000x64xf32, #tpu.memory_space<hbm>> -> memref<8x64xf32, #tpu.memory_space<hbm>>
      tpu.enqueue_dma source(%dma_start3A_708 : memref<8x64xf32, #tpu.memory_space<hbm>>) target(%dma_start3A_706 : memref<8x64xf32, #tpu.memory_space<vmem>>) target_semaphore(%arg19 : memref<!tpu.dma_semaphore, #tpu.memory_space<semaphore_mem>>)
      %get3A_709 = arith.constant 12 : index
      %get3A_710 = tpu.vector_load %arg9[%get3A_709] {strides = array<i32>} : memref<48xi32, #tpu.memory_space<vmem>>, vector<16xi32>,
      %get3A_711 = vector.shape_cast %get3A_710 : vector<16xi32> to vector<16xi32>
      %slice3A_712 = vector.extract_strided_slice %get3A_711 {offsets = [0], sizes = [1], strides = [1]} : vector<16xi32> to vector<1xi32>
      %squeeze3A_713 = vector.extract %slice3A_712[0] : i32 from vector<1xi32>
      %shift_right_logical3A_714 = arith.constant 3 : i32
      %shift_right_logical3A_715 = arith.shrui %squeeze3A_713, %shift_right_logical3A_714 : i32
      %shift_left3A_716 = arith.constant 3 : i32
      %shift_left3A_717 = arith.shli %shift_right_logical3A_715, %shift_left3A_716 : i32
      %multiple_of3A_718 = tpu.assume_multiple %shift_left3A_717, 8 : i32
      %dma_start3A_719 = arith.constant 96 : i32
      %dma_start3A_720 = arith.constant 0 : i32
      %dma_start3A_721 = tpu.memref_slice %arg14[%dma_start3A_719, %dma_start3A_720] : memref<256x64xf32, #tpu.memory_space<vmem>> -> memref<8x64xf32, #tpu.memory_space<vmem>>
      %dma_start3A_722 = arith.constant 0 : i32
      %dma_start3A_723 = tpu.memref_slice %arg5[%multiple_of3A_718, %dma_start3A_722] : memref<1000000x64xf32, #tpu.memory_space<hbm>> -> memref<8x64xf32, #tpu.memory_space<hbm>>
      %dma_start3A_724 = arith.constant 96 : i32
      %dma_start3A_725 = arith.constant 0 : i32
      %dma_start3A_726 = tpu.memref_slice %arg14[%dma_start3A_724, %dma_start3A_725] : memref<256x64xf32, #tpu.memory_space<vmem>> -> memref<8x64xf32, #tpu.memory_space<vmem>>
      %dma_start3A_727 = arith.constant 0 : i32
      %dma_start3A_728 = tpu.memref_slice %arg5[%multiple_of3A_718, %dma_start3A_727] : memref<1000000x64xf32, #tpu.memory_space<hbm>> -> memref<8x64xf32, #tpu.memory_space<hbm>>
      tpu.enqueue_dma source(%dma_start3A_728 : memref<8x64xf32, #tpu.memory_space<hbm>>) target(%dma_start3A_726 : memref<8x64xf32, #tpu.memory_space<vmem>>) target_semaphore(%arg19 : memref<!tpu.dma_semaphore, #tpu.memory_space<semaphore_mem>>)
      %get3A_729 = arith.constant 13 : index
      %get3A_730 = tpu.vector_load %arg9[%get3A_729] {strides = array<i32>} : memref<48xi32, #tpu.memory_space<vmem>>, vector<16xi32>,
      %get3A_731 = vector.shape_cast %get3A_730 : vector<16xi32> to vector<16xi32>
      %slice3A_732 = vector.extract_strided_slice %get3A_731 {offsets = [0], sizes = [1], strides = [1]} : vector<16xi32> to vector<1xi32>
      %squeeze3A_733 = vector.extract %slice3A_732[0] : i32 from vector<1xi32>
      %shift_right_logical3A_734 = arith.constant 3 : i32
      %shift_right_logical3A_735 = arith.shrui %squeeze3A_733, %shift_right_logical3A_734 : i32
      %shift_left3A_736 = arith.constant 3 : i32
      %shift_left3A_737 = arith.shli %shift_right_logical3A_735, %shift_left3A_736 : i32
      %multiple_of3A_738 = tpu.assume_multiple %shift_left3A_737, 8 : i32
      %dma_start3A_739 = arith.constant 104 : i32
      %dma_start3A_740 = arith.constant 0 : i32
      %dma_start3A_741 = tpu.memref_slice %arg14[%dma_start3A_739, %dma_start3A_740] : memref<256x64xf32, #tpu.memory_space<vmem>> -> memref<8x64xf32, #tpu.memory_space<vmem>>
      %dma_start3A_742 = arith.constant 0 : i32
      %dma_start3A_743 = tpu.memref_slice %arg5[%multiple_of3A_738, %dma_start3A_742] : memref<1000000x64xf32, #tpu.memory_space<hbm>> -> memref<8x64xf32, #tpu.memory_space<hbm>>
      %dma_start3A_744 = arith.constant 104 : i32
      %dma_start3A_745 = arith.constant 0 : i32
      %dma_start3A_746 = tpu.memref_slice %arg14[%dma_start3A_744, %dma_start3A_745] : memref<256x64xf32, #tpu.memory_space<vmem>> -> memref<8x64xf32, #tpu.memory_space<vmem>>
      %dma_start3A_747 = arith.constant 0 : i32
      %dma_start3A_748 = tpu.memref_slice %arg5[%multiple_of3A_738, %dma_start3A_747] : memref<1000000x64xf32, #tpu.memory_space<hbm>> -> memref<8x64xf32, #tpu.memory_space<hbm>>
      tpu.enqueue_dma source(%dma_start3A_748 : memref<8x64xf32, #tpu.memory_space<hbm>>) target(%dma_start3A_746 : memref<8x64xf32, #tpu.memory_space<vmem>>) target_semaphore(%arg19 : memref<!tpu.dma_semaphore, #tpu.memory_space<semaphore_mem>>)
      %get3A_749 = arith.constant 14 : index
      %get3A_750 = tpu.vector_load %arg9[%get3A_749] {strides = array<i32>} : memref<48xi32, #tpu.memory_space<vmem>>, vector<16xi32>,
      %get3A_751 = vector.shape_cast %get3A_750 : vector<16xi32> to vector<16xi32>
      %slice3A_752 = vector.extract_strided_slice %get3A_751 {offsets = [0], sizes = [1], strides = [1]} : vector<16xi32> to vector<1xi32>
      %squeeze3A_753 = vector.extract %slice3A_752[0] : i32 from vector<1xi32>
      %shift_right_logical3A_754 = arith.constant 3 : i32
      %shift_right_logical3A_755 = arith.shrui %squeeze3A_753, %shift_right_logical3A_754 : i32
      %shift_left3A_756 = arith.constant 3 : i32
      %shift_left3A_757 = arith.shli %shift_right_logical3A_755, %shift_left3A_756 : i32
      %multiple_of3A_758 = tpu.assume_multiple %shift_left3A_757, 8 : i32
      %dma_start3A_759 = arith.constant 112 : i32
      %dma_start3A_760 = arith.constant 0 : i32
      %dma_start3A_761 = tpu.memref_slice %arg14[%dma_start3A_759, %dma_start3A_760] : memref<256x64xf32, #tpu.memory_space<vmem>> -> memref<8x64xf32, #tpu.memory_space<vmem>>
      %dma_start3A_762 = arith.constant 0 : i32
      %dma_start3A_763 = tpu.memref_slice %arg5[%multiple_of3A_758, %dma_start3A_762] : memref<1000000x64xf32, #tpu.memory_space<hbm>> -> memref<8x64xf32, #tpu.memory_space<hbm>>
      %dma_start3A_764 = arith.constant 112 : i32
      %dma_start3A_765 = arith.constant 0 : i32
      %dma_start3A_766 = tpu.memref_slice %arg14[%dma_start3A_764, %dma_start3A_765] : memref<256x64xf32, #tpu.memory_space<vmem>> -> memref<8x64xf32, #tpu.memory_space<vmem>>
      %dma_start3A_767 = arith.constant 0 : i32
      %dma_start3A_768 = tpu.memref_slice %arg5[%multiple_of3A_758, %dma_start3A_767] : memref<1000000x64xf32, #tpu.memory_space<hbm>> -> memref<8x64xf32, #tpu.memory_space<hbm>>
      tpu.enqueue_dma source(%dma_start3A_768 : memref<8x64xf32, #tpu.memory_space<hbm>>) target(%dma_start3A_766 : memref<8x64xf32, #tpu.memory_space<vmem>>) target_semaphore(%arg19 : memref<!tpu.dma_semaphore, #tpu.memory_space<semaphore_mem>>)
      %get3A_769 = arith.constant 15 : index
      %get3A_770 = tpu.vector_load %arg9[%get3A_769] {strides = array<i32>} : memref<48xi32, #tpu.memory_space<vmem>>, vector<16xi32>,
      %get3A_771 = vector.shape_cast %get3A_770 : vector<16xi32> to vector<16xi32>
      %slice3A_772 = vector.extract_strided_slice %get3A_771 {offsets = [0], sizes = [1], strides = [1]} : vector<16xi32> to vector<1xi32>
      %squeeze3A_773 = vector.extract %slice3A_772[0] : i32 from vector<1xi32>
      %shift_right_logical3A_774 = arith.constant 3 : i32
      %shift_right_logical3A_775 = arith.shrui %squeeze3A_773, %shift_right_logical3A_774 : i32
      %shift_left3A_776 = arith.constant 3 : i32
      %shift_left3A_777 = arith.shli %shift_right_logical3A_775, %shift_left3A_776 : i32
      %multiple_of3A_778 = tpu.assume_multiple %shift_left3A_777, 8 : i32
      %dma_start3A_779 = arith.constant 120 : i32
      %dma_start3A_780 = arith.constant 0 : i32
      %dma_start3A_781 = tpu.memref_slice %arg14[%dma_start3A_779, %dma_start3A_780] : memref<256x64xf32, #tpu.memory_space<vmem>> -> memref<8x64xf32, #tpu.memory_space<vmem>>
      %dma_start3A_782 = arith.constant 0 : i32
      %dma_start3A_783 = tpu.memref_slice %arg5[%multiple_of3A_778, %dma_start3A_782] : memref<1000000x64xf32, #tpu.memory_space<hbm>> -> memref<8x64xf32, #tpu.memory_space<hbm>>
      %dma_start3A_784 = arith.constant 120 : i32
      %dma_start3A_785 = arith.constant 0 : i32
      %dma_start3A_786 = tpu.memref_slice %arg14[%dma_start3A_784, %dma_start3A_785] : memref<256x64xf32, #tpu.memory_space<vmem>> -> memref<8x64xf32, #tpu.memory_space<vmem>>
      %dma_start3A_787 = arith.constant 0 : i32
      %dma_start3A_788 = tpu.memref_slice %arg5[%multiple_of3A_778, %dma_start3A_787] : memref<1000000x64xf32, #tpu.memory_space<hbm>> -> memref<8x64xf32, #tpu.memory_space<hbm>>
      tpu.enqueue_dma source(%dma_start3A_788 : memref<8x64xf32, #tpu.memory_space<hbm>>) target(%dma_start3A_786 : memref<8x64xf32, #tpu.memory_space<vmem>>) target_semaphore(%arg19 : memref<!tpu.dma_semaphore, #tpu.memory_space<semaphore_mem>>)
      %get3A_789 = arith.constant 16 : index
      %get3A_790 = tpu.vector_load %arg9[%get3A_789] {strides = array<i32>} : memref<48xi32, #tpu.memory_space<vmem>>, vector<16xi32>,
      %get3A_791 = vector.shape_cast %get3A_790 : vector<16xi32> to vector<16xi32>
      %slice3A_792 = vector.extract_strided_slice %get3A_791 {offsets = [0], sizes = [1], strides = [1]} : vector<16xi32> to vector<1xi32>
      %squeeze3A_793 = vector.extract %slice3A_792[0] : i32 from vector<1xi32>
      %shift_right_logical3A_794 = arith.constant 3 : i32
      %shift_right_logical3A_795 = arith.shrui %squeeze3A_793, %shift_right_logical3A_794 : i32
      %shift_left3A_796 = arith.constant 3 : i32
      %shift_left3A_797 = arith.shli %shift_right_logical3A_795, %shift_left3A_796 : i32
      %multiple_of3A_798 = tpu.assume_multiple %shift_left3A_797, 8 : i32
      %dma_start3A_799 = arith.constant 128 : i32
      %dma_start3A_800 = arith.constant 0 : i32
      %dma_start3A_801 = tpu.memref_slice %arg14[%dma_start3A_799, %dma_start3A_800] : memref<256x64xf32, #tpu.memory_space<vmem>> -> memref<8x64xf32, #tpu.memory_space<vmem>>
      %dma_start3A_802 = arith.constant 0 : i32
      %dma_start3A_803 = tpu.memref_slice %arg5[%multiple_of3A_798, %dma_start3A_802] : memref<1000000x64xf32, #tpu.memory_space<hbm>> -> memref<8x64xf32, #tpu.memory_space<hbm>>
      %dma_start3A_804 = arith.constant 128 : i32
      %dma_start3A_805 = arith.constant 0 : i32
      %dma_start3A_806 = tpu.memref_slice %arg14[%dma_start3A_804, %dma_start3A_805] : memref<256x64xf32, #tpu.memory_space<vmem>> -> memref<8x64xf32, #tpu.memory_space<vmem>>
      %dma_start3A_807 = arith.constant 0 : i32
      %dma_start3A_808 = tpu.memref_slice %arg5[%multiple_of3A_798, %dma_start3A_807] : memref<1000000x64xf32, #tpu.memory_space<hbm>> -> memref<8x64xf32, #tpu.memory_space<hbm>>
      tpu.enqueue_dma source(%dma_start3A_808 : memref<8x64xf32, #tpu.memory_space<hbm>>) target(%dma_start3A_806 : memref<8x64xf32, #tpu.memory_space<vmem>>) target_semaphore(%arg19 : memref<!tpu.dma_semaphore, #tpu.memory_space<semaphore_mem>>)
      %get3A_809 = arith.constant 17 : index
      %get3A_810 = tpu.vector_load %arg9[%get3A_809] {strides = array<i32>} : memref<48xi32, #tpu.memory_space<vmem>>, vector<16xi32>,
      %get3A_811 = vector.shape_cast %get3A_810 : vector<16xi32> to vector<16xi32>
      %slice3A_812 = vector.extract_strided_slice %get3A_811 {offsets = [0], sizes = [1], strides = [1]} : vector<16xi32> to vector<1xi32>
      %squeeze3A_813 = vector.extract %slice3A_812[0] : i32 from vector<1xi32>
      %shift_right_logical3A_814 = arith.constant 3 : i32
      %shift_right_logical3A_815 = arith.shrui %squeeze3A_813, %shift_right_logical3A_814 : i32
      %shift_left3A_816 = arith.constant 3 : i32
      %shift_left3A_817 = arith.shli %shift_right_logical3A_815, %shift_left3A_816 : i32
      %multiple_of3A_818 = tpu.assume_multiple %shift_left3A_817, 8 : i32
      %dma_start3A_819 = arith.constant 136 : i32
      %dma_start3A_820 = arith.constant 0 : i32
      %dma_start3A_821 = tpu.memref_slice %arg14[%dma_start3A_819, %dma_start3A_820] : memref<256x64xf32, #tpu.memory_space<vmem>> -> memref<8x64xf32, #tpu.memory_space<vmem>>
      %dma_start3A_822 = arith.constant 0 : i32
      %dma_start3A_823 = tpu.memref_slice %arg5[%multiple_of3A_818, %dma_start3A_822] : memref<1000000x64xf32, #tpu.memory_space<hbm>> -> memref<8x64xf32, #tpu.memory_space<hbm>>
      %dma_start3A_824 = arith.constant 136 : i32
      %dma_start3A_825 = arith.constant 0 : i32
      %dma_start3A_826 = tpu.memref_slice %arg14[%dma_start3A_824, %dma_start3A_825] : memref<256x64xf32, #tpu.memory_space<vmem>> -> memref<8x64xf32, #tpu.memory_space<vmem>>
      %dma_start3A_827 = arith.constant 0 : i32
      %dma_start3A_828 = tpu.memref_slice %arg5[%multiple_of3A_818, %dma_start3A_827] : memref<1000000x64xf32, #tpu.memory_space<hbm>> -> memref<8x64xf32, #tpu.memory_space<hbm>>
      tpu.enqueue_dma source(%dma_start3A_828 : memref<8x64xf32, #tpu.memory_space<hbm>>) target(%dma_start3A_826 : memref<8x64xf32, #tpu.memory_space<vmem>>) target_semaphore(%arg19 : memref<!tpu.dma_semaphore, #tpu.memory_space<semaphore_mem>>)
      %get3A_829 = arith.constant 18 : index
      %get3A_830 = tpu.vector_load %arg9[%get3A_829] {strides = array<i32>} : memref<48xi32, #tpu.memory_space<vmem>>, vector<16xi32>,
      %get3A_831 = vector.shape_cast %get3A_830 : vector<16xi32> to vector<16xi32>
      %slice3A_832 = vector.extract_strided_slice %get3A_831 {offsets = [0], sizes = [1], strides = [1]} : vector<16xi32> to vector<1xi32>
      %squeeze3A_833 = vector.extract %slice3A_832[0] : i32 from vector<1xi32>
      %shift_right_logical3A_834 = arith.constant 3 : i32
      %shift_right_logical3A_835 = arith.shrui %squeeze3A_833, %shift_right_logical3A_834 : i32
      %shift_left3A_836 = arith.constant 3 : i32
      %shift_left3A_837 = arith.shli %shift_right_logical3A_835, %shift_left3A_836 : i32
      %multiple_of3A_838 = tpu.assume_multiple %shift_left3A_837, 8 : i32
      %dma_start3A_839 = arith.constant 144 : i32
      %dma_start3A_840 = arith.constant 0 : i32
      %dma_start3A_841 = tpu.memref_slice %arg14[%dma_start3A_839, %dma_start3A_840] : memref<256x64xf32, #tpu.memory_space<vmem>> -> memref<8x64xf32, #tpu.memory_space<vmem>>
      %dma_start3A_842 = arith.constant 0 : i32
      %dma_start3A_843 = tpu.memref_slice %arg5[%multiple_of3A_838, %dma_start3A_842] : memref<1000000x64xf32, #tpu.memory_space<hbm>> -> memref<8x64xf32, #tpu.memory_space<hbm>>
      %dma_start3A_844 = arith.constant 144 : i32
      %dma_start3A_845 = arith.constant 0 : i32
      %dma_start3A_846 = tpu.memref_slice %arg14[%dma_start3A_844, %dma_start3A_845] : memref<256x64xf32, #tpu.memory_space<vmem>> -> memref<8x64xf32, #tpu.memory_space<vmem>>
      %dma_start3A_847 = arith.constant 0 : i32
      %dma_start3A_848 = tpu.memref_slice %arg5[%multiple_of3A_838, %dma_start3A_847] : memref<1000000x64xf32, #tpu.memory_space<hbm>> -> memref<8x64xf32, #tpu.memory_space<hbm>>
      tpu.enqueue_dma source(%dma_start3A_848 : memref<8x64xf32, #tpu.memory_space<hbm>>) target(%dma_start3A_846 : memref<8x64xf32, #tpu.memory_space<vmem>>) target_semaphore(%arg19 : memref<!tpu.dma_semaphore, #tpu.memory_space<semaphore_mem>>)
      %get3A_849 = arith.constant 19 : index
      %get3A_850 = tpu.vector_load %arg9[%get3A_849] {strides = array<i32>} : memref<48xi32, #tpu.memory_space<vmem>>, vector<16xi32>,
      %get3A_851 = vector.shape_cast %get3A_850 : vector<16xi32> to vector<16xi32>
      %slice3A_852 = vector.extract_strided_slice %get3A_851 {offsets = [0], sizes = [1], strides = [1]} : vector<16xi32> to vector<1xi32>
      %squeeze3A_853 = vector.extract %slice3A_852[0] : i32 from vector<1xi32>
      %shift_right_logical3A_854 = arith.constant 3 : i32
      %shift_right_logical3A_855 = arith.shrui %squeeze3A_853, %shift_right_logical3A_854 : i32
      %shift_left3A_856 = arith.constant 3 : i32
      %shift_left3A_857 = arith.shli %shift_right_logical3A_855, %shift_left3A_856 : i32
      %multiple_of3A_858 = tpu.assume_multiple %shift_left3A_857, 8 : i32
      %dma_start3A_859 = arith.constant 152 : i32
      %dma_start3A_860 = arith.constant 0 : i32
      %dma_start3A_861 = tpu.memref_slice %arg14[%dma_start3A_859, %dma_start3A_860] : memref<256x64xf32, #tpu.memory_space<vmem>> -> memref<8x64xf32, #tpu.memory_space<vmem>>
      %dma_start3A_862 = arith.constant 0 : i32
      %dma_start3A_863 = tpu.memref_slice %arg5[%multiple_of3A_858, %dma_start3A_862] : memref<1000000x64xf32, #tpu.memory_space<hbm>> -> memref<8x64xf32, #tpu.memory_space<hbm>>
      %dma_start3A_864 = arith.constant 152 : i32
      %dma_start3A_865 = arith.constant 0 : i32
      %dma_start3A_866 = tpu.memref_slice %arg14[%dma_start3A_864, %dma_start3A_865] : memref<256x64xf32, #tpu.memory_space<vmem>> -> memref<8x64xf32, #tpu.memory_space<vmem>>
      %dma_start3A_867 = arith.constant 0 : i32
      %dma_start3A_868 = tpu.memref_slice %arg5[%multiple_of3A_858, %dma_start3A_867] : memref<1000000x64xf32, #tpu.memory_space<hbm>> -> memref<8x64xf32, #tpu.memory_space<hbm>>
      tpu.enqueue_dma source(%dma_start3A_868 : memref<8x64xf32, #tpu.memory_space<hbm>>) target(%dma_start3A_866 : memref<8x64xf32, #tpu.memory_space<vmem>>) target_semaphore(%arg19 : memref<!tpu.dma_semaphore, #tpu.memory_space<semaphore_mem>>)
      %get3A_869 = arith.constant 20 : index
      %get3A_870 = tpu.vector_load %arg9[%get3A_869] {strides = array<i32>} : memref<48xi32, #tpu.memory_space<vmem>>, vector<16xi32>,
      %get3A_871 = vector.shape_cast %get3A_870 : vector<16xi32> to vector<16xi32>
      %slice3A_872 = vector.extract_strided_slice %get3A_871 {offsets = [0], sizes = [1], strides = [1]} : vector<16xi32> to vector<1xi32>
      %squeeze3A_873 = vector.extract %slice3A_872[0] : i32 from vector<1xi32>
      %shift_right_logical3A_874 = arith.constant 3 : i32
      %shift_right_logical3A_875 = arith.shrui %squeeze3A_873, %shift_right_logical3A_874 : i32
      %shift_left3A_876 = arith.constant 3 : i32
      %shift_left3A_877 = arith.shli %shift_right_logical3A_875, %shift_left3A_876 : i32
      %multiple_of3A_878 = tpu.assume_multiple %shift_left3A_877, 8 : i32
      %dma_start3A_879 = arith.constant 160 : i32
      %dma_start3A_880 = arith.constant 0 : i32
      %dma_start3A_881 = tpu.memref_slice %arg14[%dma_start3A_879, %dma_start3A_880] : memref<256x64xf32, #tpu.memory_space<vmem>> -> memref<8x64xf32, #tpu.memory_space<vmem>>
      %dma_start3A_882 = arith.constant 0 : i32
      %dma_start3A_883 = tpu.memref_slice %arg5[%multiple_of3A_878, %dma_start3A_882] : memref<1000000x64xf32, #tpu.memory_space<hbm>> -> memref<8x64xf32, #tpu.memory_space<hbm>>
      %dma_start3A_884 = arith.constant 160 : i32
      %dma_start3A_885 = arith.constant 0 : i32
      %dma_start3A_886 = tpu.memref_slice %arg14[%dma_start3A_884, %dma_start3A_885] : memref<256x64xf32, #tpu.memory_space<vmem>> -> memref<8x64xf32, #tpu.memory_space<vmem>>
      %dma_start3A_887 = arith.constant 0 : i32
      %dma_start3A_888 = tpu.memref_slice %arg5[%multiple_of3A_878, %dma_start3A_887] : memref<1000000x64xf32, #tpu.memory_space<hbm>> -> memref<8x64xf32, #tpu.memory_space<hbm>>
      tpu.enqueue_dma source(%dma_start3A_888 : memref<8x64xf32, #tpu.memory_space<hbm>>) target(%dma_start3A_886 : memref<8x64xf32, #tpu.memory_space<vmem>>) target_semaphore(%arg19 : memref<!tpu.dma_semaphore, #tpu.memory_space<semaphore_mem>>)
      %get3A_889 = arith.constant 21 : index
      %get3A_890 = tpu.vector_load %arg9[%get3A_889] {strides = array<i32>} : memref<48xi32, #tpu.memory_space<vmem>>, vector<16xi32>,
      %get3A_891 = vector.shape_cast %get3A_890 : vector<16xi32> to vector<16xi32>
      %slice3A_892 = vector.extract_strided_slice %get3A_891 {offsets = [0], sizes = [1], strides = [1]} : vector<16xi32> to vector<1xi32>
      %squeeze3A_893 = vector.extract %slice3A_892[0] : i32 from vector<1xi32>
      %shift_right_logical3A_894 = arith.constant 3 : i32
      %shift_right_logical3A_895 = arith.shrui %squeeze3A_893, %shift_right_logical3A_894 : i32
      %shift_left3A_896 = arith.constant 3 : i32
      %shift_left3A_897 = arith.shli %shift_right_logical3A_895, %shift_left3A_896 : i32
      %multiple_of3A_898 = tpu.assume_multiple %shift_left3A_897, 8 : i32
      %dma_start3A_899 = arith.constant 168 : i32
      %dma_start3A_900 = arith.constant 0 : i32
      %dma_start3A_901 = tpu.memref_slice %arg14[%dma_start3A_899, %dma_start3A_900] : memref<256x64xf32, #tpu.memory_space<vmem>> -> memref<8x64xf32, #tpu.memory_space<vmem>>
      %dma_start3A_902 = arith.constant 0 : i32
      %dma_start3A_903 = tpu.memref_slice %arg5[%multiple_of3A_898, %dma_start3A_902] : memref<1000000x64xf32, #tpu.memory_space<hbm>> -> memref<8x64xf32, #tpu.memory_space<hbm>>
      %dma_start3A_904 = arith.constant 168 : i32
      %dma_start3A_905 = arith.constant 0 : i32
      %dma_start3A_906 = tpu.memref_slice %arg14[%dma_start3A_904, %dma_start3A_905] : memref<256x64xf32, #tpu.memory_space<vmem>> -> memref<8x64xf32, #tpu.memory_space<vmem>>
      %dma_start3A_907 = arith.constant 0 : i32
      %dma_start3A_908 = tpu.memref_slice %arg5[%multiple_of3A_898, %dma_start3A_907] : memref<1000000x64xf32, #tpu.memory_space<hbm>> -> memref<8x64xf32, #tpu.memory_space<hbm>>
      tpu.enqueue_dma source(%dma_start3A_908 : memref<8x64xf32, #tpu.memory_space<hbm>>) target(%dma_start3A_906 : memref<8x64xf32, #tpu.memory_space<vmem>>) target_semaphore(%arg19 : memref<!tpu.dma_semaphore, #tpu.memory_space<semaphore_mem>>)
      %get3A_909 = arith.constant 22 : index
      %get3A_910 = tpu.vector_load %arg9[%get3A_909] {strides = array<i32>} : memref<48xi32, #tpu.memory_space<vmem>>, vector<16xi32>,
      %get3A_911 = vector.shape_cast %get3A_910 : vector<16xi32> to vector<16xi32>
      %slice3A_912 = vector.extract_strided_slice %get3A_911 {offsets = [0], sizes = [1], strides = [1]} : vector<16xi32> to vector<1xi32>
      %squeeze3A_913 = vector.extract %slice3A_912[0] : i32 from vector<1xi32>
      %shift_right_logical3A_914 = arith.constant 3 : i32
      %shift_right_logical3A_915 = arith.shrui %squeeze3A_913, %shift_right_logical3A_914 : i32
      %shift_left3A_916 = arith.constant 3 : i32
      %shift_left3A_917 = arith.shli %shift_right_logical3A_915, %shift_left3A_916 : i32
      %multiple_of3A_918 = tpu.assume_multiple %shift_left3A_917, 8 : i32
      %dma_start3A_919 = arith.constant 176 : i32
      %dma_start3A_920 = arith.constant 0 : i32
      %dma_start3A_921 = tpu.memref_slice %arg14[%dma_start3A_919, %dma_start3A_920] : memref<256x64xf32, #tpu.memory_space<vmem>> -> memref<8x64xf32, #tpu.memory_space<vmem>>
      %dma_start3A_922 = arith.constant 0 : i32
      %dma_start3A_923 = tpu.memref_slice %arg5[%multiple_of3A_918, %dma_start3A_922] : memref<1000000x64xf32, #tpu.memory_space<hbm>> -> memref<8x64xf32, #tpu.memory_space<hbm>>
      %dma_start3A_924 = arith.constant 176 : i32
      %dma_start3A_925 = arith.constant 0 : i32
      %dma_start3A_926 = tpu.memref_slice %arg14[%dma_start3A_924, %dma_start3A_925] : memref<256x64xf32, #tpu.memory_space<vmem>> -> memref<8x64xf32, #tpu.memory_space<vmem>>
      %dma_start3A_927 = arith.constant 0 : i32
      %dma_start3A_928 = tpu.memref_slice %arg5[%multiple_of3A_918, %dma_start3A_927] : memref<1000000x64xf32, #tpu.memory_space<hbm>> -> memref<8x64xf32, #tpu.memory_space<hbm>>
      tpu.enqueue_dma source(%dma_start3A_928 : memref<8x64xf32, #tpu.memory_space<hbm>>) target(%dma_start3A_926 : memref<8x64xf32, #tpu.memory_space<vmem>>) target_semaphore(%arg19 : memref<!tpu.dma_semaphore, #tpu.memory_space<semaphore_mem>>)
      %get3A_929 = arith.constant 23 : index
      %get3A_930 = tpu.vector_load %arg9[%get3A_929] {strides = array<i32>} : memref<48xi32, #tpu.memory_space<vmem>>, vector<16xi32>,
      %get3A_931 = vector.shape_cast %get3A_930 : vector<16xi32> to vector<16xi32>
      %slice3A_932 = vector.extract_strided_slice %get3A_931 {offsets = [0], sizes = [1], strides = [1]} : vector<16xi32> to vector<1xi32>
      %squeeze3A_933 = vector.extract %slice3A_932[0] : i32 from vector<1xi32>
      %shift_right_logical3A_934 = arith.constant 3 : i32
      %shift_right_logical3A_935 = arith.shrui %squeeze3A_933, %shift_right_logical3A_934 : i32
      %shift_left3A_936 = arith.constant 3 : i32
      %shift_left3A_937 = arith.shli %shift_right_logical3A_935, %shift_left3A_936 : i32
      %multiple_of3A_938 = tpu.assume_multiple %shift_left3A_937, 8 : i32
      %dma_start3A_939 = arith.constant 184 : i32
      %dma_start3A_940 = arith.constant 0 : i32
      %dma_start3A_941 = tpu.memref_slice %arg14[%dma_start3A_939, %dma_start3A_940] : memref<256x64xf32, #tpu.memory_space<vmem>> -> memref<8x64xf32, #tpu.memory_space<vmem>>
      %dma_start3A_942 = arith.constant 0 : i32
      %dma_start3A_943 = tpu.memref_slice %arg5[%multiple_of3A_938, %dma_start3A_942] : memref<1000000x64xf32, #tpu.memory_space<hbm>> -> memref<8x64xf32, #tpu.memory_space<hbm>>
      %dma_start3A_944 = arith.constant 184 : i32
      %dma_start3A_945 = arith.constant 0 : i32
      %dma_start3A_946 = tpu.memref_slice %arg14[%dma_start3A_944, %dma_start3A_945] : memref<256x64xf32, #tpu.memory_space<vmem>> -> memref<8x64xf32, #tpu.memory_space<vmem>>
      %dma_start3A_947 = arith.constant 0 : i32
      %dma_start3A_948 = tpu.memref_slice %arg5[%multiple_of3A_938, %dma_start3A_947] : memref<1000000x64xf32, #tpu.memory_space<hbm>> -> memref<8x64xf32, #tpu.memory_space<hbm>>
      tpu.enqueue_dma source(%dma_start3A_948 : memref<8x64xf32, #tpu.memory_space<hbm>>) target(%dma_start3A_946 : memref<8x64xf32, #tpu.memory_space<vmem>>) target_semaphore(%arg19 : memref<!tpu.dma_semaphore, #tpu.memory_space<semaphore_mem>>)
      %get3A_949 = arith.constant 24 : index
      %get3A_950 = tpu.vector_load %arg9[%get3A_949] {strides = array<i32>} : memref<48xi32, #tpu.memory_space<vmem>>, vector<16xi32>,
      %get3A_951 = vector.shape_cast %get3A_950 : vector<16xi32> to vector<16xi32>
      %slice3A_952 = vector.extract_strided_slice %get3A_951 {offsets = [0], sizes = [1], strides = [1]} : vector<16xi32> to vector<1xi32>
      %squeeze3A_953 = vector.extract %slice3A_952[0] : i32 from vector<1xi32>
      %shift_right_logical3A_954 = arith.constant 3 : i32
      %shift_right_logical3A_955 = arith.shrui %squeeze3A_953, %shift_right_logical3A_954 : i32
      %shift_left3A_956 = arith.constant 3 : i32
      %shift_left3A_957 = arith.shli %shift_right_logical3A_955, %shift_left3A_956 : i32
      %multiple_of3A_958 = tpu.assume_multiple %shift_left3A_957, 8 : i32
      %dma_start3A_959 = arith.constant 192 : i32
      %dma_start3A_960 = arith.constant 0 : i32
      %dma_start3A_961 = tpu.memref_slice %arg14[%dma_start3A_959, %dma_start3A_960] : memref<256x64xf32, #tpu.memory_space<vmem>> -> memref<8x64xf32, #tpu.memory_space<vmem>>
      %dma_start3A_962 = arith.constant 0 : i32
      %dma_start3A_963 = tpu.memref_slice %arg5[%multiple_of3A_958, %dma_start3A_962] : memref<1000000x64xf32, #tpu.memory_space<hbm>> -> memref<8x64xf32, #tpu.memory_space<hbm>>
      %dma_start3A_964 = arith.constant 192 : i32
      %dma_start3A_965 = arith.constant 0 : i32
      %dma_start3A_966 = tpu.memref_slice %arg14[%dma_start3A_964, %dma_start3A_965] : memref<256x64xf32, #tpu.memory_space<vmem>> -> memref<8x64xf32, #tpu.memory_space<vmem>>
      %dma_start3A_967 = arith.constant 0 : i32
      %dma_start3A_968 = tpu.memref_slice %arg5[%multiple_of3A_958, %dma_start3A_967] : memref<1000000x64xf32, #tpu.memory_space<hbm>> -> memref<8x64xf32, #tpu.memory_space<hbm>>
      tpu.enqueue_dma source(%dma_start3A_968 : memref<8x64xf32, #tpu.memory_space<hbm>>) target(%dma_start3A_966 : memref<8x64xf32, #tpu.memory_space<vmem>>) target_semaphore(%arg19 : memref<!tpu.dma_semaphore, #tpu.memory_space<semaphore_mem>>)
      %get3A_969 = arith.constant 25 : index
      %get3A_970 = tpu.vector_load %arg9[%get3A_969] {strides = array<i32>} : memref<48xi32, #tpu.memory_space<vmem>>, vector<16xi32>,
      %get3A_971 = vector.shape_cast %get3A_970 : vector<16xi32> to vector<16xi32>
      %slice3A_972 = vector.extract_strided_slice %get3A_971 {offsets = [0], sizes = [1], strides = [1]} : vector<16xi32> to vector<1xi32>
      %squeeze3A_973 = vector.extract %slice3A_972[0] : i32 from vector<1xi32>
      %shift_right_logical3A_974 = arith.constant 3 : i32
      %shift_right_logical3A_975 = arith.shrui %squeeze3A_973, %shift_right_logical3A_974 : i32
      %shift_left3A_976 = arith.constant 3 : i32
      %shift_left3A_977 = arith.shli %shift_right_logical3A_975, %shift_left3A_976 : i32
      %multiple_of3A_978 = tpu.assume_multiple %shift_left3A_977, 8 : i32
      %dma_start3A_979 = arith.constant 200 : i32
      %dma_start3A_980 = arith.constant 0 : i32
      %dma_start3A_981 = tpu.memref_slice %arg14[%dma_start3A_979, %dma_start3A_980] : memref<256x64xf32, #tpu.memory_space<vmem>> -> memref<8x64xf32, #tpu.memory_space<vmem>>
      %dma_start3A_982 = arith.constant 0 : i32
      %dma_start3A_983 = tpu.memref_slice %arg5[%multiple_of3A_978, %dma_start3A_982] : memref<1000000x64xf32, #tpu.memory_space<hbm>> -> memref<8x64xf32, #tpu.memory_space<hbm>>
      %dma_start3A_984 = arith.constant 200 : i32
      %dma_start3A_985 = arith.constant 0 : i32
      %dma_start3A_986 = tpu.memref_slice %arg14[%dma_start3A_984, %dma_start3A_985] : memref<256x64xf32, #tpu.memory_space<vmem>> -> memref<8x64xf32, #tpu.memory_space<vmem>>
      %dma_start3A_987 = arith.constant 0 : i32
      %dma_start3A_988 = tpu.memref_slice %arg5[%multiple_of3A_978, %dma_start3A_987] : memref<1000000x64xf32, #tpu.memory_space<hbm>> -> memref<8x64xf32, #tpu.memory_space<hbm>>
      tpu.enqueue_dma source(%dma_start3A_988 : memref<8x64xf32, #tpu.memory_space<hbm>>) target(%dma_start3A_986 : memref<8x64xf32, #tpu.memory_space<vmem>>) target_semaphore(%arg19 : memref<!tpu.dma_semaphore, #tpu.memory_space<semaphore_mem>>)
      %get3A_989 = arith.constant 26 : index
      %get3A_990 = tpu.vector_load %arg9[%get3A_989] {strides = array<i32>} : memref<48xi32, #tpu.memory_space<vmem>>, vector<16xi32>,
      %get3A_991 = vector.shape_cast %get3A_990 : vector<16xi32> to vector<16xi32>
      %slice3A_992 = vector.extract_strided_slice %get3A_991 {offsets = [0], sizes = [1], strides = [1]} : vector<16xi32> to vector<1xi32>
      %squeeze3A_993 = vector.extract %slice3A_992[0] : i32 from vector<1xi32>
      %shift_right_logical3A_994 = arith.constant 3 : i32
      %shift_right_logical3A_995 = arith.shrui %squeeze3A_993, %shift_right_logical3A_994 : i32
      %shift_left3A_996 = arith.constant 3 : i32
      %shift_left3A_997 = arith.shli %shift_right_logical3A_995, %shift_left3A_996 : i32
      %multiple_of3A_998 = tpu.assume_multiple %shift_left3A_997, 8 : i32
      %dma_start3A_999 = arith.constant 208 : i32
      %dma_start3A_1000 = arith.constant 0 : i32
      %dma_start3A_1001 = tpu.memref_slice %arg14[%dma_start3A_999, %dma_start3A_1000] : memref<256x64xf32, #tpu.memory_space<vmem>> -> memref<8x64xf32, #tpu.memory_space<vmem>>
      %dma_start3A_1002 = arith.constant 0 : i32
      %dma_start3A_1003 = tpu.memref_slice %arg5[%multiple_of3A_998, %dma_start3A_1002] : memref<1000000x64xf32, #tpu.memory_space<hbm>> -> memref<8x64xf32, #tpu.memory_space<hbm>>
      %dma_start3A_1004 = arith.constant 208 : i32
      %dma_start3A_1005 = arith.constant 0 : i32
      %dma_start3A_1006 = tpu.memref_slice %arg14[%dma_start3A_1004, %dma_start3A_1005] : memref<256x64xf32, #tpu.memory_space<vmem>> -> memref<8x64xf32, #tpu.memory_space<vmem>>
      %dma_start3A_1007 = arith.constant 0 : i32
      %dma_start3A_1008 = tpu.memref_slice %arg5[%multiple_of3A_998, %dma_start3A_1007] : memref<1000000x64xf32, #tpu.memory_space<hbm>> -> memref<8x64xf32, #tpu.memory_space<hbm>>
      tpu.enqueue_dma source(%dma_start3A_1008 : memref<8x64xf32, #tpu.memory_space<hbm>>) target(%dma_start3A_1006 : memref<8x64xf32, #tpu.memory_space<vmem>>) target_semaphore(%arg19 : memref<!tpu.dma_semaphore, #tpu.memory_space<semaphore_mem>>)
      %get3A_1009 = arith.constant 27 : index
      %get3A_1010 = tpu.vector_load %arg9[%get3A_1009] {strides = array<i32>} : memref<48xi32, #tpu.memory_space<vmem>>, vector<16xi32>,
      %get3A_1011 = vector.shape_cast %get3A_1010 : vector<16xi32> to vector<16xi32>
      %slice3A_1012 = vector.extract_strided_slice %get3A_1011 {offsets = [0], sizes = [1], strides = [1]} : vector<16xi32> to vector<1xi32>
      %squeeze3A_1013 = vector.extract %slice3A_1012[0] : i32 from vector<1xi32>
      %shift_right_logical3A_1014 = arith.constant 3 : i32
      %shift_right_logical3A_1015 = arith.shrui %squeeze3A_1013, %shift_right_logical3A_1014 : i32
      %shift_left3A_1016 = arith.constant 3 : i32
      %shift_left3A_1017 = arith.shli %shift_right_logical3A_1015, %shift_left3A_1016 : i32
      %multiple_of3A_1018 = tpu.assume_multiple %shift_left3A_1017, 8 : i32
      %dma_start3A_1019 = arith.constant 216 : i32
      %dma_start3A_1020 = arith.constant 0 : i32
      %dma_start3A_1021 = tpu.memref_slice %arg14[%dma_start3A_1019, %dma_start3A_1020] : memref<256x64xf32, #tpu.memory_space<vmem>> -> memref<8x64xf32, #tpu.memory_space<vmem>>
      %dma_start3A_1022 = arith.constant 0 : i32
      %dma_start3A_1023 = tpu.memref_slice %arg5[%multiple_of3A_1018, %dma_start3A_1022] : memref<1000000x64xf32, #tpu.memory_space<hbm>> -> memref<8x64xf32, #tpu.memory_space<hbm>>
      %dma_start3A_1024 = arith.constant 216 : i32
      %dma_start3A_1025 = arith.constant 0 : i32
      %dma_start3A_1026 = tpu.memref_slice %arg14[%dma_start3A_1024, %dma_start3A_1025] : memref<256x64xf32, #tpu.memory_space<vmem>> -> memref<8x64xf32, #tpu.memory_space<vmem>>
      %dma_start3A_1027 = arith.constant 0 : i32
      %dma_start3A_1028 = tpu.memref_slice %arg5[%multiple_of3A_1018, %dma_start3A_1027] : memref<1000000x64xf32, #tpu.memory_space<hbm>> -> memref<8x64xf32, #tpu.memory_space<hbm>>
      tpu.enqueue_dma source(%dma_start3A_1028 : memref<8x64xf32, #tpu.memory_space<hbm>>) target(%dma_start3A_1026 : memref<8x64xf32, #tpu.memory_space<vmem>>) target_semaphore(%arg19 : memref<!tpu.dma_semaphore, #tpu.memory_space<semaphore_mem>>)
      %get3A_1029 = arith.constant 28 : index
      %get3A_1030 = tpu.vector_load %arg9[%get3A_1029] {strides = array<i32>} : memref<48xi32, #tpu.memory_space<vmem>>, vector<16xi32>,
      %get3A_1031 = vector.shape_cast %get3A_1030 : vector<16xi32> to vector<16xi32>
      %slice3A_1032 = vector.extract_strided_slice %get3A_1031 {offsets = [0], sizes = [1], strides = [1]} : vector<16xi32> to vector<1xi32>
      %squeeze3A_1033 = vector.extract %slice3A_1032[0] : i32 from vector<1xi32>
      %shift_right_logical3A_1034 = arith.constant 3 : i32
      %shift_right_logical3A_1035 = arith.shrui %squeeze3A_1033, %shift_right_logical3A_1034 : i32
      %shift_left3A_1036 = arith.constant 3 : i32
      %shift_left3A_1037 = arith.shli %shift_right_logical3A_1035, %shift_left3A_1036 : i32
      %multiple_of3A_1038 = tpu.assume_multiple %shift_left3A_1037, 8 : i32
      %dma_start3A_1039 = arith.constant 224 : i32
      %dma_start3A_1040 = arith.constant 0 : i32
      %dma_start3A_1041 = tpu.memref_slice %arg14[%dma_start3A_1039, %dma_start3A_1040] : memref<256x64xf32, #tpu.memory_space<vmem>> -> memref<8x64xf32, #tpu.memory_space<vmem>>
      %dma_start3A_1042 = arith.constant 0 : i32
      %dma_start3A_1043 = tpu.memref_slice %arg5[%multiple_of3A_1038, %dma_start3A_1042] : memref<1000000x64xf32, #tpu.memory_space<hbm>> -> memref<8x64xf32, #tpu.memory_space<hbm>>
      %dma_start3A_1044 = arith.constant 224 : i32
      %dma_start3A_1045 = arith.constant 0 : i32
      %dma_start3A_1046 = tpu.memref_slice %arg14[%dma_start3A_1044, %dma_start3A_1045] : memref<256x64xf32, #tpu.memory_space<vmem>> -> memref<8x64xf32, #tpu.memory_space<vmem>>
      %dma_start3A_1047 = arith.constant 0 : i32
      %dma_start3A_1048 = tpu.memref_slice %arg5[%multiple_of3A_1038, %dma_start3A_1047] : memref<1000000x64xf32, #tpu.memory_space<hbm>> -> memref<8x64xf32, #tpu.memory_space<hbm>>
      tpu.enqueue_dma source(%dma_start3A_1048 : memref<8x64xf32, #tpu.memory_space<hbm>>) target(%dma_start3A_1046 : memref<8x64xf32, #tpu.memory_space<vmem>>) target_semaphore(%arg19 : memref<!tpu.dma_semaphore, #tpu.memory_space<semaphore_mem>>)
      %get3A_1049 = arith.constant 29 : index
      %get3A_1050 = tpu.vector_load %arg9[%get3A_1049] {strides = array<i32>} : memref<48xi32, #tpu.memory_space<vmem>>, vector<16xi32>,
      %get3A_1051 = vector.shape_cast %get3A_1050 : vector<16xi32> to vector<16xi32>
      %slice3A_1052 = vector.extract_strided_slice %get3A_1051 {offsets = [0], sizes = [1], strides = [1]} : vector<16xi32> to vector<1xi32>
      %squeeze3A_1053 = vector.extract %slice3A_1052[0] : i32 from vector<1xi32>
      %shift_right_logical3A_1054 = arith.constant 3 : i32
      %shift_right_logical3A_1055 = arith.shrui %squeeze3A_1053, %shift_right_logical3A_1054 : i32
      %shift_left3A_1056 = arith.constant 3 : i32
      %shift_left3A_1057 = arith.shli %shift_right_logical3A_1055, %shift_left3A_1056 : i32
      %multiple_of3A_1058 = tpu.assume_multiple %shift_left3A_1057, 8 : i32
      %dma_start3A_1059 = arith.constant 232 : i32
      %dma_start3A_1060 = arith.constant 0 : i32
      %dma_start3A_1061 = tpu.memref_slice %arg14[%dma_start3A_1059, %dma_start3A_1060] : memref<256x64xf32, #tpu.memory_space<vmem>> -> memref<8x64xf32, #tpu.memory_space<vmem>>
      %dma_start3A_1062 = arith.constant 0 : i32
      %dma_start3A_1063 = tpu.memref_slice %arg5[%multiple_of3A_1058, %dma_start3A_1062] : memref<1000000x64xf32, #tpu.memory_space<hbm>> -> memref<8x64xf32, #tpu.memory_space<hbm>>
      %dma_start3A_1064 = arith.constant 232 : i32
      %dma_start3A_1065 = arith.constant 0 : i32
      %dma_start3A_1066 = tpu.memref_slice %arg14[%dma_start3A_1064, %dma_start3A_1065] : memref<256x64xf32, #tpu.memory_space<vmem>> -> memref<8x64xf32, #tpu.memory_space<vmem>>
      %dma_start3A_1067 = arith.constant 0 : i32
      %dma_start3A_1068 = tpu.memref_slice %arg5[%multiple_of3A_1058, %dma_start3A_1067] : memref<1000000x64xf32, #tpu.memory_space<hbm>> -> memref<8x64xf32, #tpu.memory_space<hbm>>
      tpu.enqueue_dma source(%dma_start3A_1068 : memref<8x64xf32, #tpu.memory_space<hbm>>) target(%dma_start3A_1066 : memref<8x64xf32, #tpu.memory_space<vmem>>) target_semaphore(%arg19 : memref<!tpu.dma_semaphore, #tpu.memory_space<semaphore_mem>>)
      %get3A_1069 = arith.constant 30 : index
      %get3A_1070 = tpu.vector_load %arg9[%get3A_1069] {strides = array<i32>} : memref<48xi32, #tpu.memory_space<vmem>>, vector<16xi32>,
      %get3A_1071 = vector.shape_cast %get3A_1070 : vector<16xi32> to vector<16xi32>
      %slice3A_1072 = vector.extract_strided_slice %get3A_1071 {offsets = [0], sizes = [1], strides = [1]} : vector<16xi32> to vector<1xi32>
      %squeeze3A_1073 = vector.extract %slice3A_1072[0] : i32 from vector<1xi32>
      %shift_right_logical3A_1074 = arith.constant 3 : i32
      %shift_right_logical3A_1075 = arith.shrui %squeeze3A_1073, %shift_right_logical3A_1074 : i32
      %shift_left3A_1076 = arith.constant 3 : i32
      %shift_left3A_1077 = arith.shli %shift_right_logical3A_1075, %shift_left3A_1076 : i32
      %multiple_of3A_1078 = tpu.assume_multiple %shift_left3A_1077, 8 : i32
      %dma_start3A_1079 = arith.constant 240 : i32
      %dma_start3A_1080 = arith.constant 0 : i32
      %dma_start3A_1081 = tpu.memref_slice %arg14[%dma_start3A_1079, %dma_start3A_1080] : memref<256x64xf32, #tpu.memory_space<vmem>> -> memref<8x64xf32, #tpu.memory_space<vmem>>
      %dma_start3A_1082 = arith.constant 0 : i32
      %dma_start3A_1083 = tpu.memref_slice %arg5[%multiple_of3A_1078, %dma_start3A_1082] : memref<1000000x64xf32, #tpu.memory_space<hbm>> -> memref<8x64xf32, #tpu.memory_space<hbm>>
      %dma_start3A_1084 = arith.constant 240 : i32
      %dma_start3A_1085 = arith.constant 0 : i32
      %dma_start3A_1086 = tpu.memref_slice %arg14[%dma_start3A_1084, %dma_start3A_1085] : memref<256x64xf32, #tpu.memory_space<vmem>> -> memref<8x64xf32, #tpu.memory_space<vmem>>
      %dma_start3A_1087 = arith.constant 0 : i32
      %dma_start3A_1088 = tpu.memref_slice %arg5[%multiple_of3A_1078, %dma_start3A_1087] : memref<1000000x64xf32, #tpu.memory_space<hbm>> -> memref<8x64xf32, #tpu.memory_space<hbm>>
      tpu.enqueue_dma source(%dma_start3A_1088 : memref<8x64xf32, #tpu.memory_space<hbm>>) target(%dma_start3A_1086 : memref<8x64xf32, #tpu.memory_space<vmem>>) target_semaphore(%arg19 : memref<!tpu.dma_semaphore, #tpu.memory_space<semaphore_mem>>)
      %get3A_1089 = arith.constant 31 : index
      %get3A_1090 = tpu.vector_load %arg9[%get3A_1089] {strides = array<i32>} : memref<48xi32, #tpu.memory_space<vmem>>, vector<16xi32>,
      %get3A_1091 = vector.shape_cast %get3A_1090 : vector<16xi32> to vector<16xi32>
      %slice3A_1092 = vector.extract_strided_slice %get3A_1091 {offsets = [0], sizes = [1], strides = [1]} : vector<16xi32> to vector<1xi32>
      %squeeze3A_1093 = vector.extract %slice3A_1092[0] : i32 from vector<1xi32>
      %shift_right_logical3A_1094 = arith.constant 3 : i32
      %shift_right_logical3A_1095 = arith.shrui %squeeze3A_1093, %shift_right_logical3A_1094 : i32
      %shift_left3A_1096 = arith.constant 3 : i32
      %shift_left3A_1097 = arith.shli %shift_right_logical3A_1095, %shift_left3A_1096 : i32
      %multiple_of3A_1098 = tpu.assume_multiple %shift_left3A_1097, 8 : i32
      %dma_start3A_1099 = arith.constant 248 : i32
      %dma_start3A_1100 = arith.constant 0 : i32
      %dma_start3A_1101 = tpu.memref_slice %arg14[%dma_start3A_1099, %dma_start3A_1100] : memref<256x64xf32, #tpu.memory_space<vmem>> -> memref<8x64xf32, #tpu.memory_space<vmem>>
      %dma_start3A_1102 = arith.constant 0 : i32
      %dma_start3A_1103 = tpu.memref_slice %arg5[%multiple_of3A_1098, %dma_start3A_1102] : memref<1000000x64xf32, #tpu.memory_space<hbm>> -> memref<8x64xf32, #tpu.memory_space<hbm>>
      %dma_start3A_1104 = arith.constant 248 : i32
      %dma_start3A_1105 = arith.constant 0 : i32
      %dma_start3A_1106 = tpu.memref_slice %arg14[%dma_start3A_1104, %dma_start3A_1105] : memref<256x64xf32, #tpu.memory_space<vmem>> -> memref<8x64xf32, #tpu.memory_space<vmem>>
      %dma_start3A_1107 = arith.constant 0 : i32
      %dma_start3A_1108 = tpu.memref_slice %arg5[%multiple_of3A_1098, %dma_start3A_1107] : memref<1000000x64xf32, #tpu.memory_space<hbm>> -> memref<8x64xf32, #tpu.memory_space<hbm>>
      tpu.enqueue_dma source(%dma_start3A_1108 : memref<8x64xf32, #tpu.memory_space<hbm>>) target(%dma_start3A_1106 : memref<8x64xf32, #tpu.memory_space<vmem>>) target_semaphore(%arg19 : memref<!tpu.dma_semaphore, #tpu.memory_space<semaphore_mem>>)
      %dma_wait3A = arith.constant 0 : i32
      %dma_wait3A_1109 = arith.constant 0 : i32
      %dma_wait3A_1110 = tpu.memref_slice %arg6[%dma_wait3A, %dma_wait3A_1109] : memref<500000x128xf32, #tpu.memory_space<hbm>> -> memref<500000x128xf32, #tpu.memory_space<hbm>>
      tpu.wait_indirect_dma semaphore(%arg19 : memref<!tpu.dma_semaphore, #tpu.memory_space<semaphore_mem>>) src(%dma_wait3A_1110 : memref<500000x128xf32, #tpu.memory_space<hbm>>) dst(%arg15 : memref<32x128xf32, #tpu.memory_space<vmem>>)
      %dma_wait3A_1111 = arith.constant 0 : i32
      %dma_wait3A_1112 = arith.constant 0 : i32
      %dma_wait3A_1113 = tpu.memref_slice %arg16[%dma_wait3A_1111, %dma_wait3A_1112] : memref<640x128xf32, #tpu.memory_space<vmem>> -> memref<128x128xf32, #tpu.memory_space<vmem>>
      %dma_wait3A_1114 = arith.constant 0 : i32
      %dma_wait3A_1115 = tpu.memref_slice %arg13[%dma_wait3A_1114] : memref<640xi32, #tpu.memory_space<vmem>> -> memref<128xi32, #tpu.memory_space<vmem>>
      %dma_wait3A_1116 = arith.constant 0 : i32
      %dma_wait3A_1117 = arith.constant 0 : i32
      %dma_wait3A_1118 = tpu.memref_slice %arg6[%dma_wait3A_1116, %dma_wait3A_1117] : memref<500000x128xf32, #tpu.memory_space<hbm>> -> memref<500000x128xf32, #tpu.memory_space<hbm>>
      tpu.wait_indirect_dma semaphore(%arg19 : memref<!tpu.dma_semaphore, #tpu.memory_space<semaphore_mem>>) src(%dma_wait3A_1118 : memref<500000x128xf32, #tpu.memory_space<hbm>>) dst(%dma_wait3A_1113 : memref<128x128xf32, #tpu.memory_space<vmem>>)
      %dma_wait3A_1119 = arith.constant 128 : i32
      %dma_wait3A_1120 = arith.constant 0 : i32
      %dma_wait3A_1121 = tpu.memref_slice %arg16[%dma_wait3A_1119, %dma_wait3A_1120] : memref<640x128xf32, #tpu.memory_space<vmem>> -> memref<128x128xf32, #tpu.memory_space<vmem>>
      %dma_wait3A_1122 = arith.constant 128 : i32
      %dma_wait3A_1123 = tpu.memref_slice %arg13[%dma_wait3A_1122] : memref<640xi32, #tpu.memory_space<vmem>> -> memref<128xi32, #tpu.memory_space<vmem>>
      %dma_wait3A_1124 = arith.constant 0 : i32
      %dma_wait3A_1125 = arith.constant 0 : i32
      %dma_wait3A_1126 = tpu.memref_slice %arg6[%dma_wait3A_1124, %dma_wait3A_1125] : memref<500000x128xf32, #tpu.memory_space<hbm>> -> memref<500000x128xf32, #tpu.memory_space<hbm>>
      tpu.wait_indirect_dma semaphore(%arg19 : memref<!tpu.dma_semaphore, #tpu.memory_space<semaphore_mem>>) src(%dma_wait3A_1126 : memref<500000x128xf32, #tpu.memory_space<hbm>>) dst(%dma_wait3A_1121 : memref<128x128xf32, #tpu.memory_space<vmem>>)
      %dma_wait3A_1127 = arith.constant 256 : i32
      %dma_wait3A_1128 = arith.constant 0 : i32
      %dma_wait3A_1129 = tpu.memref_slice %arg16[%dma_wait3A_1127, %dma_wait3A_1128] : memref<640x128xf32, #tpu.memory_space<vmem>> -> memref<128x128xf32, #tpu.memory_space<vmem>>
      %dma_wait3A_1130 = arith.constant 256 : i32
      %dma_wait3A_1131 = tpu.memref_slice %arg13[%dma_wait3A_1130] : memref<640xi32, #tpu.memory_space<vmem>> -> memref<128xi32, #tpu.memory_space<vmem>>
      %dma_wait3A_1132 = arith.constant 0 : i32
      %dma_wait3A_1133 = arith.constant 0 : i32
      %dma_wait3A_1134 = tpu.memref_slice %arg6[%dma_wait3A_1132, %dma_wait3A_1133] : memref<500000x128xf32, #tpu.memory_space<hbm>> -> memref<500000x128xf32, #tpu.memory_space<hbm>>
      tpu.wait_indirect_dma semaphore(%arg19 : memref<!tpu.dma_semaphore, #tpu.memory_space<semaphore_mem>>) src(%dma_wait3A_1134 : memref<500000x128xf32, #tpu.memory_space<hbm>>) dst(%dma_wait3A_1129 : memref<128x128xf32, #tpu.memory_space<vmem>>)
      %dma_wait3A_1135 = arith.constant 384 : i32
      %dma_wait3A_1136 = arith.constant 0 : i32
      %dma_wait3A_1137 = tpu.memref_slice %arg16[%dma_wait3A_1135, %dma_wait3A_1136] : memref<640x128xf32, #tpu.memory_space<vmem>> -> memref<128x128xf32, #tpu.memory_space<vmem>>
      %dma_wait3A_1138 = arith.constant 384 : i32
      %dma_wait3A_1139 = tpu.memref_slice %arg13[%dma_wait3A_1138] : memref<640xi32, #tpu.memory_space<vmem>> -> memref<128xi32, #tpu.memory_space<vmem>>
      %dma_wait3A_1140 = arith.constant 0 : i32
      %dma_wait3A_1141 = arith.constant 0 : i32
      %dma_wait3A_1142 = tpu.memref_slice %arg6[%dma_wait3A_1140, %dma_wait3A_1141] : memref<500000x128xf32, #tpu.memory_space<hbm>> -> memref<500000x128xf32, #tpu.memory_space<hbm>>
      tpu.wait_indirect_dma semaphore(%arg19 : memref<!tpu.dma_semaphore, #tpu.memory_space<semaphore_mem>>) src(%dma_wait3A_1142 : memref<500000x128xf32, #tpu.memory_space<hbm>>) dst(%dma_wait3A_1137 : memref<128x128xf32, #tpu.memory_space<vmem>>)
      %dma_wait3A_1143 = arith.constant 512 : i32
      %dma_wait3A_1144 = arith.constant 0 : i32
      %dma_wait3A_1145 = tpu.memref_slice %arg16[%dma_wait3A_1143, %dma_wait3A_1144] : memref<640x128xf32, #tpu.memory_space<vmem>> -> memref<128x128xf32, #tpu.memory_space<vmem>>
      %dma_wait3A_1146 = arith.constant 512 : i32
      %dma_wait3A_1147 = tpu.memref_slice %arg13[%dma_wait3A_1146] : memref<640xi32, #tpu.memory_space<vmem>> -> memref<128xi32, #tpu.memory_space<vmem>>
      %dma_wait3A_1148 = arith.constant 0 : i32
      %dma_wait3A_1149 = arith.constant 0 : i32
      %dma_wait3A_1150 = tpu.memref_slice %arg6[%dma_wait3A_1148, %dma_wait3A_1149] : memref<500000x128xf32, #tpu.memory_space<hbm>> -> memref<500000x128xf32, #tpu.memory_space<hbm>>
      tpu.wait_indirect_dma semaphore(%arg19 : memref<!tpu.dma_semaphore, #tpu.memory_space<semaphore_mem>>) src(%dma_wait3A_1150 : memref<500000x128xf32, #tpu.memory_space<hbm>>) dst(%dma_wait3A_1145 : memref<128x128xf32, #tpu.memory_space<vmem>>)
      %dma_wait3A_1151 = arith.constant 0 : i32
      %dma_wait3A_1152 = arith.constant 0 : i32
      %dma_wait3A_1153 = tpu.memref_slice %arg14[%dma_wait3A_1151, %dma_wait3A_1152] : memref<256x64xf32, #tpu.memory_space<vmem>> -> memref<8x64xf32, #tpu.memory_space<vmem>>
      %dma_wait3A_1154 = arith.constant 0 : i32
      %dma_wait3A_1155 = tpu.memref_slice %arg5[%multiple_of3A, %dma_wait3A_1154] : memref<1000000x64xf32, #tpu.memory_space<hbm>> -> memref<8x64xf32, #tpu.memory_space<hbm>>
      %dma_wait3A_1156 = arith.constant 0 : i32
      %dma_wait3A_1157 = arith.constant 0 : i32
      %dma_wait3A_1158 = tpu.memref_slice %arg14[%dma_wait3A_1156, %dma_wait3A_1157] : memref<256x64xf32, #tpu.memory_space<vmem>> -> memref<8x64xf32, #tpu.memory_space<vmem>>
      %dma_wait3A_1159 = arith.constant 0 : i32
      %dma_wait3A_1160 = tpu.memref_slice %arg5[%multiple_of3A, %dma_wait3A_1159] : memref<1000000x64xf32, #tpu.memory_space<hbm>> -> memref<8x64xf32, #tpu.memory_space<hbm>>
      tpu.wait_dma2 semaphore(%arg19 : memref<!tpu.dma_semaphore, #tpu.memory_space<semaphore_mem>>) src(%dma_wait3A_1160 : memref<8x64xf32, #tpu.memory_space<hbm>>) dst(%dma_wait3A_1158 : memref<8x64xf32, #tpu.memory_space<vmem>>)
      %dma_wait3A_1161 = arith.constant 8 : i32
      %dma_wait3A_1162 = arith.constant 0 : i32
      %dma_wait3A_1163 = tpu.memref_slice %arg14[%dma_wait3A_1161, %dma_wait3A_1162] : memref<256x64xf32, #tpu.memory_space<vmem>> -> memref<8x64xf32, #tpu.memory_space<vmem>>
      %dma_wait3A_1164 = arith.constant 0 : i32
      %dma_wait3A_1165 = tpu.memref_slice %arg5[%multiple_of3A_498, %dma_wait3A_1164] : memref<1000000x64xf32, #tpu.memory_space<hbm>> -> memref<8x64xf32, #tpu.memory_space<hbm>>
      %dma_wait3A_1166 = arith.constant 8 : i32
      %dma_wait3A_1167 = arith.constant 0 : i32
      %dma_wait3A_1168 = tpu.memref_slice %arg14[%dma_wait3A_1166, %dma_wait3A_1167] : memref<256x64xf32, #tpu.memory_space<vmem>> -> memref<8x64xf32, #tpu.memory_space<vmem>>
      %dma_wait3A_1169 = arith.constant 0 : i32
      %dma_wait3A_1170 = tpu.memref_slice %arg5[%multiple_of3A_498, %dma_wait3A_1169] : memref<1000000x64xf32, #tpu.memory_space<hbm>> -> memref<8x64xf32, #tpu.memory_space<hbm>>
      tpu.wait_dma2 semaphore(%arg19 : memref<!tpu.dma_semaphore, #tpu.memory_space<semaphore_mem>>) src(%dma_wait3A_1170 : memref<8x64xf32, #tpu.memory_space<hbm>>) dst(%dma_wait3A_1168 : memref<8x64xf32, #tpu.memory_space<vmem>>)
      %dma_wait3A_1171 = arith.constant 16 : i32
      %dma_wait3A_1172 = arith.constant 0 : i32
      %dma_wait3A_1173 = tpu.memref_slice %arg14[%dma_wait3A_1171, %dma_wait3A_1172] : memref<256x64xf32, #tpu.memory_space<vmem>> -> memref<8x64xf32, #tpu.memory_space<vmem>>
      %dma_wait3A_1174 = arith.constant 0 : i32
      %dma_wait3A_1175 = tpu.memref_slice %arg5[%multiple_of3A_518, %dma_wait3A_1174] : memref<1000000x64xf32, #tpu.memory_space<hbm>> -> memref<8x64xf32, #tpu.memory_space<hbm>>
      %dma_wait3A_1176 = arith.constant 16 : i32
      %dma_wait3A_1177 = arith.constant 0 : i32
      %dma_wait3A_1178 = tpu.memref_slice %arg14[%dma_wait3A_1176, %dma_wait3A_1177] : memref<256x64xf32, #tpu.memory_space<vmem>> -> memref<8x64xf32, #tpu.memory_space<vmem>>
      %dma_wait3A_1179 = arith.constant 0 : i32
      %dma_wait3A_1180 = tpu.memref_slice %arg5[%multiple_of3A_518, %dma_wait3A_1179] : memref<1000000x64xf32, #tpu.memory_space<hbm>> -> memref<8x64xf32, #tpu.memory_space<hbm>>
      tpu.wait_dma2 semaphore(%arg19 : memref<!tpu.dma_semaphore, #tpu.memory_space<semaphore_mem>>) src(%dma_wait3A_1180 : memref<8x64xf32, #tpu.memory_space<hbm>>) dst(%dma_wait3A_1178 : memref<8x64xf32, #tpu.memory_space<vmem>>)
      %dma_wait3A_1181 = arith.constant 24 : i32
      %dma_wait3A_1182 = arith.constant 0 : i32
      %dma_wait3A_1183 = tpu.memref_slice %arg14[%dma_wait3A_1181, %dma_wait3A_1182] : memref<256x64xf32, #tpu.memory_space<vmem>> -> memref<8x64xf32, #tpu.memory_space<vmem>>
      %dma_wait3A_1184 = arith.constant 0 : i32
      %dma_wait3A_1185 = tpu.memref_slice %arg5[%multiple_of3A_538, %dma_wait3A_1184] : memref<1000000x64xf32, #tpu.memory_space<hbm>> -> memref<8x64xf32, #tpu.memory_space<hbm>>
      %dma_wait3A_1186 = arith.constant 24 : i32
      %dma_wait3A_1187 = arith.constant 0 : i32
      %dma_wait3A_1188 = tpu.memref_slice %arg14[%dma_wait3A_1186, %dma_wait3A_1187] : memref<256x64xf32, #tpu.memory_space<vmem>> -> memref<8x64xf32, #tpu.memory_space<vmem>>
      %dma_wait3A_1189 = arith.constant 0 : i32
      %dma_wait3A_1190 = tpu.memref_slice %arg5[%multiple_of3A_538, %dma_wait3A_1189] : memref<1000000x64xf32, #tpu.memory_space<hbm>> -> memref<8x64xf32, #tpu.memory_space<hbm>>
      tpu.wait_dma2 semaphore(%arg19 : memref<!tpu.dma_semaphore, #tpu.memory_space<semaphore_mem>>) src(%dma_wait3A_1190 : memref<8x64xf32, #tpu.memory_space<hbm>>) dst(%dma_wait3A_1188 : memref<8x64xf32, #tpu.memory_space<vmem>>)
      %dma_wait3A_1191 = arith.constant 32 : i32
      %dma_wait3A_1192 = arith.constant 0 : i32
      %dma_wait3A_1193 = tpu.memref_slice %arg14[%dma_wait3A_1191, %dma_wait3A_1192] : memref<256x64xf32, #tpu.memory_space<vmem>> -> memref<8x64xf32, #tpu.memory_space<vmem>>
      %dma_wait3A_1194 = arith.constant 0 : i32
      %dma_wait3A_1195 = tpu.memref_slice %arg5[%multiple_of3A_558, %dma_wait3A_1194] : memref<1000000x64xf32, #tpu.memory_space<hbm>> -> memref<8x64xf32, #tpu.memory_space<hbm>>
      %dma_wait3A_1196 = arith.constant 32 : i32
      %dma_wait3A_1197 = arith.constant 0 : i32
      %dma_wait3A_1198 = tpu.memref_slice %arg14[%dma_wait3A_1196, %dma_wait3A_1197] : memref<256x64xf32, #tpu.memory_space<vmem>> -> memref<8x64xf32, #tpu.memory_space<vmem>>
      %dma_wait3A_1199 = arith.constant 0 : i32
      %dma_wait3A_1200 = tpu.memref_slice %arg5[%multiple_of3A_558, %dma_wait3A_1199] : memref<1000000x64xf32, #tpu.memory_space<hbm>> -> memref<8x64xf32, #tpu.memory_space<hbm>>
      tpu.wait_dma2 semaphore(%arg19 : memref<!tpu.dma_semaphore, #tpu.memory_space<semaphore_mem>>) src(%dma_wait3A_1200 : memref<8x64xf32, #tpu.memory_space<hbm>>) dst(%dma_wait3A_1198 : memref<8x64xf32, #tpu.memory_space<vmem>>)
      %dma_wait3A_1201 = arith.constant 40 : i32
      %dma_wait3A_1202 = arith.constant 0 : i32
      %dma_wait3A_1203 = tpu.memref_slice %arg14[%dma_wait3A_1201, %dma_wait3A_1202] : memref<256x64xf32, #tpu.memory_space<vmem>> -> memref<8x64xf32, #tpu.memory_space<vmem>>
      %dma_wait3A_1204 = arith.constant 0 : i32
      %dma_wait3A_1205 = tpu.memref_slice %arg5[%multiple_of3A_578, %dma_wait3A_1204] : memref<1000000x64xf32, #tpu.memory_space<hbm>> -> memref<8x64xf32, #tpu.memory_space<hbm>>
      %dma_wait3A_1206 = arith.constant 40 : i32
      %dma_wait3A_1207 = arith.constant 0 : i32
      %dma_wait3A_1208 = tpu.memref_slice %arg14[%dma_wait3A_1206, %dma_wait3A_1207] : memref<256x64xf32, #tpu.memory_space<vmem>> -> memref<8x64xf32, #tpu.memory_space<vmem>>
      %dma_wait3A_1209 = arith.constant 0 : i32
      %dma_wait3A_1210 = tpu.memref_slice %arg5[%multiple_of3A_578, %dma_wait3A_1209] : memref<1000000x64xf32, #tpu.memory_space<hbm>> -> memref<8x64xf32, #tpu.memory_space<hbm>>
      tpu.wait_dma2 semaphore(%arg19 : memref<!tpu.dma_semaphore, #tpu.memory_space<semaphore_mem>>) src(%dma_wait3A_1210 : memref<8x64xf32, #tpu.memory_space<hbm>>) dst(%dma_wait3A_1208 : memref<8x64xf32, #tpu.memory_space<vmem>>)
      %dma_wait3A_1211 = arith.constant 48 : i32
      %dma_wait3A_1212 = arith.constant 0 : i32
      %dma_wait3A_1213 = tpu.memref_slice %arg14[%dma_wait3A_1211, %dma_wait3A_1212] : memref<256x64xf32, #tpu.memory_space<vmem>> -> memref<8x64xf32, #tpu.memory_space<vmem>>
      %dma_wait3A_1214 = arith.constant 0 : i32
      %dma_wait3A_1215 = tpu.memref_slice %arg5[%multiple_of3A_598, %dma_wait3A_1214] : memref<1000000x64xf32, #tpu.memory_space<hbm>> -> memref<8x64xf32, #tpu.memory_space<hbm>>
      %dma_wait3A_1216 = arith.constant 48 : i32
      %dma_wait3A_1217 = arith.constant 0 : i32
      %dma_wait3A_1218 = tpu.memref_slice %arg14[%dma_wait3A_1216, %dma_wait3A_1217] : memref<256x64xf32, #tpu.memory_space<vmem>> -> memref<8x64xf32, #tpu.memory_space<vmem>>
      %dma_wait3A_1219 = arith.constant 0 : i32
      %dma_wait3A_1220 = tpu.memref_slice %arg5[%multiple_of3A_598, %dma_wait3A_1219] : memref<1000000x64xf32, #tpu.memory_space<hbm>> -> memref<8x64xf32, #tpu.memory_space<hbm>>
      tpu.wait_dma2 semaphore(%arg19 : memref<!tpu.dma_semaphore, #tpu.memory_space<semaphore_mem>>) src(%dma_wait3A_1220 : memref<8x64xf32, #tpu.memory_space<hbm>>) dst(%dma_wait3A_1218 : memref<8x64xf32, #tpu.memory_space<vmem>>)
      %dma_wait3A_1221 = arith.constant 56 : i32
      %dma_wait3A_1222 = arith.constant 0 : i32
      %dma_wait3A_1223 = tpu.memref_slice %arg14[%dma_wait3A_1221, %dma_wait3A_1222] : memref<256x64xf32, #tpu.memory_space<vmem>> -> memref<8x64xf32, #tpu.memory_space<vmem>>
      %dma_wait3A_1224 = arith.constant 0 : i32
      %dma_wait3A_1225 = tpu.memref_slice %arg5[%multiple_of3A_618, %dma_wait3A_1224] : memref<1000000x64xf32, #tpu.memory_space<hbm>> -> memref<8x64xf32, #tpu.memory_space<hbm>>
      %dma_wait3A_1226 = arith.constant 56 : i32
      %dma_wait3A_1227 = arith.constant 0 : i32
      %dma_wait3A_1228 = tpu.memref_slice %arg14[%dma_wait3A_1226, %dma_wait3A_1227] : memref<256x64xf32, #tpu.memory_space<vmem>> -> memref<8x64xf32, #tpu.memory_space<vmem>>
      %dma_wait3A_1229 = arith.constant 0 : i32
      %dma_wait3A_1230 = tpu.memref_slice %arg5[%multiple_of3A_618, %dma_wait3A_1229] : memref<1000000x64xf32, #tpu.memory_space<hbm>> -> memref<8x64xf32, #tpu.memory_space<hbm>>
      tpu.wait_dma2 semaphore(%arg19 : memref<!tpu.dma_semaphore, #tpu.memory_space<semaphore_mem>>) src(%dma_wait3A_1230 : memref<8x64xf32, #tpu.memory_space<hbm>>) dst(%dma_wait3A_1228 : memref<8x64xf32, #tpu.memory_space<vmem>>)
      %dma_wait3A_1231 = arith.constant 64 : i32
      %dma_wait3A_1232 = arith.constant 0 : i32
      %dma_wait3A_1233 = tpu.memref_slice %arg14[%dma_wait3A_1231, %dma_wait3A_1232] : memref<256x64xf32, #tpu.memory_space<vmem>> -> memref<8x64xf32, #tpu.memory_space<vmem>>
      %dma_wait3A_1234 = arith.constant 0 : i32
      %dma_wait3A_1235 = tpu.memref_slice %arg5[%multiple_of3A_638, %dma_wait3A_1234] : memref<1000000x64xf32, #tpu.memory_space<hbm>> -> memref<8x64xf32, #tpu.memory_space<hbm>>
      %dma_wait3A_1236 = arith.constant 64 : i32
      %dma_wait3A_1237 = arith.constant 0 : i32
      %dma_wait3A_1238 = tpu.memref_slice %arg14[%dma_wait3A_1236, %dma_wait3A_1237] : memref<256x64xf32, #tpu.memory_space<vmem>> -> memref<8x64xf32, #tpu.memory_space<vmem>>
      %dma_wait3A_1239 = arith.constant 0 : i32
      %dma_wait3A_1240 = tpu.memref_slice %arg5[%multiple_of3A_638, %dma_wait3A_1239] : memref<1000000x64xf32, #tpu.memory_space<hbm>> -> memref<8x64xf32, #tpu.memory_space<hbm>>
      tpu.wait_dma2 semaphore(%arg19 : memref<!tpu.dma_semaphore, #tpu.memory_space<semaphore_mem>>) src(%dma_wait3A_1240 : memref<8x64xf32, #tpu.memory_space<hbm>>) dst(%dma_wait3A_1238 : memref<8x64xf32, #tpu.memory_space<vmem>>)
      %dma_wait3A_1241 = arith.constant 72 : i32
      %dma_wait3A_1242 = arith.constant 0 : i32
      %dma_wait3A_1243 = tpu.memref_slice %arg14[%dma_wait3A_1241, %dma_wait3A_1242] : memref<256x64xf32, #tpu.memory_space<vmem>> -> memref<8x64xf32, #tpu.memory_space<vmem>>
      %dma_wait3A_1244 = arith.constant 0 : i32
      %dma_wait3A_1245 = tpu.memref_slice %arg5[%multiple_of3A_658, %dma_wait3A_1244] : memref<1000000x64xf32, #tpu.memory_space<hbm>> -> memref<8x64xf32, #tpu.memory_space<hbm>>
      %dma_wait3A_1246 = arith.constant 72 : i32
      %dma_wait3A_1247 = arith.constant 0 : i32
      %dma_wait3A_1248 = tpu.memref_slice %arg14[%dma_wait3A_1246, %dma_wait3A_1247] : memref<256x64xf32, #tpu.memory_space<vmem>> -> memref<8x64xf32, #tpu.memory_space<vmem>>
      %dma_wait3A_1249 = arith.constant 0 : i32
      %dma_wait3A_1250 = tpu.memref_slice %arg5[%multiple_of3A_658, %dma_wait3A_1249] : memref<1000000x64xf32, #tpu.memory_space<hbm>> -> memref<8x64xf32, #tpu.memory_space<hbm>>
      tpu.wait_dma2 semaphore(%arg19 : memref<!tpu.dma_semaphore, #tpu.memory_space<semaphore_mem>>) src(%dma_wait3A_1250 : memref<8x64xf32, #tpu.memory_space<hbm>>) dst(%dma_wait3A_1248 : memref<8x64xf32, #tpu.memory_space<vmem>>)
      %dma_wait3A_1251 = arith.constant 80 : i32
      %dma_wait3A_1252 = arith.constant 0 : i32
      %dma_wait3A_1253 = tpu.memref_slice %arg14[%dma_wait3A_1251, %dma_wait3A_1252] : memref<256x64xf32, #tpu.memory_space<vmem>> -> memref<8x64xf32, #tpu.memory_space<vmem>>
      %dma_wait3A_1254 = arith.constant 0 : i32
      %dma_wait3A_1255 = tpu.memref_slice %arg5[%multiple_of3A_678, %dma_wait3A_1254] : memref<1000000x64xf32, #tpu.memory_space<hbm>> -> memref<8x64xf32, #tpu.memory_space<hbm>>
      %dma_wait3A_1256 = arith.constant 80 : i32
      %dma_wait3A_1257 = arith.constant 0 : i32
      %dma_wait3A_1258 = tpu.memref_slice %arg14[%dma_wait3A_1256, %dma_wait3A_1257] : memref<256x64xf32, #tpu.memory_space<vmem>> -> memref<8x64xf32, #tpu.memory_space<vmem>>
      %dma_wait3A_1259 = arith.constant 0 : i32
      %dma_wait3A_1260 = tpu.memref_slice %arg5[%multiple_of3A_678, %dma_wait3A_1259] : memref<1000000x64xf32, #tpu.memory_space<hbm>> -> memref<8x64xf32, #tpu.memory_space<hbm>>
      tpu.wait_dma2 semaphore(%arg19 : memref<!tpu.dma_semaphore, #tpu.memory_space<semaphore_mem>>) src(%dma_wait3A_1260 : memref<8x64xf32, #tpu.memory_space<hbm>>) dst(%dma_wait3A_1258 : memref<8x64xf32, #tpu.memory_space<vmem>>)
      %dma_wait3A_1261 = arith.constant 88 : i32
      %dma_wait3A_1262 = arith.constant 0 : i32
      %dma_wait3A_1263 = tpu.memref_slice %arg14[%dma_wait3A_1261, %dma_wait3A_1262] : memref<256x64xf32, #tpu.memory_space<vmem>> -> memref<8x64xf32, #tpu.memory_space<vmem>>
      %dma_wait3A_1264 = arith.constant 0 : i32
      %dma_wait3A_1265 = tpu.memref_slice %arg5[%multiple_of3A_698, %dma_wait3A_1264] : memref<1000000x64xf32, #tpu.memory_space<hbm>> -> memref<8x64xf32, #tpu.memory_space<hbm>>
      %dma_wait3A_1266 = arith.constant 88 : i32
      %dma_wait3A_1267 = arith.constant 0 : i32
      %dma_wait3A_1268 = tpu.memref_slice %arg14[%dma_wait3A_1266, %dma_wait3A_1267] : memref<256x64xf32, #tpu.memory_space<vmem>> -> memref<8x64xf32, #tpu.memory_space<vmem>>
      %dma_wait3A_1269 = arith.constant 0 : i32
      %dma_wait3A_1270 = tpu.memref_slice %arg5[%multiple_of3A_698, %dma_wait3A_1269] : memref<1000000x64xf32, #tpu.memory_space<hbm>> -> memref<8x64xf32, #tpu.memory_space<hbm>>
      tpu.wait_dma2 semaphore(%arg19 : memref<!tpu.dma_semaphore, #tpu.memory_space<semaphore_mem>>) src(%dma_wait3A_1270 : memref<8x64xf32, #tpu.memory_space<hbm>>) dst(%dma_wait3A_1268 : memref<8x64xf32, #tpu.memory_space<vmem>>)
      %dma_wait3A_1271 = arith.constant 96 : i32
      %dma_wait3A_1272 = arith.constant 0 : i32
      %dma_wait3A_1273 = tpu.memref_slice %arg14[%dma_wait3A_1271, %dma_wait3A_1272] : memref<256x64xf32, #tpu.memory_space<vmem>> -> memref<8x64xf32, #tpu.memory_space<vmem>>
      %dma_wait3A_1274 = arith.constant 0 : i32
      %dma_wait3A_1275 = tpu.memref_slice %arg5[%multiple_of3A_718, %dma_wait3A_1274] : memref<1000000x64xf32, #tpu.memory_space<hbm>> -> memref<8x64xf32, #tpu.memory_space<hbm>>
      %dma_wait3A_1276 = arith.constant 96 : i32
      %dma_wait3A_1277 = arith.constant 0 : i32
      %dma_wait3A_1278 = tpu.memref_slice %arg14[%dma_wait3A_1276, %dma_wait3A_1277] : memref<256x64xf32, #tpu.memory_space<vmem>> -> memref<8x64xf32, #tpu.memory_space<vmem>>
      %dma_wait3A_1279 = arith.constant 0 : i32
      %dma_wait3A_1280 = tpu.memref_slice %arg5[%multiple_of3A_718, %dma_wait3A_1279] : memref<1000000x64xf32, #tpu.memory_space<hbm>> -> memref<8x64xf32, #tpu.memory_space<hbm>>
      tpu.wait_dma2 semaphore(%arg19 : memref<!tpu.dma_semaphore, #tpu.memory_space<semaphore_mem>>) src(%dma_wait3A_1280 : memref<8x64xf32, #tpu.memory_space<hbm>>) dst(%dma_wait3A_1278 : memref<8x64xf32, #tpu.memory_space<vmem>>)
      %dma_wait3A_1281 = arith.constant 104 : i32
      %dma_wait3A_1282 = arith.constant 0 : i32
      %dma_wait3A_1283 = tpu.memref_slice %arg14[%dma_wait3A_1281, %dma_wait3A_1282] : memref<256x64xf32, #tpu.memory_space<vmem>> -> memref<8x64xf32, #tpu.memory_space<vmem>>
      %dma_wait3A_1284 = arith.constant 0 : i32
      %dma_wait3A_1285 = tpu.memref_slice %arg5[%multiple_of3A_738, %dma_wait3A_1284] : memref<1000000x64xf32, #tpu.memory_space<hbm>> -> memref<8x64xf32, #tpu.memory_space<hbm>>
      %dma_wait3A_1286 = arith.constant 104 : i32
      %dma_wait3A_1287 = arith.constant 0 : i32
      %dma_wait3A_1288 = tpu.memref_slice %arg14[%dma_wait3A_1286, %dma_wait3A_1287] : memref<256x64xf32, #tpu.memory_space<vmem>> -> memref<8x64xf32, #tpu.memory_space<vmem>>
      %dma_wait3A_1289 = arith.constant 0 : i32
      %dma_wait3A_1290 = tpu.memref_slice %arg5[%multiple_of3A_738, %dma_wait3A_1289] : memref<1000000x64xf32, #tpu.memory_space<hbm>> -> memref<8x64xf32, #tpu.memory_space<hbm>>
      tpu.wait_dma2 semaphore(%arg19 : memref<!tpu.dma_semaphore, #tpu.memory_space<semaphore_mem>>) src(%dma_wait3A_1290 : memref<8x64xf32, #tpu.memory_space<hbm>>) dst(%dma_wait3A_1288 : memref<8x64xf32, #tpu.memory_space<vmem>>)
      %dma_wait3A_1291 = arith.constant 112 : i32
      %dma_wait3A_1292 = arith.constant 0 : i32
      %dma_wait3A_1293 = tpu.memref_slice %arg14[%dma_wait3A_1291, %dma_wait3A_1292] : memref<256x64xf32, #tpu.memory_space<vmem>> -> memref<8x64xf32, #tpu.memory_space<vmem>>
      %dma_wait3A_1294 = arith.constant 0 : i32
      %dma_wait3A_1295 = tpu.memref_slice %arg5[%multiple_of3A_758, %dma_wait3A_1294] : memref<1000000x64xf32, #tpu.memory_space<hbm>> -> memref<8x64xf32, #tpu.memory_space<hbm>>
      %dma_wait3A_1296 = arith.constant 112 : i32
      %dma_wait3A_1297 = arith.constant 0 : i32
      %dma_wait3A_1298 = tpu.memref_slice %arg14[%dma_wait3A_1296, %dma_wait3A_1297] : memref<256x64xf32, #tpu.memory_space<vmem>> -> memref<8x64xf32, #tpu.memory_space<vmem>>
      %dma_wait3A_1299 = arith.constant 0 : i32
      %dma_wait3A_1300 = tpu.memref_slice %arg5[%multiple_of3A_758, %dma_wait3A_1299] : memref<1000000x64xf32, #tpu.memory_space<hbm>> -> memref<8x64xf32, #tpu.memory_space<hbm>>
      tpu.wait_dma2 semaphore(%arg19 : memref<!tpu.dma_semaphore, #tpu.memory_space<semaphore_mem>>) src(%dma_wait3A_1300 : memref<8x64xf32, #tpu.memory_space<hbm>>) dst(%dma_wait3A_1298 : memref<8x64xf32, #tpu.memory_space<vmem>>)
      %dma_wait3A_1301 = arith.constant 120 : i32
      %dma_wait3A_1302 = arith.constant 0 : i32
      %dma_wait3A_1303 = tpu.memref_slice %arg14[%dma_wait3A_1301, %dma_wait3A_1302] : memref<256x64xf32, #tpu.memory_space<vmem>> -> memref<8x64xf32, #tpu.memory_space<vmem>>
      %dma_wait3A_1304 = arith.constant 0 : i32
      %dma_wait3A_1305 = tpu.memref_slice %arg5[%multiple_of3A_778, %dma_wait3A_1304] : memref<1000000x64xf32, #tpu.memory_space<hbm>> -> memref<8x64xf32, #tpu.memory_space<hbm>>
      %dma_wait3A_1306 = arith.constant 120 : i32
      %dma_wait3A_1307 = arith.constant 0 : i32
      %dma_wait3A_1308 = tpu.memref_slice %arg14[%dma_wait3A_1306, %dma_wait3A_1307] : memref<256x64xf32, #tpu.memory_space<vmem>> -> memref<8x64xf32, #tpu.memory_space<vmem>>
      %dma_wait3A_1309 = arith.constant 0 : i32
      %dma_wait3A_1310 = tpu.memref_slice %arg5[%multiple_of3A_778, %dma_wait3A_1309] : memref<1000000x64xf32, #tpu.memory_space<hbm>> -> memref<8x64xf32, #tpu.memory_space<hbm>>
      tpu.wait_dma2 semaphore(%arg19 : memref<!tpu.dma_semaphore, #tpu.memory_space<semaphore_mem>>) src(%dma_wait3A_1310 : memref<8x64xf32, #tpu.memory_space<hbm>>) dst(%dma_wait3A_1308 : memref<8x64xf32, #tpu.memory_space<vmem>>)
      %dma_wait3A_1311 = arith.constant 128 : i32
      %dma_wait3A_1312 = arith.constant 0 : i32
      %dma_wait3A_1313 = tpu.memref_slice %arg14[%dma_wait3A_1311, %dma_wait3A_1312] : memref<256x64xf32, #tpu.memory_space<vmem>> -> memref<8x64xf32, #tpu.memory_space<vmem>>
      %dma_wait3A_1314 = arith.constant 0 : i32
      %dma_wait3A_1315 = tpu.memref_slice %arg5[%multiple_of3A_798, %dma_wait3A_1314] : memref<1000000x64xf32, #tpu.memory_space<hbm>> -> memref<8x64xf32, #tpu.memory_space<hbm>>
      %dma_wait3A_1316 = arith.constant 128 : i32
      %dma_wait3A_1317 = arith.constant 0 : i32
      %dma_wait3A_1318 = tpu.memref_slice %arg14[%dma_wait3A_1316, %dma_wait3A_1317] : memref<256x64xf32, #tpu.memory_space<vmem>> -> memref<8x64xf32, #tpu.memory_space<vmem>>
      %dma_wait3A_1319 = arith.constant 0 : i32
      %dma_wait3A_1320 = tpu.memref_slice %arg5[%multiple_of3A_798, %dma_wait3A_1319] : memref<1000000x64xf32, #tpu.memory_space<hbm>> -> memref<8x64xf32, #tpu.memory_space<hbm>>
      tpu.wait_dma2 semaphore(%arg19 : memref<!tpu.dma_semaphore, #tpu.memory_space<semaphore_mem>>) src(%dma_wait3A_1320 : memref<8x64xf32, #tpu.memory_space<hbm>>) dst(%dma_wait3A_1318 : memref<8x64xf32, #tpu.memory_space<vmem>>)
      %dma_wait3A_1321 = arith.constant 136 : i32
      %dma_wait3A_1322 = arith.constant 0 : i32
      %dma_wait3A_1323 = tpu.memref_slice %arg14[%dma_wait3A_1321, %dma_wait3A_1322] : memref<256x64xf32, #tpu.memory_space<vmem>> -> memref<8x64xf32, #tpu.memory_space<vmem>>
      %dma_wait3A_1324 = arith.constant 0 : i32
      %dma_wait3A_1325 = tpu.memref_slice %arg5[%multiple_of3A_818, %dma_wait3A_1324] : memref<1000000x64xf32, #tpu.memory_space<hbm>> -> memref<8x64xf32, #tpu.memory_space<hbm>>
      %dma_wait3A_1326 = arith.constant 136 : i32
      %dma_wait3A_1327 = arith.constant 0 : i32
      %dma_wait3A_1328 = tpu.memref_slice %arg14[%dma_wait3A_1326, %dma_wait3A_1327] : memref<256x64xf32, #tpu.memory_space<vmem>> -> memref<8x64xf32, #tpu.memory_space<vmem>>
      %dma_wait3A_1329 = arith.constant 0 : i32
      %dma_wait3A_1330 = tpu.memref_slice %arg5[%multiple_of3A_818, %dma_wait3A_1329] : memref<1000000x64xf32, #tpu.memory_space<hbm>> -> memref<8x64xf32, #tpu.memory_space<hbm>>
      tpu.wait_dma2 semaphore(%arg19 : memref<!tpu.dma_semaphore, #tpu.memory_space<semaphore_mem>>) src(%dma_wait3A_1330 : memref<8x64xf32, #tpu.memory_space<hbm>>) dst(%dma_wait3A_1328 : memref<8x64xf32, #tpu.memory_space<vmem>>)
      %dma_wait3A_1331 = arith.constant 144 : i32
      %dma_wait3A_1332 = arith.constant 0 : i32
      %dma_wait3A_1333 = tpu.memref_slice %arg14[%dma_wait3A_1331, %dma_wait3A_1332] : memref<256x64xf32, #tpu.memory_space<vmem>> -> memref<8x64xf32, #tpu.memory_space<vmem>>
      %dma_wait3A_1334 = arith.constant 0 : i32
      %dma_wait3A_1335 = tpu.memref_slice %arg5[%multiple_of3A_838, %dma_wait3A_1334] : memref<1000000x64xf32, #tpu.memory_space<hbm>> -> memref<8x64xf32, #tpu.memory_space<hbm>>
      %dma_wait3A_1336 = arith.constant 144 : i32
      %dma_wait3A_1337 = arith.constant 0 : i32
      %dma_wait3A_1338 = tpu.memref_slice %arg14[%dma_wait3A_1336, %dma_wait3A_1337] : memref<256x64xf32, #tpu.memory_space<vmem>> -> memref<8x64xf32, #tpu.memory_space<vmem>>
      %dma_wait3A_1339 = arith.constant 0 : i32
      %dma_wait3A_1340 = tpu.memref_slice %arg5[%multiple_of3A_838, %dma_wait3A_1339] : memref<1000000x64xf32, #tpu.memory_space<hbm>> -> memref<8x64xf32, #tpu.memory_space<hbm>>
      tpu.wait_dma2 semaphore(%arg19 : memref<!tpu.dma_semaphore, #tpu.memory_space<semaphore_mem>>) src(%dma_wait3A_1340 : memref<8x64xf32, #tpu.memory_space<hbm>>) dst(%dma_wait3A_1338 : memref<8x64xf32, #tpu.memory_space<vmem>>)
      %dma_wait3A_1341 = arith.constant 152 : i32
      %dma_wait3A_1342 = arith.constant 0 : i32
      %dma_wait3A_1343 = tpu.memref_slice %arg14[%dma_wait3A_1341, %dma_wait3A_1342] : memref<256x64xf32, #tpu.memory_space<vmem>> -> memref<8x64xf32, #tpu.memory_space<vmem>>
      %dma_wait3A_1344 = arith.constant 0 : i32
      %dma_wait3A_1345 = tpu.memref_slice %arg5[%multiple_of3A_858, %dma_wait3A_1344] : memref<1000000x64xf32, #tpu.memory_space<hbm>> -> memref<8x64xf32, #tpu.memory_space<hbm>>
      %dma_wait3A_1346 = arith.constant 152 : i32
      %dma_wait3A_1347 = arith.constant 0 : i32
      %dma_wait3A_1348 = tpu.memref_slice %arg14[%dma_wait3A_1346, %dma_wait3A_1347] : memref<256x64xf32, #tpu.memory_space<vmem>> -> memref<8x64xf32, #tpu.memory_space<vmem>>
      %dma_wait3A_1349 = arith.constant 0 : i32
      %dma_wait3A_1350 = tpu.memref_slice %arg5[%multiple_of3A_858, %dma_wait3A_1349] : memref<1000000x64xf32, #tpu.memory_space<hbm>> -> memref<8x64xf32, #tpu.memory_space<hbm>>
      tpu.wait_dma2 semaphore(%arg19 : memref<!tpu.dma_semaphore, #tpu.memory_space<semaphore_mem>>) src(%dma_wait3A_1350 : memref<8x64xf32, #tpu.memory_space<hbm>>) dst(%dma_wait3A_1348 : memref<8x64xf32, #tpu.memory_space<vmem>>)
      %dma_wait3A_1351 = arith.constant 160 : i32
      %dma_wait3A_1352 = arith.constant 0 : i32
      %dma_wait3A_1353 = tpu.memref_slice %arg14[%dma_wait3A_1351, %dma_wait3A_1352] : memref<256x64xf32, #tpu.memory_space<vmem>> -> memref<8x64xf32, #tpu.memory_space<vmem>>
      %dma_wait3A_1354 = arith.constant 0 : i32
      %dma_wait3A_1355 = tpu.memref_slice %arg5[%multiple_of3A_878, %dma_wait3A_1354] : memref<1000000x64xf32, #tpu.memory_space<hbm>> -> memref<8x64xf32, #tpu.memory_space<hbm>>
      %dma_wait3A_1356 = arith.constant 160 : i32
      %dma_wait3A_1357 = arith.constant 0 : i32
      %dma_wait3A_1358 = tpu.memref_slice %arg14[%dma_wait3A_1356, %dma_wait3A_1357] : memref<256x64xf32, #tpu.memory_space<vmem>> -> memref<8x64xf32, #tpu.memory_space<vmem>>
      %dma_wait3A_1359 = arith.constant 0 : i32
      %dma_wait3A_1360 = tpu.memref_slice %arg5[%multiple_of3A_878, %dma_wait3A_1359] : memref<1000000x64xf32, #tpu.memory_space<hbm>> -> memref<8x64xf32, #tpu.memory_space<hbm>>
      tpu.wait_dma2 semaphore(%arg19 : memref<!tpu.dma_semaphore, #tpu.memory_space<semaphore_mem>>) src(%dma_wait3A_1360 : memref<8x64xf32, #tpu.memory_space<hbm>>) dst(%dma_wait3A_1358 : memref<8x64xf32, #tpu.memory_space<vmem>>)
      %dma_wait3A_1361 = arith.constant 168 : i32
      %dma_wait3A_1362 = arith.constant 0 : i32
      %dma_wait3A_1363 = tpu.memref_slice %arg14[%dma_wait3A_1361, %dma_wait3A_1362] : memref<256x64xf32, #tpu.memory_space<vmem>> -> memref<8x64xf32, #tpu.memory_space<vmem>>
      %dma_wait3A_1364 = arith.constant 0 : i32
      %dma_wait3A_1365 = tpu.memref_slice %arg5[%multiple_of3A_898, %dma_wait3A_1364] : memref<1000000x64xf32, #tpu.memory_space<hbm>> -> memref<8x64xf32, #tpu.memory_space<hbm>>
      %dma_wait3A_1366 = arith.constant 168 : i32
      %dma_wait3A_1367 = arith.constant 0 : i32
      %dma_wait3A_1368 = tpu.memref_slice %arg14[%dma_wait3A_1366, %dma_wait3A_1367] : memref<256x64xf32, #tpu.memory_space<vmem>> -> memref<8x64xf32, #tpu.memory_space<vmem>>
      %dma_wait3A_1369 = arith.constant 0 : i32
      %dma_wait3A_1370 = tpu.memref_slice %arg5[%multiple_of3A_898, %dma_wait3A_1369] : memref<1000000x64xf32, #tpu.memory_space<hbm>> -> memref<8x64xf32, #tpu.memory_space<hbm>>
      tpu.wait_dma2 semaphore(%arg19 : memref<!tpu.dma_semaphore, #tpu.memory_space<semaphore_mem>>) src(%dma_wait3A_1370 : memref<8x64xf32, #tpu.memory_space<hbm>>) dst(%dma_wait3A_1368 : memref<8x64xf32, #tpu.memory_space<vmem>>)
      %dma_wait3A_1371 = arith.constant 176 : i32
      %dma_wait3A_1372 = arith.constant 0 : i32
      %dma_wait3A_1373 = tpu.memref_slice %arg14[%dma_wait3A_1371, %dma_wait3A_1372] : memref<256x64xf32, #tpu.memory_space<vmem>> -> memref<8x64xf32, #tpu.memory_space<vmem>>
      %dma_wait3A_1374 = arith.constant 0 : i32
      %dma_wait3A_1375 = tpu.memref_slice %arg5[%multiple_of3A_918, %dma_wait3A_1374] : memref<1000000x64xf32, #tpu.memory_space<hbm>> -> memref<8x64xf32, #tpu.memory_space<hbm>>
      %dma_wait3A_1376 = arith.constant 176 : i32
      %dma_wait3A_1377 = arith.constant 0 : i32
      %dma_wait3A_1378 = tpu.memref_slice %arg14[%dma_wait3A_1376, %dma_wait3A_1377] : memref<256x64xf32, #tpu.memory_space<vmem>> -> memref<8x64xf32, #tpu.memory_space<vmem>>
      %dma_wait3A_1379 = arith.constant 0 : i32
      %dma_wait3A_1380 = tpu.memref_slice %arg5[%multiple_of3A_918, %dma_wait3A_1379] : memref<1000000x64xf32, #tpu.memory_space<hbm>> -> memref<8x64xf32, #tpu.memory_space<hbm>>
      tpu.wait_dma2 semaphore(%arg19 : memref<!tpu.dma_semaphore, #tpu.memory_space<semaphore_mem>>) src(%dma_wait3A_1380 : memref<8x64xf32, #tpu.memory_space<hbm>>) dst(%dma_wait3A_1378 : memref<8x64xf32, #tpu.memory_space<vmem>>)
      %dma_wait3A_1381 = arith.constant 184 : i32
      %dma_wait3A_1382 = arith.constant 0 : i32
      %dma_wait3A_1383 = tpu.memref_slice %arg14[%dma_wait3A_1381, %dma_wait3A_1382] : memref<256x64xf32, #tpu.memory_space<vmem>> -> memref<8x64xf32, #tpu.memory_space<vmem>>
      %dma_wait3A_1384 = arith.constant 0 : i32
      %dma_wait3A_1385 = tpu.memref_slice %arg5[%multiple_of3A_938, %dma_wait3A_1384] : memref<1000000x64xf32, #tpu.memory_space<hbm>> -> memref<8x64xf32, #tpu.memory_space<hbm>>
      %dma_wait3A_1386 = arith.constant 184 : i32
      %dma_wait3A_1387 = arith.constant 0 : i32
      %dma_wait3A_1388 = tpu.memref_slice %arg14[%dma_wait3A_1386, %dma_wait3A_1387] : memref<256x64xf32, #tpu.memory_space<vmem>> -> memref<8x64xf32, #tpu.memory_space<vmem>>
      %dma_wait3A_1389 = arith.constant 0 : i32
      %dma_wait3A_1390 = tpu.memref_slice %arg5[%multiple_of3A_938, %dma_wait3A_1389] : memref<1000000x64xf32, #tpu.memory_space<hbm>> -> memref<8x64xf32, #tpu.memory_space<hbm>>
      tpu.wait_dma2 semaphore(%arg19 : memref<!tpu.dma_semaphore, #tpu.memory_space<semaphore_mem>>) src(%dma_wait3A_1390 : memref<8x64xf32, #tpu.memory_space<hbm>>) dst(%dma_wait3A_1388 : memref<8x64xf32, #tpu.memory_space<vmem>>)
      %dma_wait3A_1391 = arith.constant 192 : i32
      %dma_wait3A_1392 = arith.constant 0 : i32
      %dma_wait3A_1393 = tpu.memref_slice %arg14[%dma_wait3A_1391, %dma_wait3A_1392] : memref<256x64xf32, #tpu.memory_space<vmem>> -> memref<8x64xf32, #tpu.memory_space<vmem>>
      %dma_wait3A_1394 = arith.constant 0 : i32
      %dma_wait3A_1395 = tpu.memref_slice %arg5[%multiple_of3A_958, %dma_wait3A_1394] : memref<1000000x64xf32, #tpu.memory_space<hbm>> -> memref<8x64xf32, #tpu.memory_space<hbm>>
      %dma_wait3A_1396 = arith.constant 192 : i32
      %dma_wait3A_1397 = arith.constant 0 : i32
      %dma_wait3A_1398 = tpu.memref_slice %arg14[%dma_wait3A_1396, %dma_wait3A_1397] : memref<256x64xf32, #tpu.memory_space<vmem>> -> memref<8x64xf32, #tpu.memory_space<vmem>>
      %dma_wait3A_1399 = arith.constant 0 : i32
      %dma_wait3A_1400 = tpu.memref_slice %arg5[%multiple_of3A_958, %dma_wait3A_1399] : memref<1000000x64xf32, #tpu.memory_space<hbm>> -> memref<8x64xf32, #tpu.memory_space<hbm>>
      tpu.wait_dma2 semaphore(%arg19 : memref<!tpu.dma_semaphore, #tpu.memory_space<semaphore_mem>>) src(%dma_wait3A_1400 : memref<8x64xf32, #tpu.memory_space<hbm>>) dst(%dma_wait3A_1398 : memref<8x64xf32, #tpu.memory_space<vmem>>)
      %dma_wait3A_1401 = arith.constant 200 : i32
      %dma_wait3A_1402 = arith.constant 0 : i32
      %dma_wait3A_1403 = tpu.memref_slice %arg14[%dma_wait3A_1401, %dma_wait3A_1402] : memref<256x64xf32, #tpu.memory_space<vmem>> -> memref<8x64xf32, #tpu.memory_space<vmem>>
      %dma_wait3A_1404 = arith.constant 0 : i32
      %dma_wait3A_1405 = tpu.memref_slice %arg5[%multiple_of3A_978, %dma_wait3A_1404] : memref<1000000x64xf32, #tpu.memory_space<hbm>> -> memref<8x64xf32, #tpu.memory_space<hbm>>
      %dma_wait3A_1406 = arith.constant 200 : i32
      %dma_wait3A_1407 = arith.constant 0 : i32
      %dma_wait3A_1408 = tpu.memref_slice %arg14[%dma_wait3A_1406, %dma_wait3A_1407] : memref<256x64xf32, #tpu.memory_space<vmem>> -> memref<8x64xf32, #tpu.memory_space<vmem>>
      %dma_wait3A_1409 = arith.constant 0 : i32
      %dma_wait3A_1410 = tpu.memref_slice %arg5[%multiple_of3A_978, %dma_wait3A_1409] : memref<1000000x64xf32, #tpu.memory_space<hbm>> -> memref<8x64xf32, #tpu.memory_space<hbm>>
      tpu.wait_dma2 semaphore(%arg19 : memref<!tpu.dma_semaphore, #tpu.memory_space<semaphore_mem>>) src(%dma_wait3A_1410 : memref<8x64xf32, #tpu.memory_space<hbm>>) dst(%dma_wait3A_1408 : memref<8x64xf32, #tpu.memory_space<vmem>>)
      %dma_wait3A_1411 = arith.constant 208 : i32
      %dma_wait3A_1412 = arith.constant 0 : i32
      %dma_wait3A_1413 = tpu.memref_slice %arg14[%dma_wait3A_1411, %dma_wait3A_1412] : memref<256x64xf32, #tpu.memory_space<vmem>> -> memref<8x64xf32, #tpu.memory_space<vmem>>
      %dma_wait3A_1414 = arith.constant 0 : i32
      %dma_wait3A_1415 = tpu.memref_slice %arg5[%multiple_of3A_998, %dma_wait3A_1414] : memref<1000000x64xf32, #tpu.memory_space<hbm>> -> memref<8x64xf32, #tpu.memory_space<hbm>>
      %dma_wait3A_1416 = arith.constant 208 : i32
      %dma_wait3A_1417 = arith.constant 0 : i32
      %dma_wait3A_1418 = tpu.memref_slice %arg14[%dma_wait3A_1416, %dma_wait3A_1417] : memref<256x64xf32, #tpu.memory_space<vmem>> -> memref<8x64xf32, #tpu.memory_space<vmem>>
      %dma_wait3A_1419 = arith.constant 0 : i32
      %dma_wait3A_1420 = tpu.memref_slice %arg5[%multiple_of3A_998, %dma_wait3A_1419] : memref<1000000x64xf32, #tpu.memory_space<hbm>> -> memref<8x64xf32, #tpu.memory_space<hbm>>
      tpu.wait_dma2 semaphore(%arg19 : memref<!tpu.dma_semaphore, #tpu.memory_space<semaphore_mem>>) src(%dma_wait3A_1420 : memref<8x64xf32, #tpu.memory_space<hbm>>) dst(%dma_wait3A_1418 : memref<8x64xf32, #tpu.memory_space<vmem>>)
      %dma_wait3A_1421 = arith.constant 216 : i32
      %dma_wait3A_1422 = arith.constant 0 : i32
      %dma_wait3A_1423 = tpu.memref_slice %arg14[%dma_wait3A_1421, %dma_wait3A_1422] : memref<256x64xf32, #tpu.memory_space<vmem>> -> memref<8x64xf32, #tpu.memory_space<vmem>>
      %dma_wait3A_1424 = arith.constant 0 : i32
      %dma_wait3A_1425 = tpu.memref_slice %arg5[%multiple_of3A_1018, %dma_wait3A_1424] : memref<1000000x64xf32, #tpu.memory_space<hbm>> -> memref<8x64xf32, #tpu.memory_space<hbm>>
      %dma_wait3A_1426 = arith.constant 216 : i32
      %dma_wait3A_1427 = arith.constant 0 : i32
      %dma_wait3A_1428 = tpu.memref_slice %arg14[%dma_wait3A_1426, %dma_wait3A_1427] : memref<256x64xf32, #tpu.memory_space<vmem>> -> memref<8x64xf32, #tpu.memory_space<vmem>>
      %dma_wait3A_1429 = arith.constant 0 : i32
      %dma_wait3A_1430 = tpu.memref_slice %arg5[%multiple_of3A_1018, %dma_wait3A_1429] : memref<1000000x64xf32, #tpu.memory_space<hbm>> -> memref<8x64xf32, #tpu.memory_space<hbm>>
      tpu.wait_dma2 semaphore(%arg19 : memref<!tpu.dma_semaphore, #tpu.memory_space<semaphore_mem>>) src(%dma_wait3A_1430 : memref<8x64xf32, #tpu.memory_space<hbm>>) dst(%dma_wait3A_1428 : memref<8x64xf32, #tpu.memory_space<vmem>>)
      %dma_wait3A_1431 = arith.constant 224 : i32
      %dma_wait3A_1432 = arith.constant 0 : i32
      %dma_wait3A_1433 = tpu.memref_slice %arg14[%dma_wait3A_1431, %dma_wait3A_1432] : memref<256x64xf32, #tpu.memory_space<vmem>> -> memref<8x64xf32, #tpu.memory_space<vmem>>
      %dma_wait3A_1434 = arith.constant 0 : i32
      %dma_wait3A_1435 = tpu.memref_slice %arg5[%multiple_of3A_1038, %dma_wait3A_1434] : memref<1000000x64xf32, #tpu.memory_space<hbm>> -> memref<8x64xf32, #tpu.memory_space<hbm>>
      %dma_wait3A_1436 = arith.constant 224 : i32
      %dma_wait3A_1437 = arith.constant 0 : i32
      %dma_wait3A_1438 = tpu.memref_slice %arg14[%dma_wait3A_1436, %dma_wait3A_1437] : memref<256x64xf32, #tpu.memory_space<vmem>> -> memref<8x64xf32, #tpu.memory_space<vmem>>
      %dma_wait3A_1439 = arith.constant 0 : i32
      %dma_wait3A_1440 = tpu.memref_slice %arg5[%multiple_of3A_1038, %dma_wait3A_1439] : memref<1000000x64xf32, #tpu.memory_space<hbm>> -> memref<8x64xf32, #tpu.memory_space<hbm>>
      tpu.wait_dma2 semaphore(%arg19 : memref<!tpu.dma_semaphore, #tpu.memory_space<semaphore_mem>>) src(%dma_wait3A_1440 : memref<8x64xf32, #tpu.memory_space<hbm>>) dst(%dma_wait3A_1438 : memref<8x64xf32, #tpu.memory_space<vmem>>)
      %dma_wait3A_1441 = arith.constant 232 : i32
      %dma_wait3A_1442 = arith.constant 0 : i32
      %dma_wait3A_1443 = tpu.memref_slice %arg14[%dma_wait3A_1441, %dma_wait3A_1442] : memref<256x64xf32, #tpu.memory_space<vmem>> -> memref<8x64xf32, #tpu.memory_space<vmem>>
      %dma_wait3A_1444 = arith.constant 0 : i32
      %dma_wait3A_1445 = tpu.memref_slice %arg5[%multiple_of3A_1058, %dma_wait3A_1444] : memref<1000000x64xf32, #tpu.memory_space<hbm>> -> memref<8x64xf32, #tpu.memory_space<hbm>>
      %dma_wait3A_1446 = arith.constant 232 : i32
      %dma_wait3A_1447 = arith.constant 0 : i32
      %dma_wait3A_1448 = tpu.memref_slice %arg14[%dma_wait3A_1446, %dma_wait3A_1447] : memref<256x64xf32, #tpu.memory_space<vmem>> -> memref<8x64xf32, #tpu.memory_space<vmem>>
      %dma_wait3A_1449 = arith.constant 0 : i32
      %dma_wait3A_1450 = tpu.memref_slice %arg5[%multiple_of3A_1058, %dma_wait3A_1449] : memref<1000000x64xf32, #tpu.memory_space<hbm>> -> memref<8x64xf32, #tpu.memory_space<hbm>>
      tpu.wait_dma2 semaphore(%arg19 : memref<!tpu.dma_semaphore, #tpu.memory_space<semaphore_mem>>) src(%dma_wait3A_1450 : memref<8x64xf32, #tpu.memory_space<hbm>>) dst(%dma_wait3A_1448 : memref<8x64xf32, #tpu.memory_space<vmem>>)
      %dma_wait3A_1451 = arith.constant 240 : i32
      %dma_wait3A_1452 = arith.constant 0 : i32
      %dma_wait3A_1453 = tpu.memref_slice %arg14[%dma_wait3A_1451, %dma_wait3A_1452] : memref<256x64xf32, #tpu.memory_space<vmem>> -> memref<8x64xf32, #tpu.memory_space<vmem>>
      %dma_wait3A_1454 = arith.constant 0 : i32
      %dma_wait3A_1455 = tpu.memref_slice %arg5[%multiple_of3A_1078, %dma_wait3A_1454] : memref<1000000x64xf32, #tpu.memory_space<hbm>> -> memref<8x64xf32, #tpu.memory_space<hbm>>
      %dma_wait3A_1456 = arith.constant 240 : i32
      %dma_wait3A_1457 = arith.constant 0 : i32
      %dma_wait3A_1458 = tpu.memref_slice %arg14[%dma_wait3A_1456, %dma_wait3A_1457] : memref<256x64xf32, #tpu.memory_space<vmem>> -> memref<8x64xf32, #tpu.memory_space<vmem>>
      %dma_wait3A_1459 = arith.constant 0 : i32
      %dma_wait3A_1460 = tpu.memref_slice %arg5[%multiple_of3A_1078, %dma_wait3A_1459] : memref<1000000x64xf32, #tpu.memory_space<hbm>> -> memref<8x64xf32, #tpu.memory_space<hbm>>
      tpu.wait_dma2 semaphore(%arg19 : memref<!tpu.dma_semaphore, #tpu.memory_space<semaphore_mem>>) src(%dma_wait3A_1460 : memref<8x64xf32, #tpu.memory_space<hbm>>) dst(%dma_wait3A_1458 : memref<8x64xf32, #tpu.memory_space<vmem>>)
      %dma_wait3A_1461 = arith.constant 248 : i32
      %dma_wait3A_1462 = arith.constant 0 : i32
      %dma_wait3A_1463 = tpu.memref_slice %arg14[%dma_wait3A_1461, %dma_wait3A_1462] : memref<256x64xf32, #tpu.memory_space<vmem>> -> memref<8x64xf32, #tpu.memory_space<vmem>>
      %dma_wait3A_1464 = arith.constant 0 : i32
      %dma_wait3A_1465 = tpu.memref_slice %arg5[%multiple_of3A_1098, %dma_wait3A_1464] : memref<1000000x64xf32, #tpu.memory_space<hbm>> -> memref<8x64xf32, #tpu.memory_space<hbm>>
      %dma_wait3A_1466 = arith.constant 248 : i32
      %dma_wait3A_1467 = arith.constant 0 : i32
      %dma_wait3A_1468 = tpu.memref_slice %arg14[%dma_wait3A_1466, %dma_wait3A_1467] : memref<256x64xf32, #tpu.memory_space<vmem>> -> memref<8x64xf32, #tpu.memory_space<vmem>>
      %dma_wait3A_1469 = arith.constant 0 : i32
      %dma_wait3A_1470 = tpu.memref_slice %arg5[%multiple_of3A_1098, %dma_wait3A_1469] : memref<1000000x64xf32, #tpu.memory_space<hbm>> -> memref<8x64xf32, #tpu.memory_space<hbm>>
      tpu.wait_dma2 semaphore(%arg19 : memref<!tpu.dma_semaphore, #tpu.memory_space<semaphore_mem>>) src(%dma_wait3A_1470 : memref<8x64xf32, #tpu.memory_space<hbm>>) dst(%dma_wait3A_1468 : memref<8x64xf32, #tpu.memory_space<vmem>>)
      %scan3A_1471 = arith.constant 0 : i32
      %scan3A_1472 = arith.constant 0 : i32
      %scan3A_1473 = arith.constant 32 : i32
      %scan3A_1474 = arith.addi %scan3A_1472, %scan3A_1473 : i32
      %scan3A_1475 = arith.constant 1 : i32
      scf.for %scan3A_1477 = %scan3A_1472 to %scan3A_1474 step %scan3A_1475  : i32 {
        %get3A_1478 = arith.index_cast %scan3A_1477 : i32 to index
        %get3A_1479 = tpu.vector_load %arg9[%get3A_1478] {strides = array<i32>} : memref<48xi32, #tpu.memory_space<vmem>>, vector<16xi32>,
        %get3A_1480 = vector.shape_cast %get3A_1479 : vector<16xi32> to vector<16xi32>
        %slice3A_1481 = vector.extract_strided_slice %get3A_1480 {offsets = [0], sizes = [1], strides = [1]} : vector<16xi32> to vector<1xi32>
        %squeeze3A_1482 = vector.extract %slice3A_1481[0] : i32 from vector<1xi32>
        %and3A = arith.constant 7 : i32
        %and3A_1483 = arith.andi %squeeze3A_1482, %and3A : i32
        %get3A_1484 = arith.index_cast %scan3A_1477 : i32 to index
        %get3A_1485 = tpu.vector_load %arg10[%get3A_1484] {strides = array<i32>} : memref<48xi32, #tpu.memory_space<vmem>>, vector<16xi32>,
        %get3A_1486 = vector.shape_cast %get3A_1485 : vector<16xi32> to vector<16xi32>
        %slice3A_1487 = vector.extract_strided_slice %get3A_1486 {offsets = [0], sizes = [1], strides = [1]} : vector<16xi32> to vector<1xi32>
        %squeeze3A_1488 = vector.extract %slice3A_1487[0] : i32 from vector<1xi32>
        %and3A_1489 = arith.constant 1 : i32
        %and3A_1490 = arith.andi %squeeze3A_1488, %and3A_1489 : i32
        %mul3A_1491 = arith.constant 64 : i32
        %mul3A_1492 = arith.muli %and3A_1490, %mul3A_1491 : i32
        %mul3A_1493 = arith.constant 8 : i32
        %mul3A_1494 = arith.muli %scan3A_1477, %mul3A_1493 : i32
        %add3A_1495 = arith.addi %mul3A_1494, %and3A_1483 : i32
        %get3A_1496 = arith.index_cast %add3A_1495 : i32 to index
        %get3A_1497 = arith.constant 0 : index
        %get3A_1498 = tpu.vector_load %arg14[%get3A_1496, %get3A_1497] {strides = array<i32>} : memref<256x64xf32, #tpu.memory_space<vmem>>, vector<1x16xf32>,
        %get3A_1499 = vector.shape_cast %get3A_1498 : vector<1x16xf32> to vector<16xf32>
        %add3A_1500 = arith.constant 0 : i32
        %add3A_1501 = arith.addi %mul3A_1492, %add3A_1500 : i32
        %get3A_1502 = arith.index_cast %scan3A_1477 : i32 to index
        %get3A_1503 = arith.index_cast %add3A_1501 : i32 to index
        %get3A_1504 = tpu.vector_load %arg15[%get3A_1502, %get3A_1503] {strides = array<i32>} : memref<32x128xf32, #tpu.memory_space<vmem>>, vector<1x16xf32>,
        %get3A_1505 = vector.shape_cast %get3A_1504 : vector<1x16xf32> to vector<16xf32>
        %mul3A_1506 = arith.mulf %get3A_1499, %get3A_1505 : vector<16xf32>
        %mul3A_1507 = arith.constant 8 : i32
        %mul3A_1508 = arith.muli %scan3A_1477, %mul3A_1507 : i32
        %add3A_1509 = arith.addi %mul3A_1508, %and3A_1483 : i32
        %get3A_1510 = arith.index_cast %add3A_1509 : i32 to index
        %get3A_1511 = arith.constant 16 : index
        %get3A_1512 = tpu.vector_load %arg14[%get3A_1510, %get3A_1511] {strides = array<i32>} : memref<256x64xf32, #tpu.memory_space<vmem>>, vector<1x16xf32>,
        %get3A_1513 = vector.shape_cast %get3A_1512 : vector<1x16xf32> to vector<16xf32>
        %add3A_1514 = arith.constant 16 : i32
        %add3A_1515 = arith.addi %mul3A_1492, %add3A_1514 : i32
        %get3A_1516 = arith.index_cast %scan3A_1477 : i32 to index
        %get3A_1517 = arith.index_cast %add3A_1515 : i32 to index
        %get3A_1518 = tpu.vector_load %arg15[%get3A_1516, %get3A_1517] {strides = array<i32>} : memref<32x128xf32, #tpu.memory_space<vmem>>, vector<1x16xf32>,
        %get3A_1519 = vector.shape_cast %get3A_1518 : vector<1x16xf32> to vector<16xf32>
        %mul3A_1520 = arith.mulf %get3A_1513, %get3A_1519 : vector<16xf32>
        %add3A_1521 = arith.addf %mul3A_1506, %mul3A_1520 : vector<16xf32>
        %mul3A_1522 = arith.constant 8 : i32
        %mul3A_1523 = arith.muli %scan3A_1477, %mul3A_1522 : i32
        %add3A_1524 = arith.addi %mul3A_1523, %and3A_1483 : i32
        %get3A_1525 = arith.index_cast %add3A_1524 : i32 to index
        %get3A_1526 = arith.constant 32 : index
        %get3A_1527 = tpu.vector_load %arg14[%get3A_1525, %get3A_1526] {strides = array<i32>} : memref<256x64xf32, #tpu.memory_space<vmem>>, vector<1x16xf32>,
        %get3A_1528 = vector.shape_cast %get3A_1527 : vector<1x16xf32> to vector<16xf32>
        %add3A_1529 = arith.constant 32 : i32
        %add3A_1530 = arith.addi %mul3A_1492, %add3A_1529 : i32
        %get3A_1531 = arith.index_cast %scan3A_1477 : i32 to index
        %get3A_1532 = arith.index_cast %add3A_1530 : i32 to index
        %get3A_1533 = tpu.vector_load %arg15[%get3A_1531, %get3A_1532] {strides = array<i32>} : memref<32x128xf32, #tpu.memory_space<vmem>>, vector<1x16xf32>,
        %get3A_1534 = vector.shape_cast %get3A_1533 : vector<1x16xf32> to vector<16xf32>
        %mul3A_1535 = arith.mulf %get3A_1528, %get3A_1534 : vector<16xf32>
        %add3A_1536 = arith.addf %add3A_1521, %mul3A_1535 : vector<16xf32>
        %mul3A_1537 = arith.constant 8 : i32
        %mul3A_1538 = arith.muli %scan3A_1477, %mul3A_1537 : i32
        %add3A_1539 = arith.addi %mul3A_1538, %and3A_1483 : i32
        %get3A_1540 = arith.index_cast %add3A_1539 : i32 to index
        %get3A_1541 = arith.constant 48 : index
        %get3A_1542 = tpu.vector_load %arg14[%get3A_1540, %get3A_1541] {strides = array<i32>} : memref<256x64xf32, #tpu.memory_space<vmem>>, vector<1x16xf32>,
        %get3A_1543 = vector.shape_cast %get3A_1542 : vector<1x16xf32> to vector<16xf32>
        %add3A_1544 = arith.constant 48 : i32
        %add3A_1545 = arith.addi %mul3A_1492, %add3A_1544 : i32
        %get3A_1546 = arith.index_cast %scan3A_1477 : i32 to index
        %get3A_1547 = arith.index_cast %add3A_1545 : i32 to index
        %get3A_1548 = tpu.vector_load %arg15[%get3A_1546, %get3A_1547] {strides = array<i32>} : memref<32x128xf32, #tpu.memory_space<vmem>>, vector<1x16xf32>,
        %get3A_1549 = vector.shape_cast %get3A_1548 : vector<1x16xf32> to vector<16xf32>
        %mul3A_1550 = arith.mulf %get3A_1543, %get3A_1549 : vector<16xf32>
        %add3A_1551 = arith.addf %add3A_1536, %mul3A_1550 : vector<16xf32>
        %mul3A_1552 = arith.constant 20 : i32
        %mul3A_1553 = arith.muli %scan3A_1477, %mul3A_1552 : i32
        %add3A_1554 = arith.constant 0 : i32
        %add3A_1555 = arith.addi %mul3A_1553, %add3A_1554 : i32
        %get3A_1556 = arith.index_cast %add3A_1555 : i32 to index
        %get3A_1557 = tpu.vector_load %arg11[%get3A_1556] {strides = array<i32>} : memref<656xi32, #tpu.memory_space<vmem>>, vector<16xi32>,
        %get3A_1558 = vector.shape_cast %get3A_1557 : vector<16xi32> to vector<16xi32>
        %slice3A_1559 = vector.extract_strided_slice %get3A_1558 {offsets = [0], sizes = [1], strides = [1]} : vector<16xi32> to vector<1xi32>
        %squeeze3A_1560 = vector.extract %slice3A_1559[0] : i32 from vector<1xi32>
        %and3A_1561 = arith.constant 1 : i32
        %and3A_1562 = arith.andi %squeeze3A_1560, %and3A_1561 : i32
        %mul3A_1563 = arith.constant 64 : i32
        %mul3A_1564 = arith.muli %and3A_1562, %mul3A_1563 : i32
        %mul3A_1565 = arith.constant 20 : i32
        %mul3A_1566 = arith.muli %scan3A_1477, %mul3A_1565 : i32
        %add3A_1567 = arith.constant 0 : i32
        %add3A_1568 = arith.addi %mul3A_1566, %add3A_1567 : i32
        %add3A_1569 = arith.constant 0 : i32
        %add3A_1570 = arith.addi %mul3A_1564, %add3A_1569 : i32
        %get3A_1571 = arith.index_cast %add3A_1568 : i32 to index
        %get3A_1572 = arith.index_cast %add3A_1570 : i32 to index
        %get3A_1573 = tpu.vector_load %arg16[%get3A_1571, %get3A_1572] {strides = array<i32>} : memref<640x128xf32, #tpu.memory_space<vmem>>, vector<1x16xf32>,
        %get3A_1574 = vector.shape_cast %get3A_1573 : vector<1x16xf32> to vector<16xf32>
        %mul3A_1575 = arith.constant 20 : i32
        %mul3A_1576 = arith.muli %scan3A_1477, %mul3A_1575 : i32
        %add3A_1577 = arith.constant 0 : i32
        %add3A_1578 = arith.addi %mul3A_1576, %add3A_1577 : i32
        %add3A_1579 = arith.constant 16 : i32
        %add3A_1580 = arith.addi %mul3A_1564, %add3A_1579 : i32
        %get3A_1581 = arith.index_cast %add3A_1578 : i32 to index
        %get3A_1582 = arith.index_cast %add3A_1580 : i32 to index
        %get3A_1583 = tpu.vector_load %arg16[%get3A_1581, %get3A_1582] {strides = array<i32>} : memref<640x128xf32, #tpu.memory_space<vmem>>, vector<1x16xf32>,
        %get3A_1584 = vector.shape_cast %get3A_1583 : vector<1x16xf32> to vector<16xf32>
        %mul3A_1585 = arith.constant 20 : i32
        %mul3A_1586 = arith.muli %scan3A_1477, %mul3A_1585 : i32
        %add3A_1587 = arith.constant 0 : i32
        %add3A_1588 = arith.addi %mul3A_1586, %add3A_1587 : i32
        %add3A_1589 = arith.constant 32 : i32
        %add3A_1590 = arith.addi %mul3A_1564, %add3A_1589 : i32
        %get3A_1591 = arith.index_cast %add3A_1588 : i32 to index
        %get3A_1592 = arith.index_cast %add3A_1590 : i32 to index
        %get3A_1593 = tpu.vector_load %arg16[%get3A_1591, %get3A_1592] {strides = array<i32>} : memref<640x128xf32, #tpu.memory_space<vmem>>, vector<1x16xf32>,
        %get3A_1594 = vector.shape_cast %get3A_1593 : vector<1x16xf32> to vector<16xf32>
        %mul3A_1595 = arith.constant 20 : i32
        %mul3A_1596 = arith.muli %scan3A_1477, %mul3A_1595 : i32
        %add3A_1597 = arith.constant 0 : i32
        %add3A_1598 = arith.addi %mul3A_1596, %add3A_1597 : i32
        %add3A_1599 = arith.constant 48 : i32
        %add3A_1600 = arith.addi %mul3A_1564, %add3A_1599 : i32
        %get3A_1601 = arith.index_cast %add3A_1598 : i32 to index
        %get3A_1602 = arith.index_cast %add3A_1600 : i32 to index
        %get3A_1603 = tpu.vector_load %arg16[%get3A_1601, %get3A_1602] {strides = array<i32>} : memref<640x128xf32, #tpu.memory_space<vmem>>, vector<1x16xf32>,
        %get3A_1604 = vector.shape_cast %get3A_1603 : vector<1x16xf32> to vector<16xf32>
        %mul3A_1605 = arith.constant 20 : i32
        %mul3A_1606 = arith.muli %scan3A_1477, %mul3A_1605 : i32
        %add3A_1607 = arith.constant 1 : i32
        %add3A_1608 = arith.addi %mul3A_1606, %add3A_1607 : i32
        %get3A_1609 = arith.index_cast %add3A_1608 : i32 to index
        %get3A_1610 = tpu.vector_load %arg11[%get3A_1609] {strides = array<i32>} : memref<656xi32, #tpu.memory_space<vmem>>, vector<16xi32>,
        %get3A_1611 = vector.shape_cast %get3A_1610 : vector<16xi32> to vector<16xi32>
        %slice3A_1612 = vector.extract_strided_slice %get3A_1611 {offsets = [0], sizes = [1], strides = [1]} : vector<16xi32> to vector<1xi32>
        %squeeze3A_1613 = vector.extract %slice3A_1612[0] : i32 from vector<1xi32>
        %and3A_1614 = arith.constant 1 : i32
        %and3A_1615 = arith.andi %squeeze3A_1613, %and3A_1614 : i32
        %mul3A_1616 = arith.constant 64 : i32
        %mul3A_1617 = arith.muli %and3A_1615, %mul3A_1616 : i32
        %mul3A_1618 = arith.constant 20 : i32
        %mul3A_1619 = arith.muli %scan3A_1477, %mul3A_1618 : i32
        %add3A_1620 = arith.constant 1 : i32
        %add3A_1621 = arith.addi %mul3A_1619, %add3A_1620 : i32
        %add3A_1622 = arith.constant 0 : i32
        %add3A_1623 = arith.addi %mul3A_1617, %add3A_1622 : i32
        %get3A_1624 = arith.index_cast %add3A_1621 : i32 to index
        %get3A_1625 = arith.index_cast %add3A_1623 : i32 to index
        %get3A_1626 = tpu.vector_load %arg16[%get3A_1624, %get3A_1625] {strides = array<i32>} : memref<640x128xf32, #tpu.memory_space<vmem>>, vector<1x16xf32>,
        %get3A_1627 = vector.shape_cast %get3A_1626 : vector<1x16xf32> to vector<16xf32>
        %add3A_1628 = arith.addf %get3A_1574, %get3A_1627 : vector<16xf32>
        %mul3A_1629 = arith.constant 20 : i32
        %mul3A_1630 = arith.muli %scan3A_1477, %mul3A_1629 : i32
        %add3A_1631 = arith.constant 1 : i32
        %add3A_1632 = arith.addi %mul3A_1630, %add3A_1631 : i32
        %add3A_1633 = arith.constant 16 : i32
        %add3A_1634 = arith.addi %mul3A_1617, %add3A_1633 : i32
        %get3A_1635 = arith.index_cast %add3A_1632 : i32 to index
        %get3A_1636 = arith.index_cast %add3A_1634 : i32 to index
        %get3A_1637 = tpu.vector_load %arg16[%get3A_1635, %get3A_1636] {strides = array<i32>} : memref<640x128xf32, #tpu.memory_space<vmem>>, vector<1x16xf32>,
        %get3A_1638 = vector.shape_cast %get3A_1637 : vector<1x16xf32> to vector<16xf32>
        %add3A_1639 = arith.addf %get3A_1584, %get3A_1638 : vector<16xf32>
        %mul3A_1640 = arith.constant 20 : i32
        %mul3A_1641 = arith.muli %scan3A_1477, %mul3A_1640 : i32
        %add3A_1642 = arith.constant 1 : i32
        %add3A_1643 = arith.addi %mul3A_1641, %add3A_1642 : i32
        %add3A_1644 = arith.constant 32 : i32
        %add3A_1645 = arith.addi %mul3A_1617, %add3A_1644 : i32
        %get3A_1646 = arith.index_cast %add3A_1643 : i32 to index
        %get3A_1647 = arith.index_cast %add3A_1645 : i32 to index
        %get3A_1648 = tpu.vector_load %arg16[%get3A_1646, %get3A_1647] {strides = array<i32>} : memref<640x128xf32, #tpu.memory_space<vmem>>, vector<1x16xf32>,
        %get3A_1649 = vector.shape_cast %get3A_1648 : vector<1x16xf32> to vector<16xf32>
        %add3A_1650 = arith.addf %get3A_1594, %get3A_1649 : vector<16xf32>
        %mul3A_1651 = arith.constant 20 : i32
        %mul3A_1652 = arith.muli %scan3A_1477, %mul3A_1651 : i32
        %add3A_1653 = arith.constant 1 : i32
        %add3A_1654 = arith.addi %mul3A_1652, %add3A_1653 : i32
        %add3A_1655 = arith.constant 48 : i32
        %add3A_1656 = arith.addi %mul3A_1617, %add3A_1655 : i32
        %get3A_1657 = arith.index_cast %add3A_1654 : i32 to index
        %get3A_1658 = arith.index_cast %add3A_1656 : i32 to index
        %get3A_1659 = tpu.vector_load %arg16[%get3A_1657, %get3A_1658] {strides = array<i32>} : memref<640x128xf32, #tpu.memory_space<vmem>>, vector<1x16xf32>,
        %get3A_1660 = vector.shape_cast %get3A_1659 : vector<1x16xf32> to vector<16xf32>
        %add3A_1661 = arith.addf %get3A_1604, %get3A_1660 : vector<16xf32>
        %mul3A_1662 = arith.constant 20 : i32
        %mul3A_1663 = arith.muli %scan3A_1477, %mul3A_1662 : i32
        %add3A_1664 = arith.constant 2 : i32
        %add3A_1665 = arith.addi %mul3A_1663, %add3A_1664 : i32
        %get3A_1666 = arith.index_cast %add3A_1665 : i32 to index
        %get3A_1667 = tpu.vector_load %arg11[%get3A_1666] {strides = array<i32>} : memref<656xi32, #tpu.memory_space<vmem>>, vector<16xi32>,
        %get3A_1668 = vector.shape_cast %get3A_1667 : vector<16xi32> to vector<16xi32>
        %slice3A_1669 = vector.extract_strided_slice %get3A_1668 {offsets = [0], sizes = [1], strides = [1]} : vector<16xi32> to vector<1xi32>
        %squeeze3A_1670 = vector.extract %slice3A_1669[0] : i32 from vector<1xi32>
        %and3A_1671 = arith.constant 1 : i32
        %and3A_1672 = arith.andi %squeeze3A_1670, %and3A_1671 : i32
        %mul3A_1673 = arith.constant 64 : i32
        %mul3A_1674 = arith.muli %and3A_1672, %mul3A_1673 : i32
        %mul3A_1675 = arith.constant 20 : i32
        %mul3A_1676 = arith.muli %scan3A_1477, %mul3A_1675 : i32
        %add3A_1677 = arith.constant 2 : i32
        %add3A_1678 = arith.addi %mul3A_1676, %add3A_1677 : i32
        %add3A_1679 = arith.constant 0 : i32
        %add3A_1680 = arith.addi %mul3A_1674, %add3A_1679 : i32
        %get3A_1681 = arith.index_cast %add3A_1678 : i32 to index
        %get3A_1682 = arith.index_cast %add3A_1680 : i32 to index
        %get3A_1683 = tpu.vector_load %arg16[%get3A_1681, %get3A_1682] {strides = array<i32>} : memref<640x128xf32, #tpu.memory_space<vmem>>, vector<1x16xf32>,
        %get3A_1684 = vector.shape_cast %get3A_1683 : vector<1x16xf32> to vector<16xf32>
        %add3A_1685 = arith.addf %add3A_1628, %get3A_1684 : vector<16xf32>
        %mul3A_1686 = arith.constant 20 : i32
        %mul3A_1687 = arith.muli %scan3A_1477, %mul3A_1686 : i32
        %add3A_1688 = arith.constant 2 : i32
        %add3A_1689 = arith.addi %mul3A_1687, %add3A_1688 : i32
        %add3A_1690 = arith.constant 16 : i32
        %add3A_1691 = arith.addi %mul3A_1674, %add3A_1690 : i32
        %get3A_1692 = arith.index_cast %add3A_1689 : i32 to index
        %get3A_1693 = arith.index_cast %add3A_1691 : i32 to index
        %get3A_1694 = tpu.vector_load %arg16[%get3A_1692, %get3A_1693] {strides = array<i32>} : memref<640x128xf32, #tpu.memory_space<vmem>>, vector<1x16xf32>,
        %get3A_1695 = vector.shape_cast %get3A_1694 : vector<1x16xf32> to vector<16xf32>
        %add3A_1696 = arith.addf %add3A_1639, %get3A_1695 : vector<16xf32>
        %mul3A_1697 = arith.constant 20 : i32
        %mul3A_1698 = arith.muli %scan3A_1477, %mul3A_1697 : i32
        %add3A_1699 = arith.constant 2 : i32
        %add3A_1700 = arith.addi %mul3A_1698, %add3A_1699 : i32
        %add3A_1701 = arith.constant 32 : i32
        %add3A_1702 = arith.addi %mul3A_1674, %add3A_1701 : i32
        %get3A_1703 = arith.index_cast %add3A_1700 : i32 to index
        %get3A_1704 = arith.index_cast %add3A_1702 : i32 to index
        %get3A_1705 = tpu.vector_load %arg16[%get3A_1703, %get3A_1704] {strides = array<i32>} : memref<640x128xf32, #tpu.memory_space<vmem>>, vector<1x16xf32>,
        %get3A_1706 = vector.shape_cast %get3A_1705 : vector<1x16xf32> to vector<16xf32>
        %add3A_1707 = arith.addf %add3A_1650, %get3A_1706 : vector<16xf32>
        %mul3A_1708 = arith.constant 20 : i32
        %mul3A_1709 = arith.muli %scan3A_1477, %mul3A_1708 : i32
        %add3A_1710 = arith.constant 2 : i32
        %add3A_1711 = arith.addi %mul3A_1709, %add3A_1710 : i32
        %add3A_1712 = arith.constant 48 : i32
        %add3A_1713 = arith.addi %mul3A_1674, %add3A_1712 : i32
        %get3A_1714 = arith.index_cast %add3A_1711 : i32 to index
        %get3A_1715 = arith.index_cast %add3A_1713 : i32 to index
        %get3A_1716 = tpu.vector_load %arg16[%get3A_1714, %get3A_1715] {strides = array<i32>} : memref<640x128xf32, #tpu.memory_space<vmem>>, vector<1x16xf32>,
        %get3A_1717 = vector.shape_cast %get3A_1716 : vector<1x16xf32> to vector<16xf32>
        %add3A_1718 = arith.addf %add3A_1661, %get3A_1717 : vector<16xf32>
        %mul3A_1719 = arith.constant 20 : i32
        %mul3A_1720 = arith.muli %scan3A_1477, %mul3A_1719 : i32
        %add3A_1721 = arith.constant 3 : i32
        %add3A_1722 = arith.addi %mul3A_1720, %add3A_1721 : i32
        %get3A_1723 = arith.index_cast %add3A_1722 : i32 to index
        %get3A_1724 = tpu.vector_load %arg11[%get3A_1723] {strides = array<i32>} : memref<656xi32, #tpu.memory_space<vmem>>, vector<16xi32>,
        %get3A_1725 = vector.shape_cast %get3A_1724 : vector<16xi32> to vector<16xi32>
        %slice3A_1726 = vector.extract_strided_slice %get3A_1725 {offsets = [0], sizes = [1], strides = [1]} : vector<16xi32> to vector<1xi32>
        %squeeze3A_1727 = vector.extract %slice3A_1726[0] : i32 from vector<1xi32>
        %and3A_1728 = arith.constant 1 : i32
        %and3A_1729 = arith.andi %squeeze3A_1727, %and3A_1728 : i32
        %mul3A_1730 = arith.constant 64 : i32
        %mul3A_1731 = arith.muli %and3A_1729, %mul3A_1730 : i32
        %mul3A_1732 = arith.constant 20 : i32
        %mul3A_1733 = arith.muli %scan3A_1477, %mul3A_1732 : i32
        %add3A_1734 = arith.constant 3 : i32
        %add3A_1735 = arith.addi %mul3A_1733, %add3A_1734 : i32
        %add3A_1736 = arith.constant 0 : i32
        %add3A_1737 = arith.addi %mul3A_1731, %add3A_1736 : i32
        %get3A_1738 = arith.index_cast %add3A_1735 : i32 to index
        %get3A_1739 = arith.index_cast %add3A_1737 : i32 to index
        %get3A_1740 = tpu.vector_load %arg16[%get3A_1738, %get3A_1739] {strides = array<i32>} : memref<640x128xf32, #tpu.memory_space<vmem>>, vector<1x16xf32>,
        %get3A_1741 = vector.shape_cast %get3A_1740 : vector<1x16xf32> to vector<16xf32>
        %add3A_1742 = arith.addf %add3A_1685, %get3A_1741 : vector<16xf32>
        %mul3A_1743 = arith.constant 20 : i32
        %mul3A_1744 = arith.muli %scan3A_1477, %mul3A_1743 : i32
        %add3A_1745 = arith.constant 3 : i32
        %add3A_1746 = arith.addi %mul3A_1744, %add3A_1745 : i32
        %add3A_1747 = arith.constant 16 : i32
        %add3A_1748 = arith.addi %mul3A_1731, %add3A_1747 : i32
        %get3A_1749 = arith.index_cast %add3A_1746 : i32 to index
        %get3A_1750 = arith.index_cast %add3A_1748 : i32 to index
        %get3A_1751 = tpu.vector_load %arg16[%get3A_1749, %get3A_1750] {strides = array<i32>} : memref<640x128xf32, #tpu.memory_space<vmem>>, vector<1x16xf32>,
        %get3A_1752 = vector.shape_cast %get3A_1751 : vector<1x16xf32> to vector<16xf32>
        %add3A_1753 = arith.addf %add3A_1696, %get3A_1752 : vector<16xf32>
        %mul3A_1754 = arith.constant 20 : i32
        %mul3A_1755 = arith.muli %scan3A_1477, %mul3A_1754 : i32
        %add3A_1756 = arith.constant 3 : i32
        %add3A_1757 = arith.addi %mul3A_1755, %add3A_1756 : i32
        %add3A_1758 = arith.constant 32 : i32
        %add3A_1759 = arith.addi %mul3A_1731, %add3A_1758 : i32
        %get3A_1760 = arith.index_cast %add3A_1757 : i32 to index
        %get3A_1761 = arith.index_cast %add3A_1759 : i32 to index
        %get3A_1762 = tpu.vector_load %arg16[%get3A_1760, %get3A_1761] {strides = array<i32>} : memref<640x128xf32, #tpu.memory_space<vmem>>, vector<1x16xf32>,
        %get3A_1763 = vector.shape_cast %get3A_1762 : vector<1x16xf32> to vector<16xf32>
        %add3A_1764 = arith.addf %add3A_1707, %get3A_1763 : vector<16xf32>
        %mul3A_1765 = arith.constant 20 : i32
        %mul3A_1766 = arith.muli %scan3A_1477, %mul3A_1765 : i32
        %add3A_1767 = arith.constant 3 : i32
        %add3A_1768 = arith.addi %mul3A_1766, %add3A_1767 : i32
        %add3A_1769 = arith.constant 48 : i32
        %add3A_1770 = arith.addi %mul3A_1731, %add3A_1769 : i32
        %get3A_1771 = arith.index_cast %add3A_1768 : i32 to index
        %get3A_1772 = arith.index_cast %add3A_1770 : i32 to index
        %get3A_1773 = tpu.vector_load %arg16[%get3A_1771, %get3A_1772] {strides = array<i32>} : memref<640x128xf32, #tpu.memory_space<vmem>>, vector<1x16xf32>,
        %get3A_1774 = vector.shape_cast %get3A_1773 : vector<1x16xf32> to vector<16xf32>
        %add3A_1775 = arith.addf %add3A_1718, %get3A_1774 : vector<16xf32>
        %mul3A_1776 = arith.constant 20 : i32
        %mul3A_1777 = arith.muli %scan3A_1477, %mul3A_1776 : i32
        %add3A_1778 = arith.constant 4 : i32
        %add3A_1779 = arith.addi %mul3A_1777, %add3A_1778 : i32
        %get3A_1780 = arith.index_cast %add3A_1779 : i32 to index
        %get3A_1781 = tpu.vector_load %arg11[%get3A_1780] {strides = array<i32>} : memref<656xi32, #tpu.memory_space<vmem>>, vector<16xi32>,
        %get3A_1782 = vector.shape_cast %get3A_1781 : vector<16xi32> to vector<16xi32>
        %slice3A_1783 = vector.extract_strided_slice %get3A_1782 {offsets = [0], sizes = [1], strides = [1]} : vector<16xi32> to vector<1xi32>
        %squeeze3A_1784 = vector.extract %slice3A_1783[0] : i32 from vector<1xi32>
        %and3A_1785 = arith.constant 1 : i32
        %and3A_1786 = arith.andi %squeeze3A_1784, %and3A_1785 : i32
        %mul3A_1787 = arith.constant 64 : i32
        %mul3A_1788 = arith.muli %and3A_1786, %mul3A_1787 : i32
        %mul3A_1789 = arith.constant 20 : i32
        %mul3A_1790 = arith.muli %scan3A_1477, %mul3A_1789 : i32
        %add3A_1791 = arith.constant 4 : i32
        %add3A_1792 = arith.addi %mul3A_1790, %add3A_1791 : i32
        %add3A_1793 = arith.constant 0 : i32
        %add3A_1794 = arith.addi %mul3A_1788, %add3A_1793 : i32
        %get3A_1795 = arith.index_cast %add3A_1792 : i32 to index
        %get3A_1796 = arith.index_cast %add3A_1794 : i32 to index
        %get3A_1797 = tpu.vector_load %arg16[%get3A_1795, %get3A_1796] {strides = array<i32>} : memref<640x128xf32, #tpu.memory_space<vmem>>, vector<1x16xf32>,
        %get3A_1798 = vector.shape_cast %get3A_1797 : vector<1x16xf32> to vector<16xf32>
        %add3A_1799 = arith.addf %add3A_1742, %get3A_1798 : vector<16xf32>
        %mul3A_1800 = arith.constant 20 : i32
        %mul3A_1801 = arith.muli %scan3A_1477, %mul3A_1800 : i32
        %add3A_1802 = arith.constant 4 : i32
        %add3A_1803 = arith.addi %mul3A_1801, %add3A_1802 : i32
        %add3A_1804 = arith.constant 16 : i32
        %add3A_1805 = arith.addi %mul3A_1788, %add3A_1804 : i32
        %get3A_1806 = arith.index_cast %add3A_1803 : i32 to index
        %get3A_1807 = arith.index_cast %add3A_1805 : i32 to index
        %get3A_1808 = tpu.vector_load %arg16[%get3A_1806, %get3A_1807] {strides = array<i32>} : memref<640x128xf32, #tpu.memory_space<vmem>>, vector<1x16xf32>,
        %get3A_1809 = vector.shape_cast %get3A_1808 : vector<1x16xf32> to vector<16xf32>
        %add3A_1810 = arith.addf %add3A_1753, %get3A_1809 : vector<16xf32>
        %mul3A_1811 = arith.constant 20 : i32
        %mul3A_1812 = arith.muli %scan3A_1477, %mul3A_1811 : i32
        %add3A_1813 = arith.constant 4 : i32
        %add3A_1814 = arith.addi %mul3A_1812, %add3A_1813 : i32
        %add3A_1815 = arith.constant 32 : i32
        %add3A_1816 = arith.addi %mul3A_1788, %add3A_1815 : i32
        %get3A_1817 = arith.index_cast %add3A_1814 : i32 to index
        %get3A_1818 = arith.index_cast %add3A_1816 : i32 to index
        %get3A_1819 = tpu.vector_load %arg16[%get3A_1817, %get3A_1818] {strides = array<i32>} : memref<640x128xf32, #tpu.memory_space<vmem>>, vector<1x16xf32>,
        %get3A_1820 = vector.shape_cast %get3A_1819 : vector<1x16xf32> to vector<16xf32>
        %add3A_1821 = arith.addf %add3A_1764, %get3A_1820 : vector<16xf32>
        %mul3A_1822 = arith.constant 20 : i32
        %mul3A_1823 = arith.muli %scan3A_1477, %mul3A_1822 : i32
        %add3A_1824 = arith.constant 4 : i32
        %add3A_1825 = arith.addi %mul3A_1823, %add3A_1824 : i32
        %add3A_1826 = arith.constant 48 : i32
        %add3A_1827 = arith.addi %mul3A_1788, %add3A_1826 : i32
        %get3A_1828 = arith.index_cast %add3A_1825 : i32 to index
        %get3A_1829 = arith.index_cast %add3A_1827 : i32 to index
        %get3A_1830 = tpu.vector_load %arg16[%get3A_1828, %get3A_1829] {strides = array<i32>} : memref<640x128xf32, #tpu.memory_space<vmem>>, vector<1x16xf32>,
        %get3A_1831 = vector.shape_cast %get3A_1830 : vector<1x16xf32> to vector<16xf32>
        %add3A_1832 = arith.addf %add3A_1775, %get3A_1831 : vector<16xf32>
        %mul3A_1833 = arith.constant 20 : i32
        %mul3A_1834 = arith.muli %scan3A_1477, %mul3A_1833 : i32
        %add3A_1835 = arith.constant 5 : i32
        %add3A_1836 = arith.addi %mul3A_1834, %add3A_1835 : i32
        %get3A_1837 = arith.index_cast %add3A_1836 : i32 to index
        %get3A_1838 = tpu.vector_load %arg11[%get3A_1837] {strides = array<i32>} : memref<656xi32, #tpu.memory_space<vmem>>, vector<16xi32>,
        %get3A_1839 = vector.shape_cast %get3A_1838 : vector<16xi32> to vector<16xi32>
        %slice3A_1840 = vector.extract_strided_slice %get3A_1839 {offsets = [0], sizes = [1], strides = [1]} : vector<16xi32> to vector<1xi32>
        %squeeze3A_1841 = vector.extract %slice3A_1840[0] : i32 from vector<1xi32>
        %and3A_1842 = arith.constant 1 : i32
        %and3A_1843 = arith.andi %squeeze3A_1841, %and3A_1842 : i32
        %mul3A_1844 = arith.constant 64 : i32
        %mul3A_1845 = arith.muli %and3A_1843, %mul3A_1844 : i32
        %mul3A_1846 = arith.constant 20 : i32
        %mul3A_1847 = arith.muli %scan3A_1477, %mul3A_1846 : i32
        %add3A_1848 = arith.constant 5 : i32
        %add3A_1849 = arith.addi %mul3A_1847, %add3A_1848 : i32
        %add3A_1850 = arith.constant 0 : i32
        %add3A_1851 = arith.addi %mul3A_1845, %add3A_1850 : i32
        %get3A_1852 = arith.index_cast %add3A_1849 : i32 to index
        %get3A_1853 = arith.index_cast %add3A_1851 : i32 to index
        %get3A_1854 = tpu.vector_load %arg16[%get3A_1852, %get3A_1853] {strides = array<i32>} : memref<640x128xf32, #tpu.memory_space<vmem>>, vector<1x16xf32>,
        %get3A_1855 = vector.shape_cast %get3A_1854 : vector<1x16xf32> to vector<16xf32>
        %add3A_1856 = arith.addf %add3A_1799, %get3A_1855 : vector<16xf32>
        %mul3A_1857 = arith.constant 20 : i32
        %mul3A_1858 = arith.muli %scan3A_1477, %mul3A_1857 : i32
        %add3A_1859 = arith.constant 5 : i32
        %add3A_1860 = arith.addi %mul3A_1858, %add3A_1859 : i32
        %add3A_1861 = arith.constant 16 : i32
        %add3A_1862 = arith.addi %mul3A_1845, %add3A_1861 : i32
        %get3A_1863 = arith.index_cast %add3A_1860 : i32 to index
        %get3A_1864 = arith.index_cast %add3A_1862 : i32 to index
        %get3A_1865 = tpu.vector_load %arg16[%get3A_1863, %get3A_1864] {strides = array<i32>} : memref<640x128xf32, #tpu.memory_space<vmem>>, vector<1x16xf32>,
        %get3A_1866 = vector.shape_cast %get3A_1865 : vector<1x16xf32> to vector<16xf32>
        %add3A_1867 = arith.addf %add3A_1810, %get3A_1866 : vector<16xf32>
        %mul3A_1868 = arith.constant 20 : i32
        %mul3A_1869 = arith.muli %scan3A_1477, %mul3A_1868 : i32
        %add3A_1870 = arith.constant 5 : i32
        %add3A_1871 = arith.addi %mul3A_1869, %add3A_1870 : i32
        %add3A_1872 = arith.constant 32 : i32
        %add3A_1873 = arith.addi %mul3A_1845, %add3A_1872 : i32
        %get3A_1874 = arith.index_cast %add3A_1871 : i32 to index
        %get3A_1875 = arith.index_cast %add3A_1873 : i32 to index
        %get3A_1876 = tpu.vector_load %arg16[%get3A_1874, %get3A_1875] {strides = array<i32>} : memref<640x128xf32, #tpu.memory_space<vmem>>, vector<1x16xf32>,
        %get3A_1877 = vector.shape_cast %get3A_1876 : vector<1x16xf32> to vector<16xf32>
        %add3A_1878 = arith.addf %add3A_1821, %get3A_1877 : vector<16xf32>
        %mul3A_1879 = arith.constant 20 : i32
        %mul3A_1880 = arith.muli %scan3A_1477, %mul3A_1879 : i32
        %add3A_1881 = arith.constant 5 : i32
        %add3A_1882 = arith.addi %mul3A_1880, %add3A_1881 : i32
        %add3A_1883 = arith.constant 48 : i32
        %add3A_1884 = arith.addi %mul3A_1845, %add3A_1883 : i32
        %get3A_1885 = arith.index_cast %add3A_1882 : i32 to index
        %get3A_1886 = arith.index_cast %add3A_1884 : i32 to index
        %get3A_1887 = tpu.vector_load %arg16[%get3A_1885, %get3A_1886] {strides = array<i32>} : memref<640x128xf32, #tpu.memory_space<vmem>>, vector<1x16xf32>,
        %get3A_1888 = vector.shape_cast %get3A_1887 : vector<1x16xf32> to vector<16xf32>
        %add3A_1889 = arith.addf %add3A_1832, %get3A_1888 : vector<16xf32>
        %mul3A_1890 = arith.constant 20 : i32
        %mul3A_1891 = arith.muli %scan3A_1477, %mul3A_1890 : i32
        %add3A_1892 = arith.constant 6 : i32
        %add3A_1893 = arith.addi %mul3A_1891, %add3A_1892 : i32
        %get3A_1894 = arith.index_cast %add3A_1893 : i32 to index
        %get3A_1895 = tpu.vector_load %arg11[%get3A_1894] {strides = array<i32>} : memref<656xi32, #tpu.memory_space<vmem>>, vector<16xi32>,
        %get3A_1896 = vector.shape_cast %get3A_1895 : vector<16xi32> to vector<16xi32>
        %slice3A_1897 = vector.extract_strided_slice %get3A_1896 {offsets = [0], sizes = [1], strides = [1]} : vector<16xi32> to vector<1xi32>
        %squeeze3A_1898 = vector.extract %slice3A_1897[0] : i32 from vector<1xi32>
        %and3A_1899 = arith.constant 1 : i32
        %and3A_1900 = arith.andi %squeeze3A_1898, %and3A_1899 : i32
        %mul3A_1901 = arith.constant 64 : i32
        %mul3A_1902 = arith.muli %and3A_1900, %mul3A_1901 : i32
        %mul3A_1903 = arith.constant 20 : i32
        %mul3A_1904 = arith.muli %scan3A_1477, %mul3A_1903 : i32
        %add3A_1905 = arith.constant 6 : i32
        %add3A_1906 = arith.addi %mul3A_1904, %add3A_1905 : i32
        %add3A_1907 = arith.constant 0 : i32
        %add3A_1908 = arith.addi %mul3A_1902, %add3A_1907 : i32
        %get3A_1909 = arith.index_cast %add3A_1906 : i32 to index
        %get3A_1910 = arith.index_cast %add3A_1908 : i32 to index
        %get3A_1911 = tpu.vector_load %arg16[%get3A_1909, %get3A_1910] {strides = array<i32>} : memref<640x128xf32, #tpu.memory_space<vmem>>, vector<1x16xf32>,
        %get3A_1912 = vector.shape_cast %get3A_1911 : vector<1x16xf32> to vector<16xf32>
        %add3A_1913 = arith.addf %add3A_1856, %get3A_1912 : vector<16xf32>
        %mul3A_1914 = arith.constant 20 : i32
        %mul3A_1915 = arith.muli %scan3A_1477, %mul3A_1914 : i32
        %add3A_1916 = arith.constant 6 : i32
        %add3A_1917 = arith.addi %mul3A_1915, %add3A_1916 : i32
        %add3A_1918 = arith.constant 16 : i32
        %add3A_1919 = arith.addi %mul3A_1902, %add3A_1918 : i32
        %get3A_1920 = arith.index_cast %add3A_1917 : i32 to index
        %get3A_1921 = arith.index_cast %add3A_1919 : i32 to index
        %get3A_1922 = tpu.vector_load %arg16[%get3A_1920, %get3A_1921] {strides = array<i32>} : memref<640x128xf32, #tpu.memory_space<vmem>>, vector<1x16xf32>,
        %get3A_1923 = vector.shape_cast %get3A_1922 : vector<1x16xf32> to vector<16xf32>
        %add3A_1924 = arith.addf %add3A_1867, %get3A_1923 : vector<16xf32>
        %mul3A_1925 = arith.constant 20 : i32
        %mul3A_1926 = arith.muli %scan3A_1477, %mul3A_1925 : i32
        %add3A_1927 = arith.constant 6 : i32
        %add3A_1928 = arith.addi %mul3A_1926, %add3A_1927 : i32
        %add3A_1929 = arith.constant 32 : i32
        %add3A_1930 = arith.addi %mul3A_1902, %add3A_1929 : i32
        %get3A_1931 = arith.index_cast %add3A_1928 : i32 to index
        %get3A_1932 = arith.index_cast %add3A_1930 : i32 to index
        %get3A_1933 = tpu.vector_load %arg16[%get3A_1931, %get3A_1932] {strides = array<i32>} : memref<640x128xf32, #tpu.memory_space<vmem>>, vector<1x16xf32>,
        %get3A_1934 = vector.shape_cast %get3A_1933 : vector<1x16xf32> to vector<16xf32>
        %add3A_1935 = arith.addf %add3A_1878, %get3A_1934 : vector<16xf32>
        %mul3A_1936 = arith.constant 20 : i32
        %mul3A_1937 = arith.muli %scan3A_1477, %mul3A_1936 : i32
        %add3A_1938 = arith.constant 6 : i32
        %add3A_1939 = arith.addi %mul3A_1937, %add3A_1938 : i32
        %add3A_1940 = arith.constant 48 : i32
        %add3A_1941 = arith.addi %mul3A_1902, %add3A_1940 : i32
        %get3A_1942 = arith.index_cast %add3A_1939 : i32 to index
        %get3A_1943 = arith.index_cast %add3A_1941 : i32 to index
        %get3A_1944 = tpu.vector_load %arg16[%get3A_1942, %get3A_1943] {strides = array<i32>} : memref<640x128xf32, #tpu.memory_space<vmem>>, vector<1x16xf32>,
        %get3A_1945 = vector.shape_cast %get3A_1944 : vector<1x16xf32> to vector<16xf32>
        %add3A_1946 = arith.addf %add3A_1889, %get3A_1945 : vector<16xf32>
        %mul3A_1947 = arith.constant 20 : i32
        %mul3A_1948 = arith.muli %scan3A_1477, %mul3A_1947 : i32
        %add3A_1949 = arith.constant 7 : i32
        %add3A_1950 = arith.addi %mul3A_1948, %add3A_1949 : i32
        %get3A_1951 = arith.index_cast %add3A_1950 : i32 to index
        %get3A_1952 = tpu.vector_load %arg11[%get3A_1951] {strides = array<i32>} : memref<656xi32, #tpu.memory_space<vmem>>, vector<16xi32>,
        %get3A_1953 = vector.shape_cast %get3A_1952 : vector<16xi32> to vector<16xi32>
        %slice3A_1954 = vector.extract_strided_slice %get3A_1953 {offsets = [0], sizes = [1], strides = [1]} : vector<16xi32> to vector<1xi32>
        %squeeze3A_1955 = vector.extract %slice3A_1954[0] : i32 from vector<1xi32>
        %and3A_1956 = arith.constant 1 : i32
        %and3A_1957 = arith.andi %squeeze3A_1955, %and3A_1956 : i32
        %mul3A_1958 = arith.constant 64 : i32
        %mul3A_1959 = arith.muli %and3A_1957, %mul3A_1958 : i32
        %mul3A_1960 = arith.constant 20 : i32
        %mul3A_1961 = arith.muli %scan3A_1477, %mul3A_1960 : i32
        %add3A_1962 = arith.constant 7 : i32
        %add3A_1963 = arith.addi %mul3A_1961, %add3A_1962 : i32
        %add3A_1964 = arith.constant 0 : i32
        %add3A_1965 = arith.addi %mul3A_1959, %add3A_1964 : i32
        %get3A_1966 = arith.index_cast %add3A_1963 : i32 to index
        %get3A_1967 = arith.index_cast %add3A_1965 : i32 to index
        %get3A_1968 = tpu.vector_load %arg16[%get3A_1966, %get3A_1967] {strides = array<i32>} : memref<640x128xf32, #tpu.memory_space<vmem>>, vector<1x16xf32>,
        %get3A_1969 = vector.shape_cast %get3A_1968 : vector<1x16xf32> to vector<16xf32>
        %add3A_1970 = arith.addf %add3A_1913, %get3A_1969 : vector<16xf32>
        %mul3A_1971 = arith.constant 20 : i32
        %mul3A_1972 = arith.muli %scan3A_1477, %mul3A_1971 : i32
        %add3A_1973 = arith.constant 7 : i32
        %add3A_1974 = arith.addi %mul3A_1972, %add3A_1973 : i32
        %add3A_1975 = arith.constant 16 : i32
        %add3A_1976 = arith.addi %mul3A_1959, %add3A_1975 : i32
        %get3A_1977 = arith.index_cast %add3A_1974 : i32 to index
        %get3A_1978 = arith.index_cast %add3A_1976 : i32 to index
        %get3A_1979 = tpu.vector_load %arg16[%get3A_1977, %get3A_1978] {strides = array<i32>} : memref<640x128xf32, #tpu.memory_space<vmem>>, vector<1x16xf32>,
        %get3A_1980 = vector.shape_cast %get3A_1979 : vector<1x16xf32> to vector<16xf32>
        %add3A_1981 = arith.addf %add3A_1924, %get3A_1980 : vector<16xf32>
        %mul3A_1982 = arith.constant 20 : i32
        %mul3A_1983 = arith.muli %scan3A_1477, %mul3A_1982 : i32
        %add3A_1984 = arith.constant 7 : i32
        %add3A_1985 = arith.addi %mul3A_1983, %add3A_1984 : i32
        %add3A_1986 = arith.constant 32 : i32
        %add3A_1987 = arith.addi %mul3A_1959, %add3A_1986 : i32
        %get3A_1988 = arith.index_cast %add3A_1985 : i32 to index
        %get3A_1989 = arith.index_cast %add3A_1987 : i32 to index
        %get3A_1990 = tpu.vector_load %arg16[%get3A_1988, %get3A_1989] {strides = array<i32>} : memref<640x128xf32, #tpu.memory_space<vmem>>, vector<1x16xf32>,
        %get3A_1991 = vector.shape_cast %get3A_1990 : vector<1x16xf32> to vector<16xf32>
        %add3A_1992 = arith.addf %add3A_1935, %get3A_1991 : vector<16xf32>
        %mul3A_1993 = arith.constant 20 : i32
        %mul3A_1994 = arith.muli %scan3A_1477, %mul3A_1993 : i32
        %add3A_1995 = arith.constant 7 : i32
        %add3A_1996 = arith.addi %mul3A_1994, %add3A_1995 : i32
        %add3A_1997 = arith.constant 48 : i32
        %add3A_1998 = arith.addi %mul3A_1959, %add3A_1997 : i32
        %get3A_1999 = arith.index_cast %add3A_1996 : i32 to index
        %get3A_2000 = arith.index_cast %add3A_1998 : i32 to index
        %get3A_2001 = tpu.vector_load %arg16[%get3A_1999, %get3A_2000] {strides = array<i32>} : memref<640x128xf32, #tpu.memory_space<vmem>>, vector<1x16xf32>,
        %get3A_2002 = vector.shape_cast %get3A_2001 : vector<1x16xf32> to vector<16xf32>
        %add3A_2003 = arith.addf %add3A_1946, %get3A_2002 : vector<16xf32>
        %mul3A_2004 = arith.constant 20 : i32
        %mul3A_2005 = arith.muli %scan3A_1477, %mul3A_2004 : i32
        %add3A_2006 = arith.constant 8 : i32
        %add3A_2007 = arith.addi %mul3A_2005, %add3A_2006 : i32
        %get3A_2008 = arith.index_cast %add3A_2007 : i32 to index
        %get3A_2009 = tpu.vector_load %arg11[%get3A_2008] {strides = array<i32>} : memref<656xi32, #tpu.memory_space<vmem>>, vector<16xi32>,
        %get3A_2010 = vector.shape_cast %get3A_2009 : vector<16xi32> to vector<16xi32>
        %slice3A_2011 = vector.extract_strided_slice %get3A_2010 {offsets = [0], sizes = [1], strides = [1]} : vector<16xi32> to vector<1xi32>
        %squeeze3A_2012 = vector.extract %slice3A_2011[0] : i32 from vector<1xi32>
        %and3A_2013 = arith.constant 1 : i32
        %and3A_2014 = arith.andi %squeeze3A_2012, %and3A_2013 : i32
        %mul3A_2015 = arith.constant 64 : i32
        %mul3A_2016 = arith.muli %and3A_2014, %mul3A_2015 : i32
        %mul3A_2017 = arith.constant 20 : i32
        %mul3A_2018 = arith.muli %scan3A_1477, %mul3A_2017 : i32
        %add3A_2019 = arith.constant 8 : i32
        %add3A_2020 = arith.addi %mul3A_2018, %add3A_2019 : i32
        %add3A_2021 = arith.constant 0 : i32
        %add3A_2022 = arith.addi %mul3A_2016, %add3A_2021 : i32
        %get3A_2023 = arith.index_cast %add3A_2020 : i32 to index
        %get3A_2024 = arith.index_cast %add3A_2022 : i32 to index
        %get3A_2025 = tpu.vector_load %arg16[%get3A_2023, %get3A_2024] {strides = array<i32>} : memref<640x128xf32, #tpu.memory_space<vmem>>, vector<1x16xf32>,
        %get3A_2026 = vector.shape_cast %get3A_2025 : vector<1x16xf32> to vector<16xf32>
        %add3A_2027 = arith.addf %add3A_1970, %get3A_2026 : vector<16xf32>
        %mul3A_2028 = arith.constant 20 : i32
        %mul3A_2029 = arith.muli %scan3A_1477, %mul3A_2028 : i32
        %add3A_2030 = arith.constant 8 : i32
        %add3A_2031 = arith.addi %mul3A_2029, %add3A_2030 : i32
        %add3A_2032 = arith.constant 16 : i32
        %add3A_2033 = arith.addi %mul3A_2016, %add3A_2032 : i32
        %get3A_2034 = arith.index_cast %add3A_2031 : i32 to index
        %get3A_2035 = arith.index_cast %add3A_2033 : i32 to index
        %get3A_2036 = tpu.vector_load %arg16[%get3A_2034, %get3A_2035] {strides = array<i32>} : memref<640x128xf32, #tpu.memory_space<vmem>>, vector<1x16xf32>,
        %get3A_2037 = vector.shape_cast %get3A_2036 : vector<1x16xf32> to vector<16xf32>
        %add3A_2038 = arith.addf %add3A_1981, %get3A_2037 : vector<16xf32>
        %mul3A_2039 = arith.constant 20 : i32
        %mul3A_2040 = arith.muli %scan3A_1477, %mul3A_2039 : i32
        %add3A_2041 = arith.constant 8 : i32
        %add3A_2042 = arith.addi %mul3A_2040, %add3A_2041 : i32
        %add3A_2043 = arith.constant 32 : i32
        %add3A_2044 = arith.addi %mul3A_2016, %add3A_2043 : i32
        %get3A_2045 = arith.index_cast %add3A_2042 : i32 to index
        %get3A_2046 = arith.index_cast %add3A_2044 : i32 to index
        %get3A_2047 = tpu.vector_load %arg16[%get3A_2045, %get3A_2046] {strides = array<i32>} : memref<640x128xf32, #tpu.memory_space<vmem>>, vector<1x16xf32>,
        %get3A_2048 = vector.shape_cast %get3A_2047 : vector<1x16xf32> to vector<16xf32>
        %add3A_2049 = arith.addf %add3A_1992, %get3A_2048 : vector<16xf32>
        %mul3A_2050 = arith.constant 20 : i32
        %mul3A_2051 = arith.muli %scan3A_1477, %mul3A_2050 : i32
        %add3A_2052 = arith.constant 8 : i32
        %add3A_2053 = arith.addi %mul3A_2051, %add3A_2052 : i32
        %add3A_2054 = arith.constant 48 : i32
        %add3A_2055 = arith.addi %mul3A_2016, %add3A_2054 : i32
        %get3A_2056 = arith.index_cast %add3A_2053 : i32 to index
        %get3A_2057 = arith.index_cast %add3A_2055 : i32 to index
        %get3A_2058 = tpu.vector_load %arg16[%get3A_2056, %get3A_2057] {strides = array<i32>} : memref<640x128xf32, #tpu.memory_space<vmem>>, vector<1x16xf32>,
        %get3A_2059 = vector.shape_cast %get3A_2058 : vector<1x16xf32> to vector<16xf32>
        %add3A_2060 = arith.addf %add3A_2003, %get3A_2059 : vector<16xf32>
        %mul3A_2061 = arith.constant 20 : i32
        %mul3A_2062 = arith.muli %scan3A_1477, %mul3A_2061 : i32
        %add3A_2063 = arith.constant 9 : i32
        %add3A_2064 = arith.addi %mul3A_2062, %add3A_2063 : i32
        %get3A_2065 = arith.index_cast %add3A_2064 : i32 to index
        %get3A_2066 = tpu.vector_load %arg11[%get3A_2065] {strides = array<i32>} : memref<656xi32, #tpu.memory_space<vmem>>, vector<16xi32>,
        %get3A_2067 = vector.shape_cast %get3A_2066 : vector<16xi32> to vector<16xi32>
        %slice3A_2068 = vector.extract_strided_slice %get3A_2067 {offsets = [0], sizes = [1], strides = [1]} : vector<16xi32> to vector<1xi32>
        %squeeze3A_2069 = vector.extract %slice3A_2068[0] : i32 from vector<1xi32>
        %and3A_2070 = arith.constant 1 : i32
        %and3A_2071 = arith.andi %squeeze3A_2069, %and3A_2070 : i32
        %mul3A_2072 = arith.constant 64 : i32
        %mul3A_2073 = arith.muli %and3A_2071, %mul3A_2072 : i32
        %mul3A_2074 = arith.constant 20 : i32
        %mul3A_2075 = arith.muli %scan3A_1477, %mul3A_2074 : i32
        %add3A_2076 = arith.constant 9 : i32
        %add3A_2077 = arith.addi %mul3A_2075, %add3A_2076 : i32
        %add3A_2078 = arith.constant 0 : i32
        %add3A_2079 = arith.addi %mul3A_2073, %add3A_2078 : i32
        %get3A_2080 = arith.index_cast %add3A_2077 : i32 to index
        %get3A_2081 = arith.index_cast %add3A_2079 : i32 to index
        %get3A_2082 = tpu.vector_load %arg16[%get3A_2080, %get3A_2081] {strides = array<i32>} : memref<640x128xf32, #tpu.memory_space<vmem>>, vector<1x16xf32>,
        %get3A_2083 = vector.shape_cast %get3A_2082 : vector<1x16xf32> to vector<16xf32>
        %add3A_2084 = arith.addf %add3A_2027, %get3A_2083 : vector<16xf32>
        %mul3A_2085 = arith.constant 20 : i32
        %mul3A_2086 = arith.muli %scan3A_1477, %mul3A_2085 : i32
        %add3A_2087 = arith.constant 9 : i32
        %add3A_2088 = arith.addi %mul3A_2086, %add3A_2087 : i32
        %add3A_2089 = arith.constant 16 : i32
        %add3A_2090 = arith.addi %mul3A_2073, %add3A_2089 : i32
        %get3A_2091 = arith.index_cast %add3A_2088 : i32 to index
        %get3A_2092 = arith.index_cast %add3A_2090 : i32 to index
        %get3A_2093 = tpu.vector_load %arg16[%get3A_2091, %get3A_2092] {strides = array<i32>} : memref<640x128xf32, #tpu.memory_space<vmem>>, vector<1x16xf32>,
        %get3A_2094 = vector.shape_cast %get3A_2093 : vector<1x16xf32> to vector<16xf32>
        %add3A_2095 = arith.addf %add3A_2038, %get3A_2094 : vector<16xf32>
        %mul3A_2096 = arith.constant 20 : i32
        %mul3A_2097 = arith.muli %scan3A_1477, %mul3A_2096 : i32
        %add3A_2098 = arith.constant 9 : i32
        %add3A_2099 = arith.addi %mul3A_2097, %add3A_2098 : i32
        %add3A_2100 = arith.constant 32 : i32
        %add3A_2101 = arith.addi %mul3A_2073, %add3A_2100 : i32
        %get3A_2102 = arith.index_cast %add3A_2099 : i32 to index
        %get3A_2103 = arith.index_cast %add3A_2101 : i32 to index
        %get3A_2104 = tpu.vector_load %arg16[%get3A_2102, %get3A_2103] {strides = array<i32>} : memref<640x128xf32, #tpu.memory_space<vmem>>, vector<1x16xf32>,
        %get3A_2105 = vector.shape_cast %get3A_2104 : vector<1x16xf32> to vector<16xf32>
        %add3A_2106 = arith.addf %add3A_2049, %get3A_2105 : vector<16xf32>
        %mul3A_2107 = arith.constant 20 : i32
        %mul3A_2108 = arith.muli %scan3A_1477, %mul3A_2107 : i32
        %add3A_2109 = arith.constant 9 : i32
        %add3A_2110 = arith.addi %mul3A_2108, %add3A_2109 : i32
        %add3A_2111 = arith.constant 48 : i32
        %add3A_2112 = arith.addi %mul3A_2073, %add3A_2111 : i32
        %get3A_2113 = arith.index_cast %add3A_2110 : i32 to index
        %get3A_2114 = arith.index_cast %add3A_2112 : i32 to index
        %get3A_2115 = tpu.vector_load %arg16[%get3A_2113, %get3A_2114] {strides = array<i32>} : memref<640x128xf32, #tpu.memory_space<vmem>>, vector<1x16xf32>,
        %get3A_2116 = vector.shape_cast %get3A_2115 : vector<1x16xf32> to vector<16xf32>
        %add3A_2117 = arith.addf %add3A_2060, %get3A_2116 : vector<16xf32>
        %mul3A_2118 = arith.constant 20 : i32
        %mul3A_2119 = arith.muli %scan3A_1477, %mul3A_2118 : i32
        %add3A_2120 = arith.constant 10 : i32
        %add3A_2121 = arith.addi %mul3A_2119, %add3A_2120 : i32
        %get3A_2122 = arith.index_cast %add3A_2121 : i32 to index
        %get3A_2123 = tpu.vector_load %arg11[%get3A_2122] {strides = array<i32>} : memref<656xi32, #tpu.memory_space<vmem>>, vector<16xi32>,
        %get3A_2124 = vector.shape_cast %get3A_2123 : vector<16xi32> to vector<16xi32>
        %slice3A_2125 = vector.extract_strided_slice %get3A_2124 {offsets = [0], sizes = [1], strides = [1]} : vector<16xi32> to vector<1xi32>
        %squeeze3A_2126 = vector.extract %slice3A_2125[0] : i32 from vector<1xi32>
        %and3A_2127 = arith.constant 1 : i32
        %and3A_2128 = arith.andi %squeeze3A_2126, %and3A_2127 : i32
        %mul3A_2129 = arith.constant 64 : i32
        %mul3A_2130 = arith.muli %and3A_2128, %mul3A_2129 : i32
        %mul3A_2131 = arith.constant 20 : i32
        %mul3A_2132 = arith.muli %scan3A_1477, %mul3A_2131 : i32
        %add3A_2133 = arith.constant 10 : i32
        %add3A_2134 = arith.addi %mul3A_2132, %add3A_2133 : i32
        %add3A_2135 = arith.constant 0 : i32
        %add3A_2136 = arith.addi %mul3A_2130, %add3A_2135 : i32
        %get3A_2137 = arith.index_cast %add3A_2134 : i32 to index
        %get3A_2138 = arith.index_cast %add3A_2136 : i32 to index
        %get3A_2139 = tpu.vector_load %arg16[%get3A_2137, %get3A_2138] {strides = array<i32>} : memref<640x128xf32, #tpu.memory_space<vmem>>, vector<1x16xf32>,
        %get3A_2140 = vector.shape_cast %get3A_2139 : vector<1x16xf32> to vector<16xf32>
        %add3A_2141 = arith.addf %add3A_2084, %get3A_2140 : vector<16xf32>
        %mul3A_2142 = arith.constant 20 : i32
        %mul3A_2143 = arith.muli %scan3A_1477, %mul3A_2142 : i32
        %add3A_2144 = arith.constant 10 : i32
        %add3A_2145 = arith.addi %mul3A_2143, %add3A_2144 : i32
        %add3A_2146 = arith.constant 16 : i32
        %add3A_2147 = arith.addi %mul3A_2130, %add3A_2146 : i32
        %get3A_2148 = arith.index_cast %add3A_2145 : i32 to index
        %get3A_2149 = arith.index_cast %add3A_2147 : i32 to index
        %get3A_2150 = tpu.vector_load %arg16[%get3A_2148, %get3A_2149] {strides = array<i32>} : memref<640x128xf32, #tpu.memory_space<vmem>>, vector<1x16xf32>,
        %get3A_2151 = vector.shape_cast %get3A_2150 : vector<1x16xf32> to vector<16xf32>
        %add3A_2152 = arith.addf %add3A_2095, %get3A_2151 : vector<16xf32>
        %mul3A_2153 = arith.constant 20 : i32
        %mul3A_2154 = arith.muli %scan3A_1477, %mul3A_2153 : i32
        %add3A_2155 = arith.constant 10 : i32
        %add3A_2156 = arith.addi %mul3A_2154, %add3A_2155 : i32
        %add3A_2157 = arith.constant 32 : i32
        %add3A_2158 = arith.addi %mul3A_2130, %add3A_2157 : i32
        %get3A_2159 = arith.index_cast %add3A_2156 : i32 to index
        %get3A_2160 = arith.index_cast %add3A_2158 : i32 to index
        %get3A_2161 = tpu.vector_load %arg16[%get3A_2159, %get3A_2160] {strides = array<i32>} : memref<640x128xf32, #tpu.memory_space<vmem>>, vector<1x16xf32>,
        %get3A_2162 = vector.shape_cast %get3A_2161 : vector<1x16xf32> to vector<16xf32>
        %add3A_2163 = arith.addf %add3A_2106, %get3A_2162 : vector<16xf32>
        %mul3A_2164 = arith.constant 20 : i32
        %mul3A_2165 = arith.muli %scan3A_1477, %mul3A_2164 : i32
        %add3A_2166 = arith.constant 10 : i32
        %add3A_2167 = arith.addi %mul3A_2165, %add3A_2166 : i32
        %add3A_2168 = arith.constant 48 : i32
        %add3A_2169 = arith.addi %mul3A_2130, %add3A_2168 : i32
        %get3A_2170 = arith.index_cast %add3A_2167 : i32 to index
        %get3A_2171 = arith.index_cast %add3A_2169 : i32 to index
        %get3A_2172 = tpu.vector_load %arg16[%get3A_2170, %get3A_2171] {strides = array<i32>} : memref<640x128xf32, #tpu.memory_space<vmem>>, vector<1x16xf32>,
        %get3A_2173 = vector.shape_cast %get3A_2172 : vector<1x16xf32> to vector<16xf32>
        %add3A_2174 = arith.addf %add3A_2117, %get3A_2173 : vector<16xf32>
        %mul3A_2175 = arith.constant 20 : i32
        %mul3A_2176 = arith.muli %scan3A_1477, %mul3A_2175 : i32
        %add3A_2177 = arith.constant 11 : i32
        %add3A_2178 = arith.addi %mul3A_2176, %add3A_2177 : i32
        %get3A_2179 = arith.index_cast %add3A_2178 : i32 to index
        %get3A_2180 = tpu.vector_load %arg11[%get3A_2179] {strides = array<i32>} : memref<656xi32, #tpu.memory_space<vmem>>, vector<16xi32>,
        %get3A_2181 = vector.shape_cast %get3A_2180 : vector<16xi32> to vector<16xi32>
        %slice3A_2182 = vector.extract_strided_slice %get3A_2181 {offsets = [0], sizes = [1], strides = [1]} : vector<16xi32> to vector<1xi32>
        %squeeze3A_2183 = vector.extract %slice3A_2182[0] : i32 from vector<1xi32>
        %and3A_2184 = arith.constant 1 : i32
        %and3A_2185 = arith.andi %squeeze3A_2183, %and3A_2184 : i32
        %mul3A_2186 = arith.constant 64 : i32
        %mul3A_2187 = arith.muli %and3A_2185, %mul3A_2186 : i32
        %mul3A_2188 = arith.constant 20 : i32
        %mul3A_2189 = arith.muli %scan3A_1477, %mul3A_2188 : i32
        %add3A_2190 = arith.constant 11 : i32
        %add3A_2191 = arith.addi %mul3A_2189, %add3A_2190 : i32
        %add3A_2192 = arith.constant 0 : i32
        %add3A_2193 = arith.addi %mul3A_2187, %add3A_2192 : i32
        %get3A_2194 = arith.index_cast %add3A_2191 : i32 to index
        %get3A_2195 = arith.index_cast %add3A_2193 : i32 to index
        %get3A_2196 = tpu.vector_load %arg16[%get3A_2194, %get3A_2195] {strides = array<i32>} : memref<640x128xf32, #tpu.memory_space<vmem>>, vector<1x16xf32>,
        %get3A_2197 = vector.shape_cast %get3A_2196 : vector<1x16xf32> to vector<16xf32>
        %add3A_2198 = arith.addf %add3A_2141, %get3A_2197 : vector<16xf32>
        %mul3A_2199 = arith.constant 20 : i32
        %mul3A_2200 = arith.muli %scan3A_1477, %mul3A_2199 : i32
        %add3A_2201 = arith.constant 11 : i32
        %add3A_2202 = arith.addi %mul3A_2200, %add3A_2201 : i32
        %add3A_2203 = arith.constant 16 : i32
        %add3A_2204 = arith.addi %mul3A_2187, %add3A_2203 : i32
        %get3A_2205 = arith.index_cast %add3A_2202 : i32 to index
        %get3A_2206 = arith.index_cast %add3A_2204 : i32 to index
        %get3A_2207 = tpu.vector_load %arg16[%get3A_2205, %get3A_2206] {strides = array<i32>} : memref<640x128xf32, #tpu.memory_space<vmem>>, vector<1x16xf32>,
        %get3A_2208 = vector.shape_cast %get3A_2207 : vector<1x16xf32> to vector<16xf32>
        %add3A_2209 = arith.addf %add3A_2152, %get3A_2208 : vector<16xf32>
        %mul3A_2210 = arith.constant 20 : i32
        %mul3A_2211 = arith.muli %scan3A_1477, %mul3A_2210 : i32
        %add3A_2212 = arith.constant 11 : i32
        %add3A_2213 = arith.addi %mul3A_2211, %add3A_2212 : i32
        %add3A_2214 = arith.constant 32 : i32
        %add3A_2215 = arith.addi %mul3A_2187, %add3A_2214 : i32
        %get3A_2216 = arith.index_cast %add3A_2213 : i32 to index
        %get3A_2217 = arith.index_cast %add3A_2215 : i32 to index
        %get3A_2218 = tpu.vector_load %arg16[%get3A_2216, %get3A_2217] {strides = array<i32>} : memref<640x128xf32, #tpu.memory_space<vmem>>, vector<1x16xf32>,
        %get3A_2219 = vector.shape_cast %get3A_2218 : vector<1x16xf32> to vector<16xf32>
        %add3A_2220 = arith.addf %add3A_2163, %get3A_2219 : vector<16xf32>
        %mul3A_2221 = arith.constant 20 : i32
        %mul3A_2222 = arith.muli %scan3A_1477, %mul3A_2221 : i32
        %add3A_2223 = arith.constant 11 : i32
        %add3A_2224 = arith.addi %mul3A_2222, %add3A_2223 : i32
        %add3A_2225 = arith.constant 48 : i32
        %add3A_2226 = arith.addi %mul3A_2187, %add3A_2225 : i32
        %get3A_2227 = arith.index_cast %add3A_2224 : i32 to index
        %get3A_2228 = arith.index_cast %add3A_2226 : i32 to index
        %get3A_2229 = tpu.vector_load %arg16[%get3A_2227, %get3A_2228] {strides = array<i32>} : memref<640x128xf32, #tpu.memory_space<vmem>>, vector<1x16xf32>,
        %get3A_2230 = vector.shape_cast %get3A_2229 : vector<1x16xf32> to vector<16xf32>
        %add3A_2231 = arith.addf %add3A_2174, %get3A_2230 : vector<16xf32>
        %mul3A_2232 = arith.constant 20 : i32
        %mul3A_2233 = arith.muli %scan3A_1477, %mul3A_2232 : i32
        %add3A_2234 = arith.constant 12 : i32
        %add3A_2235 = arith.addi %mul3A_2233, %add3A_2234 : i32
        %get3A_2236 = arith.index_cast %add3A_2235 : i32 to index
        %get3A_2237 = tpu.vector_load %arg11[%get3A_2236] {strides = array<i32>} : memref<656xi32, #tpu.memory_space<vmem>>, vector<16xi32>,
        %get3A_2238 = vector.shape_cast %get3A_2237 : vector<16xi32> to vector<16xi32>
        %slice3A_2239 = vector.extract_strided_slice %get3A_2238 {offsets = [0], sizes = [1], strides = [1]} : vector<16xi32> to vector<1xi32>
        %squeeze3A_2240 = vector.extract %slice3A_2239[0] : i32 from vector<1xi32>
        %and3A_2241 = arith.constant 1 : i32
        %and3A_2242 = arith.andi %squeeze3A_2240, %and3A_2241 : i32
        %mul3A_2243 = arith.constant 64 : i32
        %mul3A_2244 = arith.muli %and3A_2242, %mul3A_2243 : i32
        %mul3A_2245 = arith.constant 20 : i32
        %mul3A_2246 = arith.muli %scan3A_1477, %mul3A_2245 : i32
        %add3A_2247 = arith.constant 12 : i32
        %add3A_2248 = arith.addi %mul3A_2246, %add3A_2247 : i32
        %add3A_2249 = arith.constant 0 : i32
        %add3A_2250 = arith.addi %mul3A_2244, %add3A_2249 : i32
        %get3A_2251 = arith.index_cast %add3A_2248 : i32 to index
        %get3A_2252 = arith.index_cast %add3A_2250 : i32 to index
        %get3A_2253 = tpu.vector_load %arg16[%get3A_2251, %get3A_2252] {strides = array<i32>} : memref<640x128xf32, #tpu.memory_space<vmem>>, vector<1x16xf32>,
        %get3A_2254 = vector.shape_cast %get3A_2253 : vector<1x16xf32> to vector<16xf32>
        %add3A_2255 = arith.addf %add3A_2198, %get3A_2254 : vector<16xf32>
        %mul3A_2256 = arith.constant 20 : i32
        %mul3A_2257 = arith.muli %scan3A_1477, %mul3A_2256 : i32
        %add3A_2258 = arith.constant 12 : i32
        %add3A_2259 = arith.addi %mul3A_2257, %add3A_2258 : i32
        %add3A_2260 = arith.constant 16 : i32
        %add3A_2261 = arith.addi %mul3A_2244, %add3A_2260 : i32
        %get3A_2262 = arith.index_cast %add3A_2259 : i32 to index
        %get3A_2263 = arith.index_cast %add3A_2261 : i32 to index
        %get3A_2264 = tpu.vector_load %arg16[%get3A_2262, %get3A_2263] {strides = array<i32>} : memref<640x128xf32, #tpu.memory_space<vmem>>, vector<1x16xf32>,
        %get3A_2265 = vector.shape_cast %get3A_2264 : vector<1x16xf32> to vector<16xf32>
        %add3A_2266 = arith.addf %add3A_2209, %get3A_2265 : vector<16xf32>
        %mul3A_2267 = arith.constant 20 : i32
        %mul3A_2268 = arith.muli %scan3A_1477, %mul3A_2267 : i32
        %add3A_2269 = arith.constant 12 : i32
        %add3A_2270 = arith.addi %mul3A_2268, %add3A_2269 : i32
        %add3A_2271 = arith.constant 32 : i32
        %add3A_2272 = arith.addi %mul3A_2244, %add3A_2271 : i32
        %get3A_2273 = arith.index_cast %add3A_2270 : i32 to index
        %get3A_2274 = arith.index_cast %add3A_2272 : i32 to index
        %get3A_2275 = tpu.vector_load %arg16[%get3A_2273, %get3A_2274] {strides = array<i32>} : memref<640x128xf32, #tpu.memory_space<vmem>>, vector<1x16xf32>,
        %get3A_2276 = vector.shape_cast %get3A_2275 : vector<1x16xf32> to vector<16xf32>
        %add3A_2277 = arith.addf %add3A_2220, %get3A_2276 : vector<16xf32>
        %mul3A_2278 = arith.constant 20 : i32
        %mul3A_2279 = arith.muli %scan3A_1477, %mul3A_2278 : i32
        %add3A_2280 = arith.constant 12 : i32
        %add3A_2281 = arith.addi %mul3A_2279, %add3A_2280 : i32
        %add3A_2282 = arith.constant 48 : i32
        %add3A_2283 = arith.addi %mul3A_2244, %add3A_2282 : i32
        %get3A_2284 = arith.index_cast %add3A_2281 : i32 to index
        %get3A_2285 = arith.index_cast %add3A_2283 : i32 to index
        %get3A_2286 = tpu.vector_load %arg16[%get3A_2284, %get3A_2285] {strides = array<i32>} : memref<640x128xf32, #tpu.memory_space<vmem>>, vector<1x16xf32>,
        %get3A_2287 = vector.shape_cast %get3A_2286 : vector<1x16xf32> to vector<16xf32>
        %add3A_2288 = arith.addf %add3A_2231, %get3A_2287 : vector<16xf32>
        %mul3A_2289 = arith.constant 20 : i32
        %mul3A_2290 = arith.muli %scan3A_1477, %mul3A_2289 : i32
        %add3A_2291 = arith.constant 13 : i32
        %add3A_2292 = arith.addi %mul3A_2290, %add3A_2291 : i32
        %get3A_2293 = arith.index_cast %add3A_2292 : i32 to index
        %get3A_2294 = tpu.vector_load %arg11[%get3A_2293] {strides = array<i32>} : memref<656xi32, #tpu.memory_space<vmem>>, vector<16xi32>,
        %get3A_2295 = vector.shape_cast %get3A_2294 : vector<16xi32> to vector<16xi32>
        %slice3A_2296 = vector.extract_strided_slice %get3A_2295 {offsets = [0], sizes = [1], strides = [1]} : vector<16xi32> to vector<1xi32>
        %squeeze3A_2297 = vector.extract %slice3A_2296[0] : i32 from vector<1xi32>
        %and3A_2298 = arith.constant 1 : i32
        %and3A_2299 = arith.andi %squeeze3A_2297, %and3A_2298 : i32
        %mul3A_2300 = arith.constant 64 : i32
        %mul3A_2301 = arith.muli %and3A_2299, %mul3A_2300 : i32
        %mul3A_2302 = arith.constant 20 : i32
        %mul3A_2303 = arith.muli %scan3A_1477, %mul3A_2302 : i32
        %add3A_2304 = arith.constant 13 : i32
        %add3A_2305 = arith.addi %mul3A_2303, %add3A_2304 : i32
        %add3A_2306 = arith.constant 0 : i32
        %add3A_2307 = arith.addi %mul3A_2301, %add3A_2306 : i32
        %get3A_2308 = arith.index_cast %add3A_2305 : i32 to index
        %get3A_2309 = arith.index_cast %add3A_2307 : i32 to index
        %get3A_2310 = tpu.vector_load %arg16[%get3A_2308, %get3A_2309] {strides = array<i32>} : memref<640x128xf32, #tpu.memory_space<vmem>>, vector<1x16xf32>,
        %get3A_2311 = vector.shape_cast %get3A_2310 : vector<1x16xf32> to vector<16xf32>
        %add3A_2312 = arith.addf %add3A_2255, %get3A_2311 : vector<16xf32>
        %mul3A_2313 = arith.constant 20 : i32
        %mul3A_2314 = arith.muli %scan3A_1477, %mul3A_2313 : i32
        %add3A_2315 = arith.constant 13 : i32
        %add3A_2316 = arith.addi %mul3A_2314, %add3A_2315 : i32
        %add3A_2317 = arith.constant 16 : i32
        %add3A_2318 = arith.addi %mul3A_2301, %add3A_2317 : i32
        %get3A_2319 = arith.index_cast %add3A_2316 : i32 to index
        %get3A_2320 = arith.index_cast %add3A_2318 : i32 to index
        %get3A_2321 = tpu.vector_load %arg16[%get3A_2319, %get3A_2320] {strides = array<i32>} : memref<640x128xf32, #tpu.memory_space<vmem>>, vector<1x16xf32>,
        %get3A_2322 = vector.shape_cast %get3A_2321 : vector<1x16xf32> to vector<16xf32>
        %add3A_2323 = arith.addf %add3A_2266, %get3A_2322 : vector<16xf32>
        %mul3A_2324 = arith.constant 20 : i32
        %mul3A_2325 = arith.muli %scan3A_1477, %mul3A_2324 : i32
        %add3A_2326 = arith.constant 13 : i32
        %add3A_2327 = arith.addi %mul3A_2325, %add3A_2326 : i32
        %add3A_2328 = arith.constant 32 : i32
        %add3A_2329 = arith.addi %mul3A_2301, %add3A_2328 : i32
        %get3A_2330 = arith.index_cast %add3A_2327 : i32 to index
        %get3A_2331 = arith.index_cast %add3A_2329 : i32 to index
        %get3A_2332 = tpu.vector_load %arg16[%get3A_2330, %get3A_2331] {strides = array<i32>} : memref<640x128xf32, #tpu.memory_space<vmem>>, vector<1x16xf32>,
        %get3A_2333 = vector.shape_cast %get3A_2332 : vector<1x16xf32> to vector<16xf32>
        %add3A_2334 = arith.addf %add3A_2277, %get3A_2333 : vector<16xf32>
        %mul3A_2335 = arith.constant 20 : i32
        %mul3A_2336 = arith.muli %scan3A_1477, %mul3A_2335 : i32
        %add3A_2337 = arith.constant 13 : i32
        %add3A_2338 = arith.addi %mul3A_2336, %add3A_2337 : i32
        %add3A_2339 = arith.constant 48 : i32
        %add3A_2340 = arith.addi %mul3A_2301, %add3A_2339 : i32
        %get3A_2341 = arith.index_cast %add3A_2338 : i32 to index
        %get3A_2342 = arith.index_cast %add3A_2340 : i32 to index
        %get3A_2343 = tpu.vector_load %arg16[%get3A_2341, %get3A_2342] {strides = array<i32>} : memref<640x128xf32, #tpu.memory_space<vmem>>, vector<1x16xf32>,
        %get3A_2344 = vector.shape_cast %get3A_2343 : vector<1x16xf32> to vector<16xf32>
        %add3A_2345 = arith.addf %add3A_2288, %get3A_2344 : vector<16xf32>
        %mul3A_2346 = arith.constant 20 : i32
        %mul3A_2347 = arith.muli %scan3A_1477, %mul3A_2346 : i32
        %add3A_2348 = arith.constant 14 : i32
        %add3A_2349 = arith.addi %mul3A_2347, %add3A_2348 : i32
        %get3A_2350 = arith.index_cast %add3A_2349 : i32 to index
        %get3A_2351 = tpu.vector_load %arg11[%get3A_2350] {strides = array<i32>} : memref<656xi32, #tpu.memory_space<vmem>>, vector<16xi32>,
        %get3A_2352 = vector.shape_cast %get3A_2351 : vector<16xi32> to vector<16xi32>
        %slice3A_2353 = vector.extract_strided_slice %get3A_2352 {offsets = [0], sizes = [1], strides = [1]} : vector<16xi32> to vector<1xi32>
        %squeeze3A_2354 = vector.extract %slice3A_2353[0] : i32 from vector<1xi32>
        %and3A_2355 = arith.constant 1 : i32
        %and3A_2356 = arith.andi %squeeze3A_2354, %and3A_2355 : i32
        %mul3A_2357 = arith.constant 64 : i32
        %mul3A_2358 = arith.muli %and3A_2356, %mul3A_2357 : i32
        %mul3A_2359 = arith.constant 20 : i32
        %mul3A_2360 = arith.muli %scan3A_1477, %mul3A_2359 : i32
        %add3A_2361 = arith.constant 14 : i32
        %add3A_2362 = arith.addi %mul3A_2360, %add3A_2361 : i32
        %add3A_2363 = arith.constant 0 : i32
        %add3A_2364 = arith.addi %mul3A_2358, %add3A_2363 : i32
        %get3A_2365 = arith.index_cast %add3A_2362 : i32 to index
        %get3A_2366 = arith.index_cast %add3A_2364 : i32 to index
        %get3A_2367 = tpu.vector_load %arg16[%get3A_2365, %get3A_2366] {strides = array<i32>} : memref<640x128xf32, #tpu.memory_space<vmem>>, vector<1x16xf32>,
        %get3A_2368 = vector.shape_cast %get3A_2367 : vector<1x16xf32> to vector<16xf32>
        %add3A_2369 = arith.addf %add3A_2312, %get3A_2368 : vector<16xf32>
        %mul3A_2370 = arith.constant 20 : i32
        %mul3A_2371 = arith.muli %scan3A_1477, %mul3A_2370 : i32
        %add3A_2372 = arith.constant 14 : i32
        %add3A_2373 = arith.addi %mul3A_2371, %add3A_2372 : i32
        %add3A_2374 = arith.constant 16 : i32
        %add3A_2375 = arith.addi %mul3A_2358, %add3A_2374 : i32
        %get3A_2376 = arith.index_cast %add3A_2373 : i32 to index
        %get3A_2377 = arith.index_cast %add3A_2375 : i32 to index
        %get3A_2378 = tpu.vector_load %arg16[%get3A_2376, %get3A_2377] {strides = array<i32>} : memref<640x128xf32, #tpu.memory_space<vmem>>, vector<1x16xf32>,
        %get3A_2379 = vector.shape_cast %get3A_2378 : vector<1x16xf32> to vector<16xf32>
        %add3A_2380 = arith.addf %add3A_2323, %get3A_2379 : vector<16xf32>
        %mul3A_2381 = arith.constant 20 : i32
        %mul3A_2382 = arith.muli %scan3A_1477, %mul3A_2381 : i32
        %add3A_2383 = arith.constant 14 : i32
        %add3A_2384 = arith.addi %mul3A_2382, %add3A_2383 : i32
        %add3A_2385 = arith.constant 32 : i32
        %add3A_2386 = arith.addi %mul3A_2358, %add3A_2385 : i32
        %get3A_2387 = arith.index_cast %add3A_2384 : i32 to index
        %get3A_2388 = arith.index_cast %add3A_2386 : i32 to index
        %get3A_2389 = tpu.vector_load %arg16[%get3A_2387, %get3A_2388] {strides = array<i32>} : memref<640x128xf32, #tpu.memory_space<vmem>>, vector<1x16xf32>,
        %get3A_2390 = vector.shape_cast %get3A_2389 : vector<1x16xf32> to vector<16xf32>
        %add3A_2391 = arith.addf %add3A_2334, %get3A_2390 : vector<16xf32>
        %mul3A_2392 = arith.constant 20 : i32
        %mul3A_2393 = arith.muli %scan3A_1477, %mul3A_2392 : i32
        %add3A_2394 = arith.constant 14 : i32
        %add3A_2395 = arith.addi %mul3A_2393, %add3A_2394 : i32
        %add3A_2396 = arith.constant 48 : i32
        %add3A_2397 = arith.addi %mul3A_2358, %add3A_2396 : i32
        %get3A_2398 = arith.index_cast %add3A_2395 : i32 to index
        %get3A_2399 = arith.index_cast %add3A_2397 : i32 to index
        %get3A_2400 = tpu.vector_load %arg16[%get3A_2398, %get3A_2399] {strides = array<i32>} : memref<640x128xf32, #tpu.memory_space<vmem>>, vector<1x16xf32>,
        %get3A_2401 = vector.shape_cast %get3A_2400 : vector<1x16xf32> to vector<16xf32>
        %add3A_2402 = arith.addf %add3A_2345, %get3A_2401 : vector<16xf32>
        %mul3A_2403 = arith.constant 20 : i32
        %mul3A_2404 = arith.muli %scan3A_1477, %mul3A_2403 : i32
        %add3A_2405 = arith.constant 15 : i32
        %add3A_2406 = arith.addi %mul3A_2404, %add3A_2405 : i32
        %get3A_2407 = arith.index_cast %add3A_2406 : i32 to index
        %get3A_2408 = tpu.vector_load %arg11[%get3A_2407] {strides = array<i32>} : memref<656xi32, #tpu.memory_space<vmem>>, vector<16xi32>,
        %get3A_2409 = vector.shape_cast %get3A_2408 : vector<16xi32> to vector<16xi32>
        %slice3A_2410 = vector.extract_strided_slice %get3A_2409 {offsets = [0], sizes = [1], strides = [1]} : vector<16xi32> to vector<1xi32>
        %squeeze3A_2411 = vector.extract %slice3A_2410[0] : i32 from vector<1xi32>
        %and3A_2412 = arith.constant 1 : i32
        %and3A_2413 = arith.andi %squeeze3A_2411, %and3A_2412 : i32
        %mul3A_2414 = arith.constant 64 : i32
        %mul3A_2415 = arith.muli %and3A_2413, %mul3A_2414 : i32
        %mul3A_2416 = arith.constant 20 : i32
        %mul3A_2417 = arith.muli %scan3A_1477, %mul3A_2416 : i32
        %add3A_2418 = arith.constant 15 : i32
        %add3A_2419 = arith.addi %mul3A_2417, %add3A_2418 : i32
        %add3A_2420 = arith.constant 0 : i32
        %add3A_2421 = arith.addi %mul3A_2415, %add3A_2420 : i32
        %get3A_2422 = arith.index_cast %add3A_2419 : i32 to index
        %get3A_2423 = arith.index_cast %add3A_2421 : i32 to index
        %get3A_2424 = tpu.vector_load %arg16[%get3A_2422, %get3A_2423] {strides = array<i32>} : memref<640x128xf32, #tpu.memory_space<vmem>>, vector<1x16xf32>,
        %get3A_2425 = vector.shape_cast %get3A_2424 : vector<1x16xf32> to vector<16xf32>
        %add3A_2426 = arith.addf %add3A_2369, %get3A_2425 : vector<16xf32>
        %mul3A_2427 = arith.constant 20 : i32
        %mul3A_2428 = arith.muli %scan3A_1477, %mul3A_2427 : i32
        %add3A_2429 = arith.constant 15 : i32
        %add3A_2430 = arith.addi %mul3A_2428, %add3A_2429 : i32
        %add3A_2431 = arith.constant 16 : i32
        %add3A_2432 = arith.addi %mul3A_2415, %add3A_2431 : i32
        %get3A_2433 = arith.index_cast %add3A_2430 : i32 to index
        %get3A_2434 = arith.index_cast %add3A_2432 : i32 to index
        %get3A_2435 = tpu.vector_load %arg16[%get3A_2433, %get3A_2434] {strides = array<i32>} : memref<640x128xf32, #tpu.memory_space<vmem>>, vector<1x16xf32>,
        %get3A_2436 = vector.shape_cast %get3A_2435 : vector<1x16xf32> to vector<16xf32>
        %add3A_2437 = arith.addf %add3A_2380, %get3A_2436 : vector<16xf32>
        %mul3A_2438 = arith.constant 20 : i32
        %mul3A_2439 = arith.muli %scan3A_1477, %mul3A_2438 : i32
        %add3A_2440 = arith.constant 15 : i32
        %add3A_2441 = arith.addi %mul3A_2439, %add3A_2440 : i32
        %add3A_2442 = arith.constant 32 : i32
        %add3A_2443 = arith.addi %mul3A_2415, %add3A_2442 : i32
        %get3A_2444 = arith.index_cast %add3A_2441 : i32 to index
        %get3A_2445 = arith.index_cast %add3A_2443 : i32 to index
        %get3A_2446 = tpu.vector_load %arg16[%get3A_2444, %get3A_2445] {strides = array<i32>} : memref<640x128xf32, #tpu.memory_space<vmem>>, vector<1x16xf32>,
        %get3A_2447 = vector.shape_cast %get3A_2446 : vector<1x16xf32> to vector<16xf32>
        %add3A_2448 = arith.addf %add3A_2391, %get3A_2447 : vector<16xf32>
        %mul3A_2449 = arith.constant 20 : i32
        %mul3A_2450 = arith.muli %scan3A_1477, %mul3A_2449 : i32
        %add3A_2451 = arith.constant 15 : i32
        %add3A_2452 = arith.addi %mul3A_2450, %add3A_2451 : i32
        %add3A_2453 = arith.constant 48 : i32
        %add3A_2454 = arith.addi %mul3A_2415, %add3A_2453 : i32
        %get3A_2455 = arith.index_cast %add3A_2452 : i32 to index
        %get3A_2456 = arith.index_cast %add3A_2454 : i32 to index
        %get3A_2457 = tpu.vector_load %arg16[%get3A_2455, %get3A_2456] {strides = array<i32>} : memref<640x128xf32, #tpu.memory_space<vmem>>, vector<1x16xf32>,
        %get3A_2458 = vector.shape_cast %get3A_2457 : vector<1x16xf32> to vector<16xf32>
        %add3A_2459 = arith.addf %add3A_2402, %get3A_2458 : vector<16xf32>
        %mul3A_2460 = arith.constant 20 : i32
        %mul3A_2461 = arith.muli %scan3A_1477, %mul3A_2460 : i32
        %add3A_2462 = arith.constant 16 : i32
        %add3A_2463 = arith.addi %mul3A_2461, %add3A_2462 : i32
        %get3A_2464 = arith.index_cast %add3A_2463 : i32 to index
        %get3A_2465 = tpu.vector_load %arg11[%get3A_2464] {strides = array<i32>} : memref<656xi32, #tpu.memory_space<vmem>>, vector<16xi32>,
        %get3A_2466 = vector.shape_cast %get3A_2465 : vector<16xi32> to vector<16xi32>
        %slice3A_2467 = vector.extract_strided_slice %get3A_2466 {offsets = [0], sizes = [1], strides = [1]} : vector<16xi32> to vector<1xi32>
        %squeeze3A_2468 = vector.extract %slice3A_2467[0] : i32 from vector<1xi32>
        %and3A_2469 = arith.constant 1 : i32
        %and3A_2470 = arith.andi %squeeze3A_2468, %and3A_2469 : i32
        %mul3A_2471 = arith.constant 64 : i32
        %mul3A_2472 = arith.muli %and3A_2470, %mul3A_2471 : i32
        %mul3A_2473 = arith.constant 20 : i32
        %mul3A_2474 = arith.muli %scan3A_1477, %mul3A_2473 : i32
        %add3A_2475 = arith.constant 16 : i32
        %add3A_2476 = arith.addi %mul3A_2474, %add3A_2475 : i32
        %add3A_2477 = arith.constant 0 : i32
        %add3A_2478 = arith.addi %mul3A_2472, %add3A_2477 : i32
        %get3A_2479 = arith.index_cast %add3A_2476 : i32 to index
        %get3A_2480 = arith.index_cast %add3A_2478 : i32 to index
        %get3A_2481 = tpu.vector_load %arg16[%get3A_2479, %get3A_2480] {strides = array<i32>} : memref<640x128xf32, #tpu.memory_space<vmem>>, vector<1x16xf32>,
        %get3A_2482 = vector.shape_cast %get3A_2481 : vector<1x16xf32> to vector<16xf32>
        %add3A_2483 = arith.addf %add3A_2426, %get3A_2482 : vector<16xf32>
        %mul3A_2484 = arith.constant 20 : i32
        %mul3A_2485 = arith.muli %scan3A_1477, %mul3A_2484 : i32
        %add3A_2486 = arith.constant 16 : i32
        %add3A_2487 = arith.addi %mul3A_2485, %add3A_2486 : i32
        %add3A_2488 = arith.constant 16 : i32
        %add3A_2489 = arith.addi %mul3A_2472, %add3A_2488 : i32
        %get3A_2490 = arith.index_cast %add3A_2487 : i32 to index
        %get3A_2491 = arith.index_cast %add3A_2489 : i32 to index
        %get3A_2492 = tpu.vector_load %arg16[%get3A_2490, %get3A_2491] {strides = array<i32>} : memref<640x128xf32, #tpu.memory_space<vmem>>, vector<1x16xf32>,
        %get3A_2493 = vector.shape_cast %get3A_2492 : vector<1x16xf32> to vector<16xf32>
        %add3A_2494 = arith.addf %add3A_2437, %get3A_2493 : vector<16xf32>
        %mul3A_2495 = arith.constant 20 : i32
        %mul3A_2496 = arith.muli %scan3A_1477, %mul3A_2495 : i32
        %add3A_2497 = arith.constant 16 : i32
        %add3A_2498 = arith.addi %mul3A_2496, %add3A_2497 : i32
        %add3A_2499 = arith.constant 32 : i32
        %add3A_2500 = arith.addi %mul3A_2472, %add3A_2499 : i32
        %get3A_2501 = arith.index_cast %add3A_2498 : i32 to index
        %get3A_2502 = arith.index_cast %add3A_2500 : i32 to index
        %get3A_2503 = tpu.vector_load %arg16[%get3A_2501, %get3A_2502] {strides = array<i32>} : memref<640x128xf32, #tpu.memory_space<vmem>>, vector<1x16xf32>,
        %get3A_2504 = vector.shape_cast %get3A_2503 : vector<1x16xf32> to vector<16xf32>
        %add3A_2505 = arith.addf %add3A_2448, %get3A_2504 : vector<16xf32>
        %mul3A_2506 = arith.constant 20 : i32
        %mul3A_2507 = arith.muli %scan3A_1477, %mul3A_2506 : i32
        %add3A_2508 = arith.constant 16 : i32
        %add3A_2509 = arith.addi %mul3A_2507, %add3A_2508 : i32
        %add3A_2510 = arith.constant 48 : i32
        %add3A_2511 = arith.addi %mul3A_2472, %add3A_2510 : i32
        %get3A_2512 = arith.index_cast %add3A_2509 : i32 to index
        %get3A_2513 = arith.index_cast %add3A_2511 : i32 to index
        %get3A_2514 = tpu.vector_load %arg16[%get3A_2512, %get3A_2513] {strides = array<i32>} : memref<640x128xf32, #tpu.memory_space<vmem>>, vector<1x16xf32>,
        %get3A_2515 = vector.shape_cast %get3A_2514 : vector<1x16xf32> to vector<16xf32>
        %add3A_2516 = arith.addf %add3A_2459, %get3A_2515 : vector<16xf32>
        %mul3A_2517 = arith.constant 20 : i32
        %mul3A_2518 = arith.muli %scan3A_1477, %mul3A_2517 : i32
        %add3A_2519 = arith.constant 17 : i32
        %add3A_2520 = arith.addi %mul3A_2518, %add3A_2519 : i32
        %get3A_2521 = arith.index_cast %add3A_2520 : i32 to index
        %get3A_2522 = tpu.vector_load %arg11[%get3A_2521] {strides = array<i32>} : memref<656xi32, #tpu.memory_space<vmem>>, vector<16xi32>,
        %get3A_2523 = vector.shape_cast %get3A_2522 : vector<16xi32> to vector<16xi32>
        %slice3A_2524 = vector.extract_strided_slice %get3A_2523 {offsets = [0], sizes = [1], strides = [1]} : vector<16xi32> to vector<1xi32>
        %squeeze3A_2525 = vector.extract %slice3A_2524[0] : i32 from vector<1xi32>
        %and3A_2526 = arith.constant 1 : i32
        %and3A_2527 = arith.andi %squeeze3A_2525, %and3A_2526 : i32
        %mul3A_2528 = arith.constant 64 : i32
        %mul3A_2529 = arith.muli %and3A_2527, %mul3A_2528 : i32
        %mul3A_2530 = arith.constant 20 : i32
        %mul3A_2531 = arith.muli %scan3A_1477, %mul3A_2530 : i32
        %add3A_2532 = arith.constant 17 : i32
        %add3A_2533 = arith.addi %mul3A_2531, %add3A_2532 : i32
        %add3A_2534 = arith.constant 0 : i32
        %add3A_2535 = arith.addi %mul3A_2529, %add3A_2534 : i32
        %get3A_2536 = arith.index_cast %add3A_2533 : i32 to index
        %get3A_2537 = arith.index_cast %add3A_2535 : i32 to index
        %get3A_2538 = tpu.vector_load %arg16[%get3A_2536, %get3A_2537] {strides = array<i32>} : memref<640x128xf32, #tpu.memory_space<vmem>>, vector<1x16xf32>,
        %get3A_2539 = vector.shape_cast %get3A_2538 : vector<1x16xf32> to vector<16xf32>
        %add3A_2540 = arith.addf %add3A_2483, %get3A_2539 : vector<16xf32>
        %mul3A_2541 = arith.constant 20 : i32
        %mul3A_2542 = arith.muli %scan3A_1477, %mul3A_2541 : i32
        %add3A_2543 = arith.constant 17 : i32
        %add3A_2544 = arith.addi %mul3A_2542, %add3A_2543 : i32
        %add3A_2545 = arith.constant 16 : i32
        %add3A_2546 = arith.addi %mul3A_2529, %add3A_2545 : i32
        %get3A_2547 = arith.index_cast %add3A_2544 : i32 to index
        %get3A_2548 = arith.index_cast %add3A_2546 : i32 to index
        %get3A_2549 = tpu.vector_load %arg16[%get3A_2547, %get3A_2548] {strides = array<i32>} : memref<640x128xf32, #tpu.memory_space<vmem>>, vector<1x16xf32>,
        %get3A_2550 = vector.shape_cast %get3A_2549 : vector<1x16xf32> to vector<16xf32>
        %add3A_2551 = arith.addf %add3A_2494, %get3A_2550 : vector<16xf32>
        %mul3A_2552 = arith.constant 20 : i32
        %mul3A_2553 = arith.muli %scan3A_1477, %mul3A_2552 : i32
        %add3A_2554 = arith.constant 17 : i32
        %add3A_2555 = arith.addi %mul3A_2553, %add3A_2554 : i32
        %add3A_2556 = arith.constant 32 : i32
        %add3A_2557 = arith.addi %mul3A_2529, %add3A_2556 : i32
        %get3A_2558 = arith.index_cast %add3A_2555 : i32 to index
        %get3A_2559 = arith.index_cast %add3A_2557 : i32 to index
        %get3A_2560 = tpu.vector_load %arg16[%get3A_2558, %get3A_2559] {strides = array<i32>} : memref<640x128xf32, #tpu.memory_space<vmem>>, vector<1x16xf32>,
        %get3A_2561 = vector.shape_cast %get3A_2560 : vector<1x16xf32> to vector<16xf32>
        %add3A_2562 = arith.addf %add3A_2505, %get3A_2561 : vector<16xf32>
        %mul3A_2563 = arith.constant 20 : i32
        %mul3A_2564 = arith.muli %scan3A_1477, %mul3A_2563 : i32
        %add3A_2565 = arith.constant 17 : i32
        %add3A_2566 = arith.addi %mul3A_2564, %add3A_2565 : i32
        %add3A_2567 = arith.constant 48 : i32
        %add3A_2568 = arith.addi %mul3A_2529, %add3A_2567 : i32
        %get3A_2569 = arith.index_cast %add3A_2566 : i32 to index
        %get3A_2570 = arith.index_cast %add3A_2568 : i32 to index
        %get3A_2571 = tpu.vector_load %arg16[%get3A_2569, %get3A_2570] {strides = array<i32>} : memref<640x128xf32, #tpu.memory_space<vmem>>, vector<1x16xf32>,
        %get3A_2572 = vector.shape_cast %get3A_2571 : vector<1x16xf32> to vector<16xf32>
        %add3A_2573 = arith.addf %add3A_2516, %get3A_2572 : vector<16xf32>
        %mul3A_2574 = arith.constant 20 : i32
        %mul3A_2575 = arith.muli %scan3A_1477, %mul3A_2574 : i32
        %add3A_2576 = arith.constant 18 : i32
        %add3A_2577 = arith.addi %mul3A_2575, %add3A_2576 : i32
        %get3A_2578 = arith.index_cast %add3A_2577 : i32 to index
        %get3A_2579 = tpu.vector_load %arg11[%get3A_2578] {strides = array<i32>} : memref<656xi32, #tpu.memory_space<vmem>>, vector<16xi32>,
        %get3A_2580 = vector.shape_cast %get3A_2579 : vector<16xi32> to vector<16xi32>
        %slice3A_2581 = vector.extract_strided_slice %get3A_2580 {offsets = [0], sizes = [1], strides = [1]} : vector<16xi32> to vector<1xi32>
        %squeeze3A_2582 = vector.extract %slice3A_2581[0] : i32 from vector<1xi32>
        %and3A_2583 = arith.constant 1 : i32
        %and3A_2584 = arith.andi %squeeze3A_2582, %and3A_2583 : i32
        %mul3A_2585 = arith.constant 64 : i32
        %mul3A_2586 = arith.muli %and3A_2584, %mul3A_2585 : i32
        %mul3A_2587 = arith.constant 20 : i32
        %mul3A_2588 = arith.muli %scan3A_1477, %mul3A_2587 : i32
        %add3A_2589 = arith.constant 18 : i32
        %add3A_2590 = arith.addi %mul3A_2588, %add3A_2589 : i32
        %add3A_2591 = arith.constant 0 : i32
        %add3A_2592 = arith.addi %mul3A_2586, %add3A_2591 : i32
        %get3A_2593 = arith.index_cast %add3A_2590 : i32 to index
        %get3A_2594 = arith.index_cast %add3A_2592 : i32 to index
        %get3A_2595 = tpu.vector_load %arg16[%get3A_2593, %get3A_2594] {strides = array<i32>} : memref<640x128xf32, #tpu.memory_space<vmem>>, vector<1x16xf32>,
        %get3A_2596 = vector.shape_cast %get3A_2595 : vector<1x16xf32> to vector<16xf32>
        %add3A_2597 = arith.addf %add3A_2540, %get3A_2596 : vector<16xf32>
        %mul3A_2598 = arith.constant 20 : i32
        %mul3A_2599 = arith.muli %scan3A_1477, %mul3A_2598 : i32
        %add3A_2600 = arith.constant 18 : i32
        %add3A_2601 = arith.addi %mul3A_2599, %add3A_2600 : i32
        %add3A_2602 = arith.constant 16 : i32
        %add3A_2603 = arith.addi %mul3A_2586, %add3A_2602 : i32
        %get3A_2604 = arith.index_cast %add3A_2601 : i32 to index
        %get3A_2605 = arith.index_cast %add3A_2603 : i32 to index
        %get3A_2606 = tpu.vector_load %arg16[%get3A_2604, %get3A_2605] {strides = array<i32>} : memref<640x128xf32, #tpu.memory_space<vmem>>, vector<1x16xf32>,
        %get3A_2607 = vector.shape_cast %get3A_2606 : vector<1x16xf32> to vector<16xf32>
        %add3A_2608 = arith.addf %add3A_2551, %get3A_2607 : vector<16xf32>
        %mul3A_2609 = arith.constant 20 : i32
        %mul3A_2610 = arith.muli %scan3A_1477, %mul3A_2609 : i32
        %add3A_2611 = arith.constant 18 : i32
        %add3A_2612 = arith.addi %mul3A_2610, %add3A_2611 : i32
        %add3A_2613 = arith.constant 32 : i32
        %add3A_2614 = arith.addi %mul3A_2586, %add3A_2613 : i32
        %get3A_2615 = arith.index_cast %add3A_2612 : i32 to index
        %get3A_2616 = arith.index_cast %add3A_2614 : i32 to index
        %get3A_2617 = tpu.vector_load %arg16[%get3A_2615, %get3A_2616] {strides = array<i32>} : memref<640x128xf32, #tpu.memory_space<vmem>>, vector<1x16xf32>,
        %get3A_2618 = vector.shape_cast %get3A_2617 : vector<1x16xf32> to vector<16xf32>
        %add3A_2619 = arith.addf %add3A_2562, %get3A_2618 : vector<16xf32>
        %mul3A_2620 = arith.constant 20 : i32
        %mul3A_2621 = arith.muli %scan3A_1477, %mul3A_2620 : i32
        %add3A_2622 = arith.constant 18 : i32
        %add3A_2623 = arith.addi %mul3A_2621, %add3A_2622 : i32
        %add3A_2624 = arith.constant 48 : i32
        %add3A_2625 = arith.addi %mul3A_2586, %add3A_2624 : i32
        %get3A_2626 = arith.index_cast %add3A_2623 : i32 to index
        %get3A_2627 = arith.index_cast %add3A_2625 : i32 to index
        %get3A_2628 = tpu.vector_load %arg16[%get3A_2626, %get3A_2627] {strides = array<i32>} : memref<640x128xf32, #tpu.memory_space<vmem>>, vector<1x16xf32>,
        %get3A_2629 = vector.shape_cast %get3A_2628 : vector<1x16xf32> to vector<16xf32>
        %add3A_2630 = arith.addf %add3A_2573, %get3A_2629 : vector<16xf32>
        %mul3A_2631 = arith.constant 20 : i32
        %mul3A_2632 = arith.muli %scan3A_1477, %mul3A_2631 : i32
        %add3A_2633 = arith.constant 19 : i32
        %add3A_2634 = arith.addi %mul3A_2632, %add3A_2633 : i32
        %get3A_2635 = arith.index_cast %add3A_2634 : i32 to index
        %get3A_2636 = tpu.vector_load %arg11[%get3A_2635] {strides = array<i32>} : memref<656xi32, #tpu.memory_space<vmem>>, vector<16xi32>,
        %get3A_2637 = vector.shape_cast %get3A_2636 : vector<16xi32> to vector<16xi32>
        %slice3A_2638 = vector.extract_strided_slice %get3A_2637 {offsets = [0], sizes = [1], strides = [1]} : vector<16xi32> to vector<1xi32>
        %squeeze3A_2639 = vector.extract %slice3A_2638[0] : i32 from vector<1xi32>
        %and3A_2640 = arith.constant 1 : i32
        %and3A_2641 = arith.andi %squeeze3A_2639, %and3A_2640 : i32
        %mul3A_2642 = arith.constant 64 : i32
        %mul3A_2643 = arith.muli %and3A_2641, %mul3A_2642 : i32
        %mul3A_2644 = arith.constant 20 : i32
        %mul3A_2645 = arith.muli %scan3A_1477, %mul3A_2644 : i32
        %add3A_2646 = arith.constant 19 : i32
        %add3A_2647 = arith.addi %mul3A_2645, %add3A_2646 : i32
        %add3A_2648 = arith.constant 0 : i32
        %add3A_2649 = arith.addi %mul3A_2643, %add3A_2648 : i32
        %get3A_2650 = arith.index_cast %add3A_2647 : i32 to index
        %get3A_2651 = arith.index_cast %add3A_2649 : i32 to index
        %get3A_2652 = tpu.vector_load %arg16[%get3A_2650, %get3A_2651] {strides = array<i32>} : memref<640x128xf32, #tpu.memory_space<vmem>>, vector<1x16xf32>,
        %get3A_2653 = vector.shape_cast %get3A_2652 : vector<1x16xf32> to vector<16xf32>
        %add3A_2654 = arith.addf %add3A_2597, %get3A_2653 : vector<16xf32>
        %mul3A_2655 = arith.constant 20 : i32
        %mul3A_2656 = arith.muli %scan3A_1477, %mul3A_2655 : i32
        %add3A_2657 = arith.constant 19 : i32
        %add3A_2658 = arith.addi %mul3A_2656, %add3A_2657 : i32
        %add3A_2659 = arith.constant 16 : i32
        %add3A_2660 = arith.addi %mul3A_2643, %add3A_2659 : i32
        %get3A_2661 = arith.index_cast %add3A_2658 : i32 to index
        %get3A_2662 = arith.index_cast %add3A_2660 : i32 to index
        %get3A_2663 = tpu.vector_load %arg16[%get3A_2661, %get3A_2662] {strides = array<i32>} : memref<640x128xf32, #tpu.memory_space<vmem>>, vector<1x16xf32>,
        %get3A_2664 = vector.shape_cast %get3A_2663 : vector<1x16xf32> to vector<16xf32>
        %add3A_2665 = arith.addf %add3A_2608, %get3A_2664 : vector<16xf32>
        %mul3A_2666 = arith.constant 20 : i32
        %mul3A_2667 = arith.muli %scan3A_1477, %mul3A_2666 : i32
        %add3A_2668 = arith.constant 19 : i32
        %add3A_2669 = arith.addi %mul3A_2667, %add3A_2668 : i32
        %add3A_2670 = arith.constant 32 : i32
        %add3A_2671 = arith.addi %mul3A_2643, %add3A_2670 : i32
        %get3A_2672 = arith.index_cast %add3A_2669 : i32 to index
        %get3A_2673 = arith.index_cast %add3A_2671 : i32 to index
        %get3A_2674 = tpu.vector_load %arg16[%get3A_2672, %get3A_2673] {strides = array<i32>} : memref<640x128xf32, #tpu.memory_space<vmem>>, vector<1x16xf32>,
        %get3A_2675 = vector.shape_cast %get3A_2674 : vector<1x16xf32> to vector<16xf32>
        %add3A_2676 = arith.addf %add3A_2619, %get3A_2675 : vector<16xf32>
        %mul3A_2677 = arith.constant 20 : i32
        %mul3A_2678 = arith.muli %scan3A_1477, %mul3A_2677 : i32
        %add3A_2679 = arith.constant 19 : i32
        %add3A_2680 = arith.addi %mul3A_2678, %add3A_2679 : i32
        %add3A_2681 = arith.constant 48 : i32
        %add3A_2682 = arith.addi %mul3A_2643, %add3A_2681 : i32
        %get3A_2683 = arith.index_cast %add3A_2680 : i32 to index
        %get3A_2684 = arith.index_cast %add3A_2682 : i32 to index
        %get3A_2685 = tpu.vector_load %arg16[%get3A_2683, %get3A_2684] {strides = array<i32>} : memref<640x128xf32, #tpu.memory_space<vmem>>, vector<1x16xf32>,
        %get3A_2686 = vector.shape_cast %get3A_2685 : vector<1x16xf32> to vector<16xf32>
        %add3A_2687 = arith.addf %add3A_2630, %get3A_2686 : vector<16xf32>
        %mul3A_2688 = arith.mulf %get3A_1499, %add3A_2654 : vector<16xf32>
        %mul3A_2689 = arith.mulf %get3A_1513, %add3A_2665 : vector<16xf32>
        %add3A_2690 = arith.addf %mul3A_2688, %mul3A_2689 : vector<16xf32>
        %mul3A_2691 = arith.mulf %get3A_1528, %add3A_2676 : vector<16xf32>
        %add3A_2692 = arith.addf %add3A_2690, %mul3A_2691 : vector<16xf32>
        %mul3A_2693 = arith.mulf %get3A_1543, %add3A_2687 : vector<16xf32>
        %add3A_2694 = arith.addf %add3A_2692, %mul3A_2693 : vector<16xf32>
        %swap3A_2695 = arith.index_cast %scan3A_1477 : i32 to index
        %swap3A_2696 = arith.constant 0 : index
        %swap3A_2697 = tpu.vector_load %arg17[%swap3A_2695, %swap3A_2696] {strides = array<i32>} : memref<32x16xf32, #tpu.memory_space<vmem>>, vector<1x16xf32>,
        %swap3A_2698 = vector.shape_cast %swap3A_2697 : vector<1x16xf32> to vector<16xf32>
        %swap3A_2699 = vector.shape_cast %add3A_1551 : vector<16xf32> to vector<1x16xf32>
        tpu.vector_store %arg17[%swap3A_2695, %swap3A_2696], %swap3A_2699 {strides = array<i32>} : memref<32x16xf32, #tpu.memory_space<vmem>>, vector<1x16xf32>,
        %swap3A_2700 = arith.index_cast %scan3A_1477 : i32 to index
        %swap3A_2701 = arith.constant 0 : index
        %swap3A_2702 = tpu.vector_load %arg18[%swap3A_2700, %swap3A_2701] {strides = array<i32>} : memref<32x16xf32, #tpu.memory_space<vmem>>, vector<1x16xf32>,
        %swap3A_2703 = vector.shape_cast %swap3A_2702 : vector<1x16xf32> to vector<16xf32>
        %swap3A_2704 = vector.shape_cast %add3A_2694 : vector<16xf32> to vector<1x16xf32>
        tpu.vector_store %arg18[%swap3A_2700, %swap3A_2701], %swap3A_2704 {strides = array<i32>} : memref<32x16xf32, #tpu.memory_space<vmem>>, vector<1x16xf32>,
      }
      %scan3A_1476 = arith.constant 32 : i32
      "tpu.region"() ({
        %run_scoped3A = tpu.sem_alloc : memref<!tpu.dma_semaphore, #tpu.memory_space<semaphore_mem>>
        %dma_start3A_1477 = arith.constant 0 : i32
        %dma_start3A_1478 = tpu.memref_slice %arg7[%add3A_11, %dma_start3A_1477] : memref<16384x16xf32, #tpu.memory_space<hbm>> -> memref<32x16xf32, #tpu.memory_space<hbm>>
        %dma_start3A_1479 = arith.constant 0 : i32
        %dma_start3A_1480 = tpu.memref_slice %arg7[%add3A_11, %dma_start3A_1479] : memref<16384x16xf32, #tpu.memory_space<hbm>> -> memref<32x16xf32, #tpu.memory_space<hbm>>
        tpu.enqueue_dma source(%arg17 : memref<32x16xf32, #tpu.memory_space<vmem>>) target(%dma_start3A_1480 : memref<32x16xf32, #tpu.memory_space<hbm>>) target_semaphore(%run_scoped3A : memref<!tpu.dma_semaphore, #tpu.memory_space<semaphore_mem>>)
        %dma_wait3A_1481 = arith.constant 0 : i32
        %dma_wait3A_1482 = tpu.memref_slice %arg7[%add3A_11, %dma_wait3A_1481] : memref<16384x16xf32, #tpu.memory_space<hbm>> -> memref<32x16xf32, #tpu.memory_space<hbm>>
        %dma_wait3A_1483 = arith.constant 0 : i32
        %dma_wait3A_1484 = tpu.memref_slice %arg7[%add3A_11, %dma_wait3A_1483] : memref<16384x16xf32, #tpu.memory_space<hbm>> -> memref<32x16xf32, #tpu.memory_space<hbm>>
        tpu.wait_dma2 semaphore(%run_scoped3A : memref<!tpu.dma_semaphore, #tpu.memory_space<semaphore_mem>>) src(%arg17 : memref<32x16xf32, #tpu.memory_space<vmem>>) dst(%dma_wait3A_1484 : memref<32x16xf32, #tpu.memory_space<hbm>>)
        tpu.yield
      }) : () -> ()
      "tpu.region"() ({
        %run_scoped3A = tpu.sem_alloc : memref<!tpu.dma_semaphore, #tpu.memory_space<semaphore_mem>>
        %dma_start3A_1477 = arith.constant 0 : i32
        %dma_start3A_1478 = tpu.memref_slice %arg8[%add3A_11, %dma_start3A_1477] : memref<16384x16xf32, #tpu.memory_space<hbm>> -> memref<32x16xf32, #tpu.memory_space<hbm>>
        %dma_start3A_1479 = arith.constant 0 : i32
        %dma_start3A_1480 = tpu.memref_slice %arg8[%add3A_11, %dma_start3A_1479] : memref<16384x16xf32, #tpu.memory_space<hbm>> -> memref<32x16xf32, #tpu.memory_space<hbm>>
        tpu.enqueue_dma source(%arg18 : memref<32x16xf32, #tpu.memory_space<vmem>>) target(%dma_start3A_1480 : memref<32x16xf32, #tpu.memory_space<hbm>>) target_semaphore(%run_scoped3A : memref<!tpu.dma_semaphore, #tpu.memory_space<semaphore_mem>>)
        %dma_wait3A_1481 = arith.constant 0 : i32
        %dma_wait3A_1482 = tpu.memref_slice %arg8[%add3A_11, %dma_wait3A_1481] : memref<16384x16xf32, #tpu.memory_space<hbm>> -> memref<32x16xf32, #tpu.memory_space<hbm>>
        %dma_wait3A_1483 = arith.constant 0 : i32
        %dma_wait3A_1484 = tpu.memref_slice %arg8[%add3A_11, %dma_wait3A_1483] : memref<16384x16xf32, #tpu.memory_space<hbm>> -> memref<32x16xf32, #tpu.memory_space<hbm>>
        tpu.wait_dma2 semaphore(%run_scoped3A : memref<!tpu.dma_semaphore, #tpu.memory_space<semaphore_mem>>) src(%arg18 : memref<32x16xf32, #tpu.memory_space<vmem>>) dst(%dma_wait3A_1484 : memref<32x16xf32, #tpu.memory_space<hbm>>)
        tpu.yield
      }) : () -> ()
    }
    %scan3A_7 = arith.constant 16 : i32
    return
  }
}

module attributes {stable_mosaic.version = 14 : i64} {
  func.func @body(%arg0: memref<16384x16xf32, #tpu.memory_space<vmem>>, %arg1: memref<16384x16xf32, #tpu.memory_space<vmem>>, %arg2: memref<1x1xf32, #tpu.memory_space<vmem>>) attributes {dimension_semantics = [], scalar_prefetch = 0 : i64, scratch_operands = 0 : i64, tpu.core_type = #tpu.core_type<tc>} {
    %get3A = arith.constant 0 : index
    %get3A_0 = arith.constant 0 : index
    %get3A_1 = vector.load %arg0[%get3A, %get3A_0] : memref<16384x16xf32, #tpu.memory_space<vmem>>, vector<16384x16xf32>
    %reduce_sum3A = arith.constant dense<0.000000e+00> : vector<16384xf32>
    %reduce_sum3A_2 = vector.multi_reduction <add>, %get3A_1, %reduce_sum3A [1] : vector<16384x16xf32> to vector<16384xf32>
    %get3A_3 = arith.constant 0 : index
    %get3A_4 = arith.constant 0 : index
    %get3A_5 = vector.load %arg1[%get3A_3, %get3A_4] : memref<16384x16xf32, #tpu.memory_space<vmem>>, vector<16384x16xf32>
    %reduce_sum3A_6 = arith.constant dense<0.000000e+00> : vector<16384xf32>
    %reduce_sum3A_7 = vector.multi_reduction <add>, %get3A_5, %reduce_sum3A_6 [1] : vector<16384x16xf32> to vector<16384xf32>
    %min3A = arith.constant 0.000000e+00 : f32
    %min3A_8 = vector.broadcast %min3A : f32 to vector<16384xf32>
    %min3A_9 = arith.minimumf %reduce_sum3A_2, %min3A_8 : vector<16384xf32>
    %abs3A = math.absf %reduce_sum3A_2 : vector<16384xf32>
    %neg3A = arith.constant 0.000000e+00 : f32
    %neg3A_10 = vector.broadcast %neg3A : f32 to vector<16384xf32>
    %neg3A_11 = arith.subf %neg3A_10, %abs3A : vector<16384xf32>
    %exp3A = math.exp %neg3A_11 : vector<16384xf32>
    %log1p3A = math.log1p %exp3A : vector<16384xf32>
    %sub3A = arith.subf %min3A_9, %log1p3A : vector<16384xf32>
    %neg3A_12 = arith.constant 0.000000e+00 : f32
    %neg3A_13 = vector.broadcast %neg3A_12 : f32 to vector<16384xf32>
    %neg3A_14 = arith.subf %neg3A_13, %reduce_sum3A_7 : vector<16384xf32>
    %min3A_15 = arith.constant 0.000000e+00 : f32
    %min3A_16 = vector.broadcast %min3A_15 : f32 to vector<16384xf32>
    %min3A_17 = arith.minimumf %neg3A_14, %min3A_16 : vector<16384xf32>
    %abs3A_18 = math.absf %neg3A_14 : vector<16384xf32>
    %neg3A_19 = arith.constant 0.000000e+00 : f32
    %neg3A_20 = vector.broadcast %neg3A_19 : f32 to vector<16384xf32>
    %neg3A_21 = arith.subf %neg3A_20, %abs3A_18 : vector<16384xf32>
    %exp3A_22 = math.exp %neg3A_21 : vector<16384xf32>
    %log1p3A_23 = math.log1p %exp3A_22 : vector<16384xf32>
    %sub3A_24 = arith.subf %min3A_17, %log1p3A_23 : vector<16384xf32>
    %add3A = arith.addf %sub3A, %sub3A_24 : vector<16384xf32>
    %reduce_sum3A_25 = vector.shape_cast %add3A : vector<16384xf32> to vector<1x16384xf32>
    %reduce_sum3A_26 = arith.constant dense<0.000000e+00> : vector<1xf32>
    %reduce_sum3A_27 = vector.multi_reduction <add>, %reduce_sum3A_25, %reduce_sum3A_26 [1] : vector<1x16384xf32> to vector<1xf32>
    %reduce_sum3A_28 = vector.shape_cast %reduce_sum3A_27 : vector<1xf32> to vector<1x1xf32>
    %reduce_sum3A_29 = vector.extract %reduce_sum3A_28[0, 0] : f32 from vector<1x1xf32>
    %div3A = arith.constant 1.638400e+04 : f32
    %div3A_30 = arith.divf %reduce_sum3A_29, %div3A : f32
    %neg3A_31 = arith.constant 0.000000e+00 : f32
    %neg3A_32 = arith.subf %neg3A_31, %div3A_30 : f32
    %broadcast_in_dim3A = vector.broadcast %neg3A_32 : f32 to vector<1x1xf32>
    %swap3A = arith.constant 0 : index
    %swap3A_33 = arith.constant 0 : index
    %swap3A_34 = vector.load %arg2[%swap3A, %swap3A_33] : memref<1x1xf32, #tpu.memory_space<vmem>>, vector<1x1xf32>
    tpu.vector_store %arg2[%swap3A, %swap3A_33], %broadcast_in_dim3A {strides = array<i32>} : memref<1x1xf32, #tpu.memory_space<vmem>>, vector<1x1xf32>,
    return
  }
}

</mosaic_0001>

<sc_bundles>
// kernel: kernel.4.cloned.1.call-start
scs
__scs_entry_jumppad:
0x0: {  	(pc) =	sbr.rel $0x88, $3  }
0x1: {  	(tag) =	ssettag $0x0;
	lr =	simm.s32 $0x1  }
0x2: {  	[smem:$0x3F9C] =	sst lr;
	_ =	strace $0xD0000000  }
0x3: {  	_ = 	snop  }
0x4: {  	_ = 	snop  }
0x5: {  	_ = 	snop  }
0x6: {  	_ = 	snop  }
0x7: {  	_ = 	snop  }
__scs_overlays_trampoline_lowered:
0x8: {  	[smem:$0x3FAB] =	sst s0  }
0x9: {  	[smem:$0x3FAC] =	sst s1  }
0xa: {  	[smem:$0x3FAD] =	sst s2  }
0xb: {  	[smem:$0x3FAE] =	sst s3  }
0xc: {  	[smem:$0x3FAF] =	sst s4  }
0xd: {  	[smem:$0x3FB0] =	sst s5  }
0xe: {  	[smem:$0x3FB1] =	sst s6  }
0xf: {  	[smem:$0x3FB2] =	sst s7  }
0x10: {  	[smem:$0x3FB3] =	sst s8  }
0x11: {  	[smem:$0x3FB4] =	sst s9;
	s0 =	simm.s32 @!p0 $0x0  }
0x12: {  	s1 =	sld [smem:$0x3F9A];
	s0 =	simm.s32 @p0 $0x1  }
0x13: {  	[smem:$0x3FB5] =	sst s0;
	s0 =	simm.s32 @!p1 $0x0  }
0x14: {  	s2 =	sld [smem:$0x3F99];
	s0 =	simm.s32 @p1 $0x1  }
0x15: {  	[smem:$0x3FB6] =	sst s0;
	s0 =	simm.s32 @!p2 $0x0  }
0x16: {  	s3 =	sld [smem:$0x3FDB];
	s0 =	simm.s32 @p2 $0x1  }
0x17: {  	s4 =	simm.s32 $0x1BF5;
	[smem:$0x3FB8] =	sst s0  }
0x18: {  	s0 =	sld [smem:$0x3F9B];
	_ =	swait.ge [sflag:s4], $0x0  }
0x19: {  	s7 =	sld [smem:$0x3F9C]  }
0x1a: {  	s8 =	sadd.s32 $0xFFFFE003, lr  }
0x1b: {  	s9 =	sadd.s32 $0xFFFFFEF7, lr;
	s5 =	simm.s32 $0xFFFFFFFF;
	p2 =	slt.u32 s8, $0xFFFFF086  }
0x1c: {  	p1 =	slt.u32 s9, $0xF7A;
	s5 =	simm.s32 @!p2 $0x0  }
0x1d: {  	s5 =	simm.s32 @p1 $0x1;
	p0 =	seq.s32 s7, s2  }
0x1e: {  	s7 =	smul.u32 @!p0 $0xF7A, s2;
	p2 =	seq.s32 @!p0 s5, $0x0  }
0x1f: {  	s9 =	smul.u32 $0xF7A, s1;
	s8 =	simm.s32 @!p0 $0x1BF5;
	p2 =	por !p2, p0  }
0x20: {  	[sflag:s8] =	ssyncset.s32 @!p0 $0xFFFFF086;
	s6 =	sadd.s32 @!p0 s3, s7;
	s7 =	simm.s32 @!p0 $0x108  }
0x21: {  	s3 =	sadd.s32 s3, s9;
	s6 =	sadd.s32 @!p0 $0x88, s6;
	s7 =	simm.s32 @p2 $0x1082  }
0x22: {  	[simem:s7], [sflag:s8] =	dma.local @!p0 [hbm:s6], $0xF7A  }
0x23: {  	s9 =	sor.u32 $0xD0000000, s2;
	s6 =	simm.s32 $0x108;
	_ =	swait.ge @!p0 [sflag:s8], $0x0  }
0x24: {  	s3 =	sadd.s32 $0x88, s3;
	s6 =	simm.s32 @!p1 $0x1082;
	[sflag:s4] =	ssyncset.s32 $0xFFFFF086  }
0x25: {  	[simem:s6], [sflag:s4] =	dma.local [hbm:s3], $0xF7A  }
0x26: {  	[smem:$0x3F9C] =	sst s1;
	(tag) =	ssettag s2;
	_ =	strace s9  }
0x27: {  	s1 =	sld [smem:$0x3FAC]  }
0x28: {  	s2 =	sld [smem:$0x3FAD]  }
0x29: {  	s4 =	sld [smem:$0x3FAF]  }
0x2a: {  	p0 =	seq.s32 s5, $0x0;
	s5 =	sld [smem:$0x3FB0]  }
0x2b: {  	s6 =	sld [smem:$0x3FB1]  }
0x2c: {  	s7 =	sld [smem:$0x3FB2]  }
0x2d: {  	s3 =	simm.s32 $0x108;
	s8 =	sld [smem:$0x3FB3]  }
0x2e: {  	s3 =	simm.s32 @!p0 $0x1082;
	s9 =	sld [smem:$0x3FB4]  }
0x2f: {  	lr =	sadd.s32 s0, s3;
	s0 =	sld [smem:$0x3FAB]  }
0x30: {  	s3 =	sld [smem:$0x3FAE]  }
0x31: {  	[smem:$0x3FB7] =	sst s10  }
0x32: {  	s10 =	sld [smem:$0x3FB5];
	_ =	sdelay $0x3  }
0x33: {  	p0 =	seq.s32 s10, $0x1;
	s10 =	sld [smem:$0x3FB7];
	_ =	sdelay $0x3  }
0x34: {  	[smem:$0x3FB7] =	sst s10  }
0x35: {  	s10 =	sld [smem:$0x3FB6];
	_ =	sdelay $0x3  }
0x36: {  	p1 =	seq.s32 s10, $0x1;
	s10 =	sld [smem:$0x3FB7];
	_ =	sdelay $0x3  }
0x37: {  	[smem:$0x3FB7] =	sst s10  }
0x38: {  	s10 =	sld [smem:$0x3FB8]  }
0x39: {  	_ = 	snop;
	(pc) =	sbr.ind lr, $3  }
0x3a: {  	_ = 	snop  }
0x3b: {  	_ = 	snop  }
0x3c: {  	p2 =	seq.s32 s10, $0x1;
	s10 =	sld [smem:$0x3FB7]  }
0x3d: {  	_ =	shalt  }
0x3e: {  	_ =	shalt  }
0x3f: {  	_ =	shalt  }
0x40: {  	_ =	shalt  }
0x41: {  	_ =	shalt  }
0x42: {  	_ =	shalt  }
0x43: {  	_ =	shalt  }
0x44: {  	_ =	shalt  }
0x45: {  	_ =	shalt  }
0x46: {  	_ =	shalt  }
0x47: {  	_ =	shalt  }
0x48: {  	_ =	shalt  }
0x49: {  	_ =	shalt  }
0x4a: {  	_ =	shalt  }
0x4b: {  	_ =	shalt  }
0x4c: {  	_ =	shalt  }
0x4d: {  	_ =	shalt  }
0x4e: {  	_ =	shalt  }
0x4f: {  	_ =	shalt  }
0x50: {  	_ =	shalt  }
0x51: {  	_ =	shalt  }
0x52: {  	_ =	shalt  }
0x53: {  	_ =	shalt  }
0x54: {  	_ =	shalt  }
0x55: {  	_ =	shalt  }
0x56: {  	_ =	shalt  }
0x57: {  	_ =	shalt  }
0x58: {  	_ =	shalt  }
0x59: {  	_ =	shalt  }
0x5a: {  	_ =	shalt  }
0x5b: {  	_ =	shalt  }
0x5c: {  	_ =	shalt  }
0x5d: {  	_ =	shalt  }
0x5e: {  	_ =	shalt  }
0x5f: {  	_ =	shalt  }
0x60: {  	_ =	shalt  }
0x61: {  	_ =	shalt  }
0x62: {  	_ =	shalt  }
0x63: {  	_ =	shalt  }
0x64: {  	_ =	shalt  }
0x65: {  	_ =	shalt  }
0x66: {  	_ =	shalt  }
0x67: {  	_ =	shalt  }
0x68: {  	_ =	shalt  }
0x69: {  	_ =	shalt  }
0x6a: {  	_ =	shalt  }
0x6b: {  	_ =	shalt  }
0x6c: {  	_ =	shalt  }
0x6d: {  	_ =	shalt  }
0x6e: {  	_ =	shalt  }
0x6f: {  	_ =	shalt  }
0x70: {  	_ =	shalt  }
0x71: {  	_ =	shalt  }
0x72: {  	_ =	shalt  }
0x73: {  	_ =	shalt  }
0x74: {  	_ =	shalt  }
0x75: {  	_ =	shalt  }
0x76: {  	_ =	shalt  }
0x77: {  	_ =	shalt  }
0x78: {  	_ =	shalt  }
0x79: {  	_ =	shalt  }
0x7a: {  	_ =	shalt  }
0x7b: {  	_ =	shalt  }
0x7c: {  	_ =	shalt  }
0x7d: {  	_ =	shalt  }
0x7e: {  	_ =	shalt  }
0x7f: {  	_ =	shalt  }
0x80: {  	_ =	shalt  }
0x81: {  	_ =	shalt  }
0x82: {  	_ =	shalt  }
0x83: {  	_ =	shalt  }
0x84: {  	_ =	shalt  }
0x85: {  	_ =	shalt  }
0x86: {  	_ =	shalt  }
0x87: {  	_ =	shalt  }
.Lfunc_end0:
.L_simem_size_0:
called_computation_lowered:
.L_overlay_start_0:
0x88: {  	s2 =	sld [smem:$0x3FD9]  }
0x89: {  	s3 =	sld [smem:$0x3FFE];
	_ =	sdelay $0x1  }
0x8a: {  	s1 =	srdreg.scid  }
0x8b: {  	s0 =	sand.u32 $0x1, s1  }
0x8c: {  	s17 =	sshll.u32 s0, $0xA;
	s2 =	sadd.s32 s3, s2  }
0x8d: {  	s2 =	sadd.s32 s2, s17  }
0x8e: {  	[smem:$0x3FC3] =	sst s2  }
0x8f: {  	_ = 	snop  }
0x90: {  	s2 =	sld [smem:$0x3FC9]  }
0x91: {  	s18 =	sld [smem:$0x3FC8];
	(tm) =	ssettm $0x1  }
0x92: {  	s4 =	sld [smem:$0x3FFB];
	_ =	sdelay $0x3  }
0x93: {  	_ =	strace s4  }
0x94: {  	s4 =	sld [smem:$0x3FFC];
	_ =	sdelay $0x3  }
0x95: {  	_ =	strace s4  }
0x96: {  	s4 =	sld [smem:$0x3FFD];
	_ =	sdelay $0x3  }
0x97: {  	_ =	strace s4  }
0x98: {  	_ =	strace $0x8FFFFFFF  }
0x99: {  	s19 =	sld [smem:$0x3FDB];
	_ =	sdelay $0x1  }
0x9a: {  	s5 =	simm.s32 $_scs_section_size  }
0x9b: {  	s6 =	simm.s32 $_size__tile_overlayer_lowered;
	s7 =	simm.s32 $_tile_overlayer_lowered  }
0x9c: {  	s22 =	simm.s32 $0x1BFF;
	s21 =	sshll.u32 s7, $0x1;
	s4 =	sadd.s32 s5, s19  }
0x9d: {  	s8 =	simm.s32 $0x0;
	s20 =	sshll.u32 s6, $0x1;
	s6 =	sadd.s32 s21, s4  }
0x9e: {  	[timem:s8], [sflag:s22] =	dma.local [hbm:s6], s20  }
0x9f: {  	_ =	swait.ge [sflag:s22], s20  }
0xa0: {  	s5 =	ssub.s32 $0x0, s20;
	[sflag:s22] =	ssyncset.done $0x0  }
0xa1: {  	[sflag:s22] =	ssyncadd.s32 s5;
	_ =	sdelay $0x1  }
0xa2: {  	s23 =	simm.s32 $0x1B8B  }
0xa3: {  	_ =	swait.ge [sflag:s23], $0x1  }
0xa4: {  	[sflag:s23] =	ssyncset.done $0x0  }
0xa5: {  	s25 =	simm.s32 $0x1B8E;
	s24 =	sld [smem:$0x3FFE];
	[sflag:s23] =	ssyncadd.s32 $0xFFFFFFFF  }
0xa6: {  	s26 =	simm.s32 $execute0_lowered;
	[smem:$0x3FD2] =	sst s25  }
0xa7: {  	s6 =	sshll.u32 s26, $0x1;
	_ =	strace $0x80000046;
	[dreg:$0x1] =	wrdreg $0xFFFFFFFF  }
0xa8: {  	s28 =	simm.s32 $_size_execute0_lowered;
	s4 =	sadd.s32 s4, s6;
	[dreg:$0x0] =	wrdreg $0x0  }
0xa9: {  	s6 =	sshll.u32 s28, $0x1;
	[dreg:$0x2] =	wrdreg s4  }
0xaa: {  	[dreg:$0x3] =	wrdreg s6  }
0xab: {  	[dreg:$0x4] =	wrdreg $0xC0  }
0xac: {  	_ =	task [dreg:s8], $0x5FFFF  }
0xad: {  	[dreg:$0x1] =	wrdreg $0xFFFFFFFF  }
0xae: {  	[dreg:$0x0] =	wrdreg $0x60  }
0xaf: {  	[dreg:$0x2] =	wrdreg s2  }
0xb0: {  	[dreg:$0x3] =	wrdreg s18  }
0xb1: {  	[dreg:$0x4] =	wrdreg s24  }
0xb2: {  	[dreg:$0x5] =	wrdreg $0x9  }
0xb3: {  	_ =	task.clear_ibuf [dreg:s8], $0x6FFFF;
	_ =	strace $0x90000046  }
0xb4: {  	s29 =	simm.s32 $0x9;
	_ =	strace $0x80000048  }
0xb5: {  	_ =	swait.ge [sflag:s29], $0x1  }
0xb6: {  	[sflag:s29] =	ssyncadd.s32 $0xFFFFFFFF  }
0xb7: {  	_ =	strace $0x90000048  }
0xb8: {  	_ =	sfence  }
0xb9: {  	s30 =	sld [smem:$0x0];
	_ =	sdelay $0x2  }
0xba: {  	s31 =	sshll.u32 s1, $0xD;
	s1 =	sshrl.u32 s1, $0x2  }
0xbb: {  	s3 =	sand.u32 $0x4000, s31;
	s1 =	sadd.s32 s1, s30  }
0xbc: {  	s0 =	sor.u32 s3, s0;
	s1 =	sshll.u32 s1, $0x11  }
0xbd: {  	s0 =	sor.u32 s1, s0  }
0xbe: {  	s0 =	sadd.s32 $0x8F2B, s0  }
0xbf: {  	[sflag:s0] =	ssyncadd.remote.s32 $0x1  }
0xc0: {  	_ =	sfence.sel $0xFFFF  }
0xc1: {  	[dreg:$0x0] =	wrdreg $0xFFFFFFFF;
	(pc) =	sbr.abs _section_cstart, $3  }
0xc2: {  	[dreg:$0x1] =	wrdreg $0xFFFFFFFF  }
0xc3: {  	_ =	task.clear_ibuf [dreg:s8], $0x2FFFF;
	_ =	strace $0x9FFFFFFF  }
0xc4: {  	(tm) =	ssettm $0x7FFFFFFF  }
0xc5: {  	_ =	shalt  }
tec
execute0_lowered:
.L_overlay_start_1:
0x0: {  	(tag) =	ssettag $0x1  }
0x1: {  	s0 =	rddreg [dreg:$0x2]  }
0x2: {  	s3 =	simm.s32 $0x0;
	s1 =	srdreg.scid;
	s9 =	stileid.u32  }
0x3: {  	s12 =	simm.s32 $0x2;
	s30 =	simm.s32 $0x6F00;
	s31 =	simm.s32 $0x7300  }
0x4: {  	s11 =	simm.s32 $0x7F00;
	s13 =	simm.s32 $0x1D700;
	s14 =	simm.s32 $0x1E700  }
0x5: {  	s16 =	simm.s32 $0x0;
	[smem:$0x7FF] =	sst s3;
	s4 =	sadd.s32 $0x16E4400, s0  }
0x6: {  	s6 =	sadd.s32 $0xE00, s0;
	s7 =	sadd.s32 $0xF43200, s0;
	s1 =	sand.u32 $0x1, s1  }
0x7: {  	s8 =	sadd.s32 $0x16EE400, s0;
	s10 =	sshll.u32 s9, $0xA;
	s2 =	ssub.s32 $0x2, s1  }
0x8: {  	s9 =	sadd.s32 $0x172E400, s0;
	s1 =	sshll.u32 s1, $0x9;
	s5 =	sshrl.u32 s2, $0x1  }
0x9: {  	_ =	strace $0x80000047;
	s10 =	sor.u32 s1, s10;
	s29 =	ssub.s32 s2, s5  }
0xa: {  	s1 =	simm.s32 $0x8300;
	s5 =	simm.s32 $0x7B00;
	s0 =	smax.u32 s29, $0x1  }
0xb: {  	s2 =	simm.s32 $0x1;
	[dreg:$0x4] =	wrdreg s0;
	s0 =	simm.s32 $0x7700  }
.LBB2_1:
0xc: {  	[dreg:$0x5] =	wrdreg s16;
	s15 =	simm.s32 $0x0  }
.LBB2_2:
0xd: {  	s16 =	sshll.u32 s15, $0x5  }
0xe: {  	s16 =	sadd.s32 s10, s16  }
0xf: {  	s17 =	rddreg [dreg:$0x0];
	s18 =	sshrl.u32 s16, $0x3  }
0x10: {  	s19 =	sadd.s32 s17, s18;
	s17 =	simm.s32 $0x0  }
0x11: {  	[tilespmem:s17], [sflag:$0x2] =	stream.linear.gather [hbm4b:s19+s17], $0x20, $0x38;
	[tilespmem:$0x1F700] =	vst v63  }
0x12: {  	_ =	swait.ge [sflag:s12], $0x20  }
0x13: {  	[sflag:s12] =	ssyncset.done $0x0  }
0x14: {  	[sflag:s12] =	ssyncadd.s32 $0xFFFFFFE0  }
0x15: {  	s21 =	rddreg [dreg:$0x1]  }
0x16: {  	s22 =	smul.u32 $0x14, s16;
	s19 =	sadd.s32 s21, s18;
	s18 =	simm.s32 $0x80  }
0x17: {  	[tilespmem:s18], [sflag:$0x2] =	stream.linear.gather [hbm4b:s19+s17], $0x20, $0x38;
	[tilespmem:$0x1F700] =	vst v63  }
0x18: {  	_ =	swait.ge [sflag:s12], $0x20  }
0x19: {  	s19 =	sshrl.u32 s22, $0x3;
	[sflag:s12] =	ssyncset.done $0x0  }
0x1a: {  	s20 =	simm.s32 $0x100;
	s19 =	sadd.s32 s4, s19;
	[sflag:s12] =	ssyncadd.s32 $0xFFFFFFE0  }
0x1b: {  	[tilespmem:s20], [sflag:$0x2] =	stream.linear.gather [hbm4b:s19+s17], $0x280, $0x38;
	[tilespmem:$0x1F700] =	vst v63  }
0x1c: {  	_ =	swait.ge [sflag:s12], $0x280  }
0x1d: {  	[sflag:s12] =	ssyncset.done $0x0  }
0x1e: {  	[sflag:s12] =	ssyncadd.s32 $0xFFFFFD80  }
0x1f: {  	v0 =	vld [tilespmem:$0x80]  }
0x20: {  	v1 =	vld [tilespmem:$0x90]  }
0x21: {  	v2 =	vld [tilespmem:$0x100]  }
0x22: {  	v3 =	vld [tilespmem:$0x110]  }
0x23: {  	v4 =	vld [tilespmem:$0x120]  }
0x24: {  	v5 =	vld [tilespmem:$0x130];
	v0 =	vshrl.u32 v0, $0x1  }
0x25: {  	v13 =	vld [tilespmem:$0x140];
	v12 =	vshrl.u32 v1, $0x1;
	[tilespmem:$0x400] =	vst v0  }
0x26: {  	v15 =	vld [tilespmem:$0x150];
	v14 =	vshrl.u32 v2, $0x1;
	[tilespmem:$0x410] =	vst v12  }
0x27: {  	v17 =	vld [tilespmem:$0x160];
	v16 =	vshrl.u32 v3, $0x1;
	[tilespmem:$0x480] =	vst v14  }
0x28: {  	v19 =	vld [tilespmem:$0x170];
	v18 =	vshrl.u32 v4, $0x1;
	[tilespmem:$0x490] =	vst v16  }
0x29: {  	v21 =	vld [tilespmem:$0x180];
	v20 =	vshrl.u32 v5, $0x1;
	[tilespmem:$0x4A0] =	vst v18  }
0x2a: {  	v23 =	vld [tilespmem:$0x190];
	v22 =	vshrl.u32 v13, $0x1;
	[tilespmem:$0x4B0] =	vst v20  }
0x2b: {  	v25 =	vld [tilespmem:$0x1A0];
	v24 =	vshrl.u32 v15, $0x1;
	[tilespmem:$0x4C0] =	vst v22  }
0x2c: {  	v27 =	vld [tilespmem:$0x1B0];
	v26 =	vshrl.u32 v17, $0x1;
	[tilespmem:$0x4D0] =	vst v24  }
0x2d: {  	v29 =	vld [tilespmem:$0x1C0];
	v28 =	vshrl.u32 v19, $0x1;
	[tilespmem:$0x4E0] =	vst v26  }
0x2e: {  	v31 =	vld [tilespmem:$0x1D0];
	v30 =	vshrl.u32 v21, $0x1;
	[tilespmem:$0x4F0] =	vst v28  }
0x2f: {  	v33 =	vld [tilespmem:$0x1E0];
	v32 =	vshrl.u32 v23, $0x1;
	[tilespmem:$0x500] =	vst v30  }
0x30: {  	v35 =	vld [tilespmem:$0x1F0];
	v34 =	vshrl.u32 v25, $0x1;
	[tilespmem:$0x510] =	vst v32  }
0x31: {  	v37 =	vld [tilespmem:$0x200];
	v36 =	vshrl.u32 v27, $0x1;
	[tilespmem:$0x520] =	vst v34  }
0x32: {  	v39 =	vld [tilespmem:$0x210];
	v38 =	vshrl.u32 v29, $0x1;
	[tilespmem:$0x530] =	vst v36  }
0x33: {  	v41 =	vld [tilespmem:$0x220];
	v40 =	vshrl.u32 v31, $0x1;
	[tilespmem:$0x540] =	vst v38  }
0x34: {  	v43 =	vld [tilespmem:$0x230];
	v42 =	vshrl.u32 v33, $0x1;
	[tilespmem:$0x550] =	vst v40  }
0x35: {  	v45 =	vld [tilespmem:$0x240];
	v44 =	vshrl.u32 v35, $0x1;
	[tilespmem:$0x560] =	vst v42  }
0x36: {  	v47 =	vld [tilespmem:$0x250];
	v46 =	vshrl.u32 v37, $0x1;
	[tilespmem:$0x570] =	vst v44  }
0x37: {  	v49 =	vld [tilespmem:$0x260];
	v48 =	vshrl.u32 v39, $0x1;
	[tilespmem:$0x580] =	vst v46  }
0x38: {  	v51 =	vld [tilespmem:$0x270];
	v50 =	vshrl.u32 v41, $0x1;
	[tilespmem:$0x590] =	vst v48  }
0x39: {  	v53 =	vld [tilespmem:$0x280];
	v52 =	vshrl.u32 v43, $0x1;
	[tilespmem:$0x5A0] =	vst v50  }
0x3a: {  	v55 =	vld [tilespmem:$0x290];
	v54 =	vshrl.u32 v45, $0x1;
	[tilespmem:$0x5B0] =	vst v52  }
0x3b: {  	v57 =	vld [tilespmem:$0x2A0];
	v56 =	vshrl.u32 v47, $0x1;
	[tilespmem:$0x5C0] =	vst v54  }
0x3c: {  	v59 =	vld [tilespmem:$0x2B0];
	v58 =	vshrl.u32 v49, $0x1;
	[tilespmem:$0x5D0] =	vst v56  }
0x3d: {  	v61 =	vld [tilespmem:$0x2C0];
	v60 =	vshrl.u32 v51, $0x1;
	[tilespmem:$0x5E0] =	vst v58  }
0x3e: {  	v63 =	vld [tilespmem:$0x2D0];
	v62 =	vshrl.u32 v53, $0x1;
	[tilespmem:$0x5F0] =	vst v60  }
0x3f: {  	v8 =	vld [tilespmem:$0x2E0];
	v7 =	vshrl.u32 v55, $0x1;
	[tilespmem:$0x600] =	vst v62  }
0x40: {  	v10 =	vld [tilespmem:$0x2F0];
	v9 =	vshrl.u32 v57, $0x1;
	[tilespmem:$0x610] =	vst v7  }
0x41: {  	v11 =	vshrl.u32 v59, $0x1;
	[tilespmem:$0x620] =	vst v9;
	v12 =	vld [tilespmem:$0x300]  }
0x42: {  	v13 =	vshrl.u32 v61, $0x1;
	[tilespmem:$0x630] =	vst v11;
	v14 =	vld [tilespmem:$0x310]  }
0x43: {  	v15 =	vshrl.u32 v63, $0x1;
	[tilespmem:$0x640] =	vst v13;
	v16 =	vld [tilespmem:$0x320]  }
0x44: {  	v17 =	vshrl.u32 v8, $0x1;
	[tilespmem:$0x650] =	vst v15;
	v18 =	vld [tilespmem:$0x330]  }
0x45: {  	v19 =	vshrl.u32 v10, $0x1;
	[tilespmem:$0x660] =	vst v17;
	v20 =	vld [tilespmem:$0x340]  }
0x46: {  	[tilespmem:$0x670] =	vst v19;
	v22 =	vld [tilespmem:$0x350];
	v21 =	vshrl.u32 v12, $0x1  }
0x47: {  	v24 =	vld [tilespmem:$0x360];
	v23 =	vshrl.u32 v14, $0x1;
	[tilespmem:$0x680] =	vst v21  }
0x48: {  	v26 =	vld [tilespmem:$0x370];
	v25 =	vshrl.u32 v16, $0x1;
	[tilespmem:$0x690] =	vst v23  }
0x49: {  	v27 =	vshrl.u32 v18, $0x1;
	[tilespmem:$0x6A0] =	vst v25  }
0x4a: {  	v28 =	vshrl.u32 v20, $0x1;
	[tilespmem:$0x6B0] =	vst v27  }
0x4b: {  	v29 =	vshrl.u32 v22, $0x1;
	[tilespmem:$0x6C0] =	vst v28  }
0x4c: {  	v30 =	vshrl.u32 v24, $0x1;
	[tilespmem:$0x6D0] =	vst v29  }
0x4d: {  	v31 =	vshrl.u32 v26, $0x1;
	[tilespmem:$0x6E0] =	vst v30  }
0x4e: {  	s23 =	simm.s32 $0x20;
	s24 =	simm.s32 $0x400;
	s21 =	simm.s32 $0x8700;
	[tilespmem:$0x6F0] =	vst v31  }
0x4f: {  	[tilespmem:s21], [sflag:$0x1] =	stream.indirect.gather [hbm4b:s7+s23], $0x80, s24, s23, $0xb8;
	[tilespmem:$0x1F700] =	vst v63  }
0x50: {  	s25 =	simm.s32 $0x480;
	s26 =	simm.s32 $0x9700  }
0x51: {  	[tilespmem:s26], [sflag:$0x1] =	stream.indirect.gather [hbm4b:s7+s18], $0x80, s25, s18, $0xb8;
	[tilespmem:$0x1F700] =	vst v63  }
0x52: {  	s28 =	simm.s32 $0x500;
	s29 =	simm.s32 $0xD700  }
0x53: {  	[tilespmem:s29], [sflag:$0x1] =	stream.indirect.gather [hbm4b:s7+s18], $0x80, s28, s18, $0xb8;
	[tilespmem:$0x1F700] =	vst v63  }
0x54: {  	s22 =	simm.s32 $0x11700;
	s21 =	simm.s32 $0x580  }
0x55: {  	[tilespmem:s22], [sflag:$0x1] =	stream.indirect.gather [hbm4b:s7+s18], $0x80, s21, s18, $0xb8;
	[tilespmem:$0x1F700] =	vst v63  }
0x56: {  	s23 =	simm.s32 $0x600;
	s24 =	simm.s32 $0x15700  }
0x57: {  	[tilespmem:s24], [sflag:$0x1] =	stream.indirect.gather [hbm4b:s7+s18], $0x80, s23, s18, $0xb8;
	[tilespmem:$0x1F700] =	vst v63  }
0x58: {  	s25 =	simm.s32 $0x680;
	s26 =	simm.s32 $0x19700  }
0x59: {  	[tilespmem:s26], [sflag:$0x1] =	stream.indirect.gather [hbm4b:s7+s18], $0x80, s25, s18, $0xb8;
	[tilespmem:$0x1F700] =	vst v63  }
0x5a: {  	v32 =	vld [tilespmem:$0x0];
	_ =	sdelay $0x4  }
0x5b: {  	(v2sf) =	vpush v32, $0x0;
	_ =	sdelay $0xe  }
0x5c: {  	s28 =	spop (v2sf)  }
0x5d: {  	s19 =	sshll.u32 s28, $0x4  }
0x5e: {  	s19 =	sand.u32 $0xFFFFF80, s19  }
0x5f: {  	s29 =	sadd.s32 s6, s19;
	s19 =	simm.s32 $0x700  }
0x60: {  	[tilespmem:s19], [sflag:$0x1] =	stream.linear.gather [hbm4b:s29+s17], $0x400, $0x38;
	[tilespmem:$0x1F700] =	vst v63  }
0x61: {  	v33 =	vld [tilespmem:$0x1];
	_ =	sdelay $0x4  }
0x62: {  	(v2sf) =	vpush v33, $0x0;
	_ =	sdelay $0xe  }
0x63: {  	s21 =	spop (v2sf)  }
0x64: {  	s20 =	sshll.u32 s21, $0x4  }
0x65: {  	s20 =	sand.u32 $0xFFFFF80, s20  }
0x66: {  	s22 =	simm.s32 $0xB00;
	s20 =	sadd.s32 s6, s20  }
0x67: {  	[tilespmem:s22], [sflag:$0x1] =	stream.linear.gather [hbm4b:s20+s17], $0x400, $0x38;
	[tilespmem:$0x1F700] =	vst v63  }
0x68: {  	v34 =	vld [tilespmem:$0x2];
	_ =	sdelay $0x4  }
0x69: {  	(v2sf) =	vpush v34, $0x0;
	_ =	sdelay $0xe  }
0x6a: {  	s23 =	spop (v2sf)  }
0x6b: {  	s20 =	sshll.u32 s23, $0x4  }
0x6c: {  	s20 =	sand.u32 $0xFFFFF80, s20  }
0x6d: {  	s24 =	simm.s32 $0xF00;
	s20 =	sadd.s32 s6, s20  }
0x6e: {  	[tilespmem:s24], [sflag:$0x1] =	stream.linear.gather [hbm4b:s20+s17], $0x400, $0x38;
	[tilespmem:$0x1F700] =	vst v63  }
0x6f: {  	v35 =	vld [tilespmem:$0x3];
	_ =	sdelay $0x4  }
0x70: {  	(v2sf) =	vpush v35, $0x0;
	_ =	sdelay $0xe  }
0x71: {  	s25 =	spop (v2sf)  }
0x72: {  	s20 =	sshll.u32 s25, $0x4  }
0x73: {  	s20 =	sand.u32 $0xFFFFF80, s20  }
0x74: {  	s26 =	simm.s32 $0x1300;
	s20 =	sadd.s32 s6, s20  }
0x75: {  	[tilespmem:s26], [sflag:$0x1] =	stream.linear.gather [hbm4b:s20+s17], $0x400, $0x38;
	[tilespmem:$0x1F700] =	vst v63  }
0x76: {  	v36 =	vld [tilespmem:$0x4];
	_ =	sdelay $0x4  }
0x77: {  	(v2sf) =	vpush v36, $0x0;
	_ =	sdelay $0xe  }
0x78: {  	s28 =	spop (v2sf)  }
0x79: {  	s20 =	sshll.u32 s28, $0x4  }
0x7a: {  	s20 =	sand.u32 $0xFFFFF80, s20  }
0x7b: {  	s29 =	simm.s32 $0x1700;
	s20 =	sadd.s32 s6, s20  }
0x7c: {  	[tilespmem:s29], [sflag:$0x1] =	stream.linear.gather [hbm4b:s20+s17], $0x400, $0x38;
	[tilespmem:$0x1F700] =	vst v63  }
0x7d: {  	v37 =	vld [tilespmem:$0x5];
	_ =	sdelay $0x4  }
0x7e: {  	(v2sf) =	vpush v37, $0x0;
	_ =	sdelay $0xe  }
0x7f: {  	s21 =	spop (v2sf)  }
0x80: {  	s20 =	sshll.u32 s21, $0x4  }
0x81: {  	s20 =	sand.u32 $0xFFFFF80, s20  }
0x82: {  	s22 =	simm.s32 $0x1B00;
	s20 =	sadd.s32 s6, s20  }
0x83: {  	[tilespmem:s22], [sflag:$0x1] =	stream.linear.gather [hbm4b:s20+s17], $0x400, $0x38;
	[tilespmem:$0x1F700] =	vst v63  }
0x84: {  	v38 =	vld [tilespmem:$0x6];
	_ =	sdelay $0x4  }
0x85: {  	(v2sf) =	vpush v38, $0x0;
	_ =	sdelay $0xe  }
0x86: {  	s23 =	spop (v2sf)  }
0x87: {  	s20 =	sshll.u32 s23, $0x4  }
0x88: {  	s20 =	sand.u32 $0xFFFFF80, s20  }
0x89: {  	s24 =	simm.s32 $0x1F00;
	s20 =	sadd.s32 s6, s20  }
0x8a: {  	[tilespmem:s24], [sflag:$0x1] =	stream.linear.gather [hbm4b:s20+s17], $0x400, $0x38;
	[tilespmem:$0x1F700] =	vst v63  }
0x8b: {  	v39 =	vld [tilespmem:$0x7];
	_ =	sdelay $0x4  }
0x8c: {  	(v2sf) =	vpush v39, $0x0;
	_ =	sdelay $0xe  }
0x8d: {  	s25 =	spop (v2sf)  }
0x8e: {  	s20 =	sshll.u32 s25, $0x4  }
0x8f: {  	s20 =	sand.u32 $0xFFFFF80, s20  }
0x90: {  	s26 =	simm.s32 $0x2300;
	s20 =	sadd.s32 s6, s20  }
0x91: {  	[tilespmem:s26], [sflag:$0x1] =	stream.linear.gather [hbm4b:s20+s17], $0x400, $0x38;
	[tilespmem:$0x1F700] =	vst v63  }
0x92: {  	v40 =	vld [tilespmem:$0x8];
	_ =	sdelay $0x4  }
0x93: {  	(v2sf) =	vpush v40, $0x0;
	_ =	sdelay $0xe  }
0x94: {  	s28 =	spop (v2sf)  }
0x95: {  	s20 =	sshll.u32 s28, $0x4  }
0x96: {  	s20 =	sand.u32 $0xFFFFF80, s20  }
0x97: {  	s29 =	simm.s32 $0x2700;
	s20 =	sadd.s32 s6, s20  }
0x98: {  	[tilespmem:s29], [sflag:$0x1] =	stream.linear.gather [hbm4b:s20+s17], $0x400, $0x38;
	[tilespmem:$0x1F700] =	vst v63  }
0x99: {  	v41 =	vld [tilespmem:$0x9];
	_ =	sdelay $0x4  }
0x9a: {  	(v2sf) =	vpush v41, $0x0;
	_ =	sdelay $0xe  }
0x9b: {  	s21 =	spop (v2sf)  }
0x9c: {  	s20 =	sshll.u32 s21, $0x4  }
0x9d: {  	s20 =	sand.u32 $0xFFFFF80, s20  }
0x9e: {  	s22 =	simm.s32 $0x2B00;
	s20 =	sadd.s32 s6, s20  }
0x9f: {  	[tilespmem:s22], [sflag:$0x1] =	stream.linear.gather [hbm4b:s20+s17], $0x400, $0x38;
	[tilespmem:$0x1F700] =	vst v63  }
0xa0: {  	v42 =	vld [tilespmem:$0xA];
	_ =	sdelay $0x4  }
0xa1: {  	(v2sf) =	vpush v42, $0x0;
	_ =	sdelay $0xe  }
0xa2: {  	s23 =	spop (v2sf)  }
0xa3: {  	s20 =	sshll.u32 s23, $0x4  }
0xa4: {  	s20 =	sand.u32 $0xFFFFF80, s20  }
0xa5: {  	s24 =	simm.s32 $0x2F00;
	s20 =	sadd.s32 s6, s20  }
0xa6: {  	[tilespmem:s24], [sflag:$0x1] =	stream.linear.gather [hbm4b:s20+s17], $0x400, $0x38;
	[tilespmem:$0x1F700] =	vst v63  }
0xa7: {  	v43 =	vld [tilespmem:$0xB];
	_ =	sdelay $0x4  }
0xa8: {  	(v2sf) =	vpush v43, $0x0;
	_ =	sdelay $0xe  }
0xa9: {  	s25 =	spop (v2sf)  }
0xaa: {  	s20 =	sshll.u32 s25, $0x4  }
0xab: {  	s20 =	sand.u32 $0xFFFFF80, s20  }
0xac: {  	s26 =	simm.s32 $0x3300;
	s20 =	sadd.s32 s6, s20  }
0xad: {  	[tilespmem:s26], [sflag:$0x1] =	stream.linear.gather [hbm4b:s20+s17], $0x400, $0x38;
	[tilespmem:$0x1F700] =	vst v63  }
0xae: {  	v44 =	vld [tilespmem:$0xC];
	_ =	sdelay $0x4  }
0xaf: {  	(v2sf) =	vpush v44, $0x0;
	_ =	sdelay $0xe  }
0xb0: {  	s28 =	spop (v2sf)  }
0xb1: {  	s20 =	sshll.u32 s28, $0x4  }
0xb2: {  	s20 =	sand.u32 $0xFFFFF80, s20  }
0xb3: {  	s29 =	simm.s32 $0x3700;
	s20 =	sadd.s32 s6, s20  }
0xb4: {  	[tilespmem:s29], [sflag:$0x1] =	stream.linear.gather [hbm4b:s20+s17], $0x400, $0x38;
	[tilespmem:$0x1F700] =	vst v63  }
0xb5: {  	v45 =	vld [tilespmem:$0xD];
	_ =	sdelay $0x4  }
0xb6: {  	(v2sf) =	vpush v45, $0x0;
	_ =	sdelay $0xe  }
0xb7: {  	s21 =	spop (v2sf)  }
0xb8: {  	s20 =	sshll.u32 s21, $0x4  }
0xb9: {  	s20 =	sand.u32 $0xFFFFF80, s20  }
0xba: {  	s22 =	simm.s32 $0x3B00;
	s20 =	sadd.s32 s6, s20  }
0xbb: {  	[tilespmem:s22], [sflag:$0x1] =	stream.linear.gather [hbm4b:s20+s17], $0x400, $0x38;
	[tilespmem:$0x1F700] =	vst v63  }
0xbc: {  	v46 =	vld [tilespmem:$0xE];
	_ =	sdelay $0x4  }
0xbd: {  	(v2sf) =	vpush v46, $0x0;
	_ =	sdelay $0xe  }
0xbe: {  	s23 =	spop (v2sf)  }
0xbf: {  	s20 =	sshll.u32 s23, $0x4  }
0xc0: {  	s20 =	sand.u32 $0xFFFFF80, s20  }
0xc1: {  	s24 =	simm.s32 $0x3F00;
	s20 =	sadd.s32 s6, s20  }
0xc2: {  	[tilespmem:s24], [sflag:$0x1] =	stream.linear.gather [hbm4b:s20+s17], $0x400, $0x38;
	[tilespmem:$0x1F700] =	vst v63  }
0xc3: {  	v47 =	vld [tilespmem:$0xF];
	_ =	sdelay $0x4  }
0xc4: {  	(v2sf) =	vpush v47, $0x0;
	_ =	sdelay $0xe  }
0xc5: {  	s25 =	spop (v2sf)  }
0xc6: {  	s20 =	sshll.u32 s25, $0x4  }
0xc7: {  	s20 =	sand.u32 $0xFFFFF80, s20  }
0xc8: {  	s26 =	simm.s32 $0x4300;
	s20 =	sadd.s32 s6, s20  }
0xc9: {  	[tilespmem:s26], [sflag:$0x1] =	stream.linear.gather [hbm4b:s20+s17], $0x400, $0x38;
	[tilespmem:$0x1F700] =	vst v63  }
0xca: {  	v48 =	vld [tilespmem:$0x10];
	_ =	sdelay $0x4  }
0xcb: {  	(v2sf) =	vpush v48, $0x0;
	_ =	sdelay $0xe  }
0xcc: {  	s28 =	spop (v2sf)  }
0xcd: {  	s20 =	sshll.u32 s28, $0x4  }
0xce: {  	s20 =	sand.u32 $0xFFFFF80, s20  }
0xcf: {  	s29 =	simm.s32 $0x4700;
	s20 =	sadd.s32 s6, s20  }
0xd0: {  	[tilespmem:s29], [sflag:$0x1] =	stream.linear.gather [hbm4b:s20+s17], $0x400, $0x38;
	[tilespmem:$0x1F700] =	vst v63  }
0xd1: {  	v49 =	vld [tilespmem:$0x11];
	_ =	sdelay $0x4  }
0xd2: {  	(v2sf) =	vpush v49, $0x0;
	_ =	sdelay $0xe  }
0xd3: {  	s21 =	spop (v2sf)  }
0xd4: {  	s20 =	sshll.u32 s21, $0x4  }
0xd5: {  	s20 =	sand.u32 $0xFFFFF80, s20  }
0xd6: {  	s22 =	simm.s32 $0x4B00;
	s20 =	sadd.s32 s6, s20  }
0xd7: {  	[tilespmem:s22], [sflag:$0x1] =	stream.linear.gather [hbm4b:s20+s17], $0x400, $0x38;
	[tilespmem:$0x1F700] =	vst v63  }
0xd8: {  	v50 =	vld [tilespmem:$0x12];
	_ =	sdelay $0x4  }
0xd9: {  	(v2sf) =	vpush v50, $0x0;
	_ =	sdelay $0xe  }
0xda: {  	s23 =	spop (v2sf)  }
0xdb: {  	s20 =	sshll.u32 s23, $0x4  }
0xdc: {  	s20 =	sand.u32 $0xFFFFF80, s20  }
0xdd: {  	s24 =	simm.s32 $0x4F00;
	s20 =	sadd.s32 s6, s20  }
0xde: {  	[tilespmem:s24], [sflag:$0x1] =	stream.linear.gather [hbm4b:s20+s17], $0x400, $0x38;
	[tilespmem:$0x1F700] =	vst v63  }
0xdf: {  	v51 =	vld [tilespmem:$0x13];
	_ =	sdelay $0x4  }
0xe0: {  	(v2sf) =	vpush v51, $0x0;
	_ =	sdelay $0xe  }
0xe1: {  	s25 =	spop (v2sf)  }
0xe2: {  	s20 =	sshll.u32 s25, $0x4  }
0xe3: {  	s20 =	sand.u32 $0xFFFFF80, s20  }
0xe4: {  	s26 =	simm.s32 $0x5300;
	s20 =	sadd.s32 s6, s20  }
0xe5: {  	[tilespmem:s26], [sflag:$0x1] =	stream.linear.gather [hbm4b:s20+s17], $0x400, $0x38;
	[tilespmem:$0x1F700] =	vst v63  }
0xe6: {  	v52 =	vld [tilespmem:$0x14];
	_ =	sdelay $0x4  }
0xe7: {  	(v2sf) =	vpush v52, $0x0;
	_ =	sdelay $0xe  }
0xe8: {  	s28 =	spop (v2sf)  }
0xe9: {  	s20 =	sshll.u32 s28, $0x4  }
0xea: {  	s20 =	sand.u32 $0xFFFFF80, s20  }
0xeb: {  	s29 =	simm.s32 $0x5700;
	s20 =	sadd.s32 s6, s20  }
0xec: {  	[tilespmem:s29], [sflag:$0x1] =	stream.linear.gather [hbm4b:s20+s17], $0x400, $0x38;
	[tilespmem:$0x1F700] =	vst v63  }
0xed: {  	v53 =	vld [tilespmem:$0x15];
	_ =	sdelay $0x4  }
0xee: {  	(v2sf) =	vpush v53, $0x0;
	_ =	sdelay $0xe  }
0xef: {  	s21 =	spop (v2sf)  }
0xf0: {  	s20 =	sshll.u32 s21, $0x4  }
0xf1: {  	s20 =	sand.u32 $0xFFFFF80, s20  }
0xf2: {  	s22 =	simm.s32 $0x5B00;
	s20 =	sadd.s32 s6, s20  }
0xf3: {  	[tilespmem:s22], [sflag:$0x1] =	stream.linear.gather [hbm4b:s20+s17], $0x400, $0x38;
	[tilespmem:$0x1F700] =	vst v63  }
0xf4: {  	v54 =	vld [tilespmem:$0x16];
	_ =	sdelay $0x4  }
0xf5: {  	(v2sf) =	vpush v54, $0x0;
	_ =	sdelay $0xe  }
0xf6: {  	s23 =	spop (v2sf)  }
0xf7: {  	s20 =	sshll.u32 s23, $0x4  }
0xf8: {  	s20 =	sand.u32 $0xFFFFF80, s20  }
0xf9: {  	s24 =	simm.s32 $0x5F00;
	s20 =	sadd.s32 s6, s20  }
0xfa: {  	[tilespmem:s24], [sflag:$0x1] =	stream.linear.gather [hbm4b:s20+s17], $0x400, $0x38;
	[tilespmem:$0x1F700] =	vst v63  }
0xfb: {  	v55 =	vld [tilespmem:$0x17];
	_ =	sdelay $0x4  }
0xfc: {  	(v2sf) =	vpush v55, $0x0;
	_ =	sdelay $0xe  }
0xfd: {  	s25 =	spop (v2sf)  }
0xfe: {  	s20 =	sshll.u32 s25, $0x4  }
0xff: {  	s20 =	sand.u32 $0xFFFFF80, s20  }
0x100: {  	s26 =	simm.s32 $0x6300;
	s20 =	sadd.s32 s6, s20  }
0x101: {  	[tilespmem:s26], [sflag:$0x1] =	stream.linear.gather [hbm4b:s20+s17], $0x400, $0x38;
	[tilespmem:$0x1F700] =	vst v63  }
0x102: {  	v56 =	vld [tilespmem:$0x18];
	_ =	sdelay $0x4  }
0x103: {  	(v2sf) =	vpush v56, $0x0;
	_ =	sdelay $0xe  }
0x104: {  	s28 =	spop (v2sf)  }
0x105: {  	s20 =	sshll.u32 s28, $0x4  }
0x106: {  	s20 =	sand.u32 $0xFFFFF80, s20  }
0x107: {  	s29 =	simm.s32 $0x6700;
	s20 =	sadd.s32 s6, s20  }
0x108: {  	[tilespmem:s29], [sflag:$0x1] =	stream.linear.gather [hbm4b:s20+s17], $0x400, $0x38;
	[tilespmem:$0x1F700] =	vst v63  }
0x109: {  	v57 =	vld [tilespmem:$0x19];
	_ =	sdelay $0x4  }
0x10a: {  	(v2sf) =	vpush v57, $0x0;
	_ =	sdelay $0xe  }
0x10b: {  	s21 =	spop (v2sf)  }
0x10c: {  	s20 =	sshll.u32 s21, $0x4  }
0x10d: {  	s20 =	sand.u32 $0xFFFFF80, s20  }
0x10e: {  	s22 =	simm.s32 $0x6B00;
	s20 =	sadd.s32 s6, s20  }
0x10f: {  	[tilespmem:s22], [sflag:$0x1] =	stream.linear.gather [hbm4b:s20+s17], $0x400, $0x38;
	[tilespmem:$0x1F700] =	vst v63  }
0x110: {  	v58 =	vld [tilespmem:$0x1A];
	_ =	sdelay $0x4  }
0x111: {  	(v2sf) =	vpush v58, $0x0;
	_ =	sdelay $0xe  }
0x112: {  	s23 =	spop (v2sf)  }
0x113: {  	s20 =	sshll.u32 s23, $0x4  }
0x114: {  	s20 =	sand.u32 $0xFFFFF80, s20  }
0x115: {  	s20 =	sadd.s32 s6, s20  }
0x116: {  	[tilespmem:s30], [sflag:$0x1] =	stream.linear.gather [hbm4b:s20+s17], $0x400, $0x38;
	[tilespmem:$0x1F700] =	vst v63  }
0x117: {  	v59 =	vld [tilespmem:$0x1B];
	_ =	sdelay $0x4  }
0x118: {  	(v2sf) =	vpush v59, $0x0;
	_ =	sdelay $0xe  }
0x119: {  	s24 =	spop (v2sf)  }
0x11a: {  	s20 =	sshll.u32 s24, $0x4  }
0x11b: {  	s20 =	sand.u32 $0xFFFFF80, s20  }
0x11c: {  	s20 =	sadd.s32 s6, s20  }
0x11d: {  	[tilespmem:s31], [sflag:$0x1] =	stream.linear.gather [hbm4b:s20+s17], $0x400, $0x38;
	[tilespmem:$0x1F700] =	vst v63  }
0x11e: {  	v60 =	vld [tilespmem:$0x1C];
	_ =	sdelay $0x4  }
0x11f: {  	(v2sf) =	vpush v60, $0x0;
	_ =	sdelay $0xe  }
0x120: {  	s25 =	spop (v2sf)  }
0x121: {  	s20 =	sshll.u32 s25, $0x4  }
0x122: {  	s20 =	sand.u32 $0xFFFFF80, s20  }
0x123: {  	s20 =	sadd.s32 s6, s20  }
0x124: {  	[tilespmem:s0], [sflag:$0x1] =	stream.linear.gather [hbm4b:s20+s17], $0x400, $0x38;
	[tilespmem:$0x1F700] =	vst v63  }
0x125: {  	v61 =	vld [tilespmem:$0x1D];
	_ =	sdelay $0x4  }
0x126: {  	(v2sf) =	vpush v61, $0x0;
	_ =	sdelay $0xe  }
0x127: {  	s26 =	spop (v2sf)  }
0x128: {  	s20 =	sshll.u32 s26, $0x4  }
0x129: {  	s20 =	sand.u32 $0xFFFFF80, s20  }
0x12a: {  	s20 =	sadd.s32 s6, s20  }
0x12b: {  	[tilespmem:s5], [sflag:$0x1] =	stream.linear.gather [hbm4b:s20+s17], $0x400, $0x38;
	[tilespmem:$0x1F700] =	vst v63  }
0x12c: {  	v62 =	vld [tilespmem:$0x1E];
	_ =	sdelay $0x4  }
0x12d: {  	(v2sf) =	vpush v62, $0x0;
	_ =	sdelay $0xe  }
0x12e: {  	s28 =	spop (v2sf)  }
0x12f: {  	s20 =	sshll.u32 s28, $0x4  }
0x130: {  	s20 =	sand.u32 $0xFFFFF80, s20  }
0x131: {  	s20 =	sadd.s32 s6, s20  }
0x132: {  	[tilespmem:s11], [sflag:$0x1] =	stream.linear.gather [hbm4b:s20+s17], $0x400, $0x38;
	[tilespmem:$0x1F700] =	vst v63  }
0x133: {  	v63 =	vld [tilespmem:$0x1F];
	_ =	sdelay $0x4  }
0x134: {  	(v2sf) =	vpush v63, $0x0;
	_ =	sdelay $0xe  }
0x135: {  	s29 =	spop (v2sf)  }
0x136: {  	s20 =	sshll.u32 s29, $0x4  }
0x137: {  	s20 =	sand.u32 $0xFFFFF80, s20  }
0x138: {  	s20 =	sadd.s32 s6, s20  }
0x139: {  	[tilespmem:s1], [sflag:$0x1] =	stream.linear.gather [hbm4b:s20+s17], $0x400, $0x38;
	[tilespmem:$0x1F700] =	vst v63  }
0x13a: {  	_ =	swait.ge [sflag:s2], $0x1000  }
0x13b: {  	[sflag:s2] =	ssyncset.done $0x0  }
0x13c: {  	[sflag:s2] =	ssyncadd.s32 $0xFFFFF000  }
0x13d: {  	_ =	swait.ge [sflag:s2], $0x4000  }
0x13e: {  	[sflag:s2] =	ssyncset.done $0x0  }
0x13f: {  	[sflag:s2] =	ssyncadd.s32 $0xFFFFC000  }
0x140: {  	_ =	swait.ge [sflag:s2], $0x4000  }
0x141: {  	[sflag:s2] =	ssyncset.done $0x0  }
0x142: {  	[sflag:s2] =	ssyncadd.s32 $0xFFFFC000  }
0x143: {  	_ =	swait.ge [sflag:s2], $0x4000  }
0x144: {  	[sflag:s2] =	ssyncset.done $0x0  }
0x145: {  	[sflag:s2] =	ssyncadd.s32 $0xFFFFC000  }
0x146: {  	_ =	swait.ge [sflag:s2], $0x4000  }
0x147: {  	[sflag:s2] =	ssyncset.done $0x0  }
0x148: {  	[sflag:s2] =	ssyncadd.s32 $0xFFFFC000  }
0x149: {  	_ =	swait.ge [sflag:s2], $0x4000  }
0x14a: {  	[sflag:s2] =	ssyncset.done $0x0  }
0x14b: {  	[sflag:s2] =	ssyncadd.s32 $0xFFFFC000  }
0x14c: {  	_ =	swait.ge [sflag:s2], $0x400  }
0x14d: {  	[sflag:s2] =	ssyncset.done $0x0  }
0x14e: {  	[sflag:s2] =	ssyncadd.s32 $0xFFFFFC00  }
0x14f: {  	_ =	swait.ge [sflag:s2], $0x400  }
0x150: {  	[sflag:s2] =	ssyncset.done $0x0  }
0x151: {  	[sflag:s2] =	ssyncadd.s32 $0xFFFFFC00  }
0x152: {  	_ =	swait.ge [sflag:s2], $0x400  }
0x153: {  	[sflag:s2] =	ssyncset.done $0x0  }
0x154: {  	[sflag:s2] =	ssyncadd.s32 $0xFFFFFC00  }
0x155: {  	_ =	swait.ge [sflag:s2], $0x400  }
0x156: {  	[sflag:s2] =	ssyncset.done $0x0  }
0x157: {  	[sflag:s2] =	ssyncadd.s32 $0xFFFFFC00  }
0x158: {  	_ =	swait.ge [sflag:s2], $0x400  }
0x159: {  	[sflag:s2] =	ssyncset.done $0x0  }
0x15a: {  	[sflag:s2] =	ssyncadd.s32 $0xFFFFFC00  }
0x15b: {  	_ =	swait.ge [sflag:s2], $0x400  }
0x15c: {  	[sflag:s2] =	ssyncset.done $0x0  }
0x15d: {  	[sflag:s2] =	ssyncadd.s32 $0xFFFFFC00  }
0x15e: {  	_ =	swait.ge [sflag:s2], $0x400  }
0x15f: {  	[sflag:s2] =	ssyncset.done $0x0  }
0x160: {  	[sflag:s2] =	ssyncadd.s32 $0xFFFFFC00  }
0x161: {  	_ =	swait.ge [sflag:s2], $0x400  }
0x162: {  	[sflag:s2] =	ssyncset.done $0x0  }
0x163: {  	[sflag:s2] =	ssyncadd.s32 $0xFFFFFC00  }
0x164: {  	_ =	swait.ge [sflag:s2], $0x400  }
0x165: {  	[sflag:s2] =	ssyncset.done $0x0  }
0x166: {  	[sflag:s2] =	ssyncadd.s32 $0xFFFFFC00  }
0x167: {  	_ =	swait.ge [sflag:s2], $0x400  }
0x168: {  	[sflag:s2] =	ssyncset.done $0x0  }
0x169: {  	[sflag:s2] =	ssyncadd.s32 $0xFFFFFC00  }
0x16a: {  	_ =	swait.ge [sflag:s2], $0x400  }
0x16b: {  	[sflag:s2] =	ssyncset.done $0x0  }
0x16c: {  	[sflag:s2] =	ssyncadd.s32 $0xFFFFFC00  }
0x16d: {  	_ =	swait.ge [sflag:s2], $0x400  }
0x16e: {  	[sflag:s2] =	ssyncset.done $0x0  }
0x16f: {  	[sflag:s2] =	ssyncadd.s32 $0xFFFFFC00  }
0x170: {  	_ =	swait.ge [sflag:s2], $0x400  }
0x171: {  	[sflag:s2] =	ssyncset.done $0x0  }
0x172: {  	[sflag:s2] =	ssyncadd.s32 $0xFFFFFC00  }
0x173: {  	_ =	swait.ge [sflag:s2], $0x400  }
0x174: {  	[sflag:s2] =	ssyncset.done $0x0  }
0x175: {  	[sflag:s2] =	ssyncadd.s32 $0xFFFFFC00  }
0x176: {  	_ =	swait.ge [sflag:s2], $0x400  }
0x177: {  	[sflag:s2] =	ssyncset.done $0x0  }
0x178: {  	[sflag:s2] =	ssyncadd.s32 $0xFFFFFC00  }
0x179: {  	_ =	swait.ge [sflag:s2], $0x400  }
0x17a: {  	[sflag:s2] =	ssyncset.done $0x0  }
0x17b: {  	[sflag:s2] =	ssyncadd.s32 $0xFFFFFC00  }
0x17c: {  	_ =	swait.ge [sflag:s2], $0x400  }
0x17d: {  	[sflag:s2] =	ssyncset.done $0x0  }
0x17e: {  	[sflag:s2] =	ssyncadd.s32 $0xFFFFFC00  }
0x17f: {  	_ =	swait.ge [sflag:s2], $0x400  }
0x180: {  	[sflag:s2] =	ssyncset.done $0x0  }
0x181: {  	[sflag:s2] =	ssyncadd.s32 $0xFFFFFC00  }
0x182: {  	_ =	swait.ge [sflag:s2], $0x400  }
0x183: {  	[sflag:s2] =	ssyncset.done $0x0  }
0x184: {  	[sflag:s2] =	ssyncadd.s32 $0xFFFFFC00  }
0x185: {  	_ =	swait.ge [sflag:s2], $0x400  }
0x186: {  	[sflag:s2] =	ssyncset.done $0x0  }
0x187: {  	[sflag:s2] =	ssyncadd.s32 $0xFFFFFC00  }
0x188: {  	_ =	swait.ge [sflag:s2], $0x400  }
0x189: {  	[sflag:s2] =	ssyncset.done $0x0  }
0x18a: {  	[sflag:s2] =	ssyncadd.s32 $0xFFFFFC00  }
0x18b: {  	_ =	swait.ge [sflag:s2], $0x400  }
0x18c: {  	[sflag:s2] =	ssyncset.done $0x0  }
0x18d: {  	[sflag:s2] =	ssyncadd.s32 $0xFFFFFC00  }
0x18e: {  	_ =	swait.ge [sflag:s2], $0x400  }
0x18f: {  	[sflag:s2] =	ssyncset.done $0x0  }
0x190: {  	[sflag:s2] =	ssyncadd.s32 $0xFFFFFC00  }
0x191: {  	_ =	swait.ge [sflag:s2], $0x400  }
0x192: {  	[sflag:s2] =	ssyncset.done $0x0  }
0x193: {  	[sflag:s2] =	ssyncadd.s32 $0xFFFFFC00  }
0x194: {  	_ =	swait.ge [sflag:s2], $0x400  }
0x195: {  	[sflag:s2] =	ssyncset.done $0x0  }
0x196: {  	[sflag:s2] =	ssyncadd.s32 $0xFFFFFC00  }
0x197: {  	_ =	swait.ge [sflag:s2], $0x400  }
0x198: {  	[sflag:s2] =	ssyncset.done $0x0  }
0x199: {  	[sflag:s2] =	ssyncadd.s32 $0xFFFFFC00  }
0x19a: {  	_ =	swait.ge [sflag:s2], $0x400  }
0x19b: {  	[sflag:s2] =	ssyncset.done $0x0  }
0x19c: {  	[sflag:s2] =	ssyncadd.s32 $0xFFFFFC00  }
0x19d: {  	_ =	swait.ge [sflag:s2], $0x400  }
0x19e: {  	[sflag:s2] =	ssyncset.done $0x0  }
0x19f: {  	[sflag:s2] =	ssyncadd.s32 $0xFFFFFC00  }
0x1a0: {  	_ =	swait.ge [sflag:s2], $0x400  }
0x1a1: {  	[sflag:s2] =	ssyncset.done $0x0  }
0x1a2: {  	[sflag:s2] =	ssyncadd.s32 $0xFFFFFC00  }
0x1a3: {  	_ =	swait.ge [sflag:s2], $0x400  }
0x1a4: {  	[sflag:s2] =	ssyncset.done $0x0  }
0x1a5: {  	[sflag:s2] =	ssyncadd.s32 $0xFFFFFC00  }
0x1a6: {  	_ =	swait.ge [sflag:s2], $0x400  }
0x1a7: {  	[sflag:s2] =	ssyncset.done $0x0  }
0x1a8: {  	[sflag:s2] =	ssyncadd.s32 $0xFFFFFC00  }
0x1a9: {  	_ =	swait.ge [sflag:s2], $0x400  }
0x1aa: {  	s21 =	simm.s32 $0x0;
	[sflag:s2] =	ssyncset.done $0x0  }
0x1ab: {  	s22 =	simm.s32 $0x0;
	s20 =	simm.s32 $0x10A;
	[sflag:s2] =	ssyncadd.s32 $0xFFFFFC00  }
.LBB2_3:
0x1ac: {  	v0 =	vld [tilespmem:s21+$0x0]  }
0x1ad: {  	v1 =	vld [tilespmem:s18+$0x0];
	_ =	sdelay $0x2  }
0x1ae: {  	v2 =	vld [tilespmem:s20+$0xFFFFFFF6]  }
0x1af: {  	(v2sf) =	vpush v0, $0x0  }
0x1b0: {  	(v2sf) =	vpush v1, $0x0;
	_ =	sdelay $0x1  }
0x1b1: {  	v49 =	vld [tilespmem:s20+$0xFFFFFFF7]  }
0x1b2: {  	(v2sf) =	vpush v2, $0x0;
	_ =	sdelay $0x2  }
0x1b3: {  	v50 =	vld [tilespmem:s20+$0xFFFFFFF8]  }
0x1b4: {  	(v2sf) =	vpush v49, $0x0  }
0x1b5: {  	v51 =	vld [tilespmem:s20+$0xFFFFFFF9]  }
0x1b6: {  	v52 =	vld [tilespmem:s20+$0xFFFFFFFA]  }
0x1b7: {  	v53 =	vld [tilespmem:s20+$0xFFFFFFFB]  }
0x1b8: {  	v54 =	vld [tilespmem:s20+$0xFFFFFFFC];
	(v2sf) =	vpush v50, $0x0  }
0x1b9: {  	v55 =	vld [tilespmem:s20+$0xFFFFFFFD]  }
0x1ba: {  	v56 =	vld [tilespmem:s20+$0xFFFFFFFE]  }
0x1bb: {  	v57 =	vld [tilespmem:s20+$0xFFFFFFFF];
	s26 =	spop (v2sf)  }
0x1bc: {  	v58 =	vld [tilespmem:s20+$0x0];
	s23 =	spop (v2sf);
	(v2sf) =	vpush v51, $0x0  }
0x1bd: {  	v59 =	vld [tilespmem:s20+$0x1];
	s23 =	sand.u32 $0x1, s23  }
0x1be: {  	v60 =	vld [tilespmem:s20+$0x2];
	s25 =	sshll.u32 s23, $0x8  }
0x1bf: {  	v61 =	vld [tilespmem:s20+$0x3];
	s28 =	spop (v2sf);
	s23 =	sshra.s32 s17, $0x2;
	s24 =	sshrl.u32 s25, $0x2  }
0x1c0: {  	v62 =	vld [tilespmem:s20+$0x4];
	(v2sf) =	vpush v52, $0x0;
	s28 =	sand.u32 $0x1, s28;
	s29 =	sadd.s32 s23, s24  }
0x1c1: {  	s28 =	sshll.u32 s28, $0x6;
	s24 =	sshra.s32 s22, $0x2;
	v1 =	vld [tilespmem:s29+$0x8710]  }
0x1c2: {  	v0 =	vld [tilespmem:s29+$0x8720];
	s28 =	sadd.s32 s24, s28  }
0x1c3: {  	s29 =	spop (v2sf);
	(v2sf) =	vpush v53, $0x0;
	v3 =	vld [tilespmem:s28+$0x9700]  }
0x1c4: {  	v4 =	vld [tilespmem:s28+$0x9710];
	s29 =	sand.u32 $0x1, s29  }
0x1c5: {  	v5 =	vld [tilespmem:s28+$0x9720];
	s29 =	sshll.u32 s29, $0x6  }
0x1c6: {  	v6 =	vld [tilespmem:s28+$0x9730];
	s28 =	sadd.s32 s24, s29  }
0x1c7: {  	(v2sf) =	vpush v54, $0x0;
	s29 =	spop (v2sf);
	v7 =	vld [tilespmem:s28+$0x9780]  }
0x1c8: {  	v8 =	vld [tilespmem:s28+$0x9790];
	s29 =	sand.u32 $0x1, s29  }
0x1c9: {  	v9 =	vld [tilespmem:s28+$0x97A0];
	s29 =	sshll.u32 s29, $0x6  }
0x1ca: {  	v10 =	vld [tilespmem:s28+$0x97B0];
	s28 =	sadd.s32 s24, s29  }
0x1cb: {  	v11 =	vld [tilespmem:s28+$0x9800];
	s29 =	spop (v2sf)  }
0x1cc: {  	v12 =	vld [tilespmem:s28+$0x9810];
	(v2sf) =	vpush v55, $0x0;
	s29 =	sand.u32 $0x1, s29  }
0x1cd: {  	v13 =	vld [tilespmem:s28+$0x9820];
	s29 =	sshll.u32 s29, $0x6  }
0x1ce: {  	v14 =	vld [tilespmem:s28+$0x9830];
	s28 =	sadd.s32 s24, s29  }
0x1cf: {  	s29 =	spop (v2sf);
	v15 =	vld [tilespmem:s28+$0x9880]  }
0x1d0: {  	v16 =	vld [tilespmem:s28+$0x9890];
	s29 =	sand.u32 $0x1, s29  }
0x1d1: {  	v17 =	vld [tilespmem:s28+$0x98A0];
	s29 =	sshll.u32 s29, $0x6  }
0x1d2: {  	v18 =	vld [tilespmem:s28+$0x98B0];
	s28 =	sadd.s32 s24, s29;
	s29 =	spop (v2sf);
	(v2sf) =	vpush v56, $0x0  }
0x1d3: {  	v19 =	vld [tilespmem:s28+$0x9900]  }
0x1d4: {  	v20 =	vld [tilespmem:s28+$0x9910];
	s29 =	sand.u32 $0x1, s29  }
0x1d5: {  	v21 =	vld [tilespmem:s28+$0x9920];
	s29 =	sshll.u32 s29, $0x6  }
0x1d6: {  	v22 =	vld [tilespmem:s28+$0x9930];
	s28 =	sadd.s32 s24, s29;
	s29 =	spop (v2sf);
	(v2sf) =	vpush v57, $0x0  }
0x1d7: {  	v44 =	vld [tilespmem:s20+$0x5]  }
0x1d8: {  	v23 =	vld [tilespmem:s28+$0x9980]  }
0x1d9: {  	v24 =	vld [tilespmem:s28+$0x9990];
	s29 =	sand.u32 $0x1, s29  }
0x1da: {  	v25 =	vld [tilespmem:s28+$0x99A0];
	s29 =	sshll.u32 s29, $0x6  }
0x1db: {  	v26 =	vld [tilespmem:s28+$0x99B0];
	s28 =	sadd.s32 s24, s29;
	s29 =	spop (v2sf);
	(v2sf) =	vpush v58, $0x0  }
0x1dc: {  	v47 =	vld [tilespmem:s20+$0x6]  }
0x1dd: {  	v63 =	vld [tilespmem:s20+$0x8]  }
0x1de: {  	v27 =	vld [tilespmem:s28+$0x9A00]  }
0x1df: {  	v28 =	vld [tilespmem:s28+$0x9A10];
	s29 =	sand.u32 $0x1, s29  }
0x1e0: {  	v29 =	vld [tilespmem:s28+$0x9A20];
	s29 =	sshll.u32 s29, $0x6  }
0x1e1: {  	v30 =	vld [tilespmem:s28+$0x9A30];
	s28 =	sadd.s32 s24, s29;
	s29 =	spop (v2sf);
	(v2sf) =	vpush v59, $0x0  }
0x1e2: {  	v31 =	vld [tilespmem:s28+$0x9A80]  }
0x1e3: {  	v32 =	vld [tilespmem:s28+$0x9A90];
	s29 =	sand.u32 $0x1, s29  }
0x1e4: {  	v33 =	vld [tilespmem:s28+$0x9AA0];
	s29 =	sshll.u32 s29, $0x6  }
0x1e5: {  	v34 =	vld [tilespmem:s28+$0x9AB0];
	s28 =	sadd.s32 s24, s29;
	s29 =	spop (v2sf);
	(v2sf) =	vpush v60, $0x0  }
0x1e6: {  	v50 =	vld [tilespmem:s20+$0x7]  }
0x1e7: {  	v35 =	vld [tilespmem:s28+$0x9B00]  }
0x1e8: {  	v6 =	vadd.f32 v10, v6;
	v36 =	vld [tilespmem:s28+$0x9B10];
	s29 =	sand.u32 $0x1, s29  }
0x1e9: {  	v37 =	vld [tilespmem:s28+$0x9B20];
	s29 =	sshll.u32 s29, $0x6  }
0x1ea: {  	v6 =	vadd.f32 v14, v6;
	v38 =	vld [tilespmem:s28+$0x9B30];
	s28 =	sadd.s32 s24, s29;
	s29 =	spop (v2sf);
	(v2sf) =	vpush v61, $0x0  }
0x1eb: {  	v58 =	vld [tilespmem:s20+$0x9]  }
0x1ec: {  	v6 =	vadd.f32 v18, v6;
	v39 =	vld [tilespmem:s28+$0x9B80]  }
0x1ed: {  	v40 =	vld [tilespmem:s28+$0x9B90];
	s29 =	sand.u32 $0x1, s29  }
0x1ee: {  	v6 =	vadd.f32 v22, v6;
	v41 =	vld [tilespmem:s28+$0x9BA0];
	(v2sf) =	vpush v62, $0x0;
	s29 =	sshll.u32 s29, $0x6  }
0x1ef: {  	v42 =	vld [tilespmem:s28+$0x9BB0];
	s28 =	sadd.s32 s24, s29  }
0x1f0: {  	v6 =	vadd.f32 v26, v6;
	v43 =	vld [tilespmem:s28+$0x9C00];
	s29 =	spop (v2sf)  }
0x1f1: {  	v45 =	vld [tilespmem:s28+$0x9C10];
	s29 =	sand.u32 $0x1, s29  }
0x1f2: {  	v6 =	vadd.f32 v30, v6;
	v2 =	vld [tilespmem:s28+$0x9C20];
	(v2sf) =	vpush v44, $0x0;
	s29 =	sshll.u32 s29, $0x6  }
0x1f3: {  	v46 =	vld [tilespmem:s28+$0x9C30];
	s28 =	sadd.s32 s24, s29  }
0x1f4: {  	v6 =	vadd.f32 v34, v6;
	s29 =	spop (v2sf);
	v48 =	vld [tilespmem:s28+$0x9C80]  }
0x1f5: {  	(v2sf) =	vpush v47, $0x0;
	v44 =	vld [tilespmem:s28+$0x9C90];
	s29 =	sand.u32 $0x1, s29  }
0x1f6: {  	v6 =	vadd.f32 v38, v6;
	v49 =	vld [tilespmem:s28+$0x9CA0];
	s29 =	sshll.u32 s29, $0x6  }
0x1f7: {  	v3 =	vadd.f32 v7, v3;
	v51 =	vld [tilespmem:s28+$0x9CB0];
	s28 =	sadd.s32 s24, s29  }
0x1f8: {  	v4 =	vadd.f32 v8, v4;
	v6 =	vadd.f32 v42, v6;
	v47 =	vld [tilespmem:s28+$0x9D00]  }
0x1f9: {  	v5 =	vadd.f32 v9, v5;
	v3 =	vadd.f32 v11, v3;
	v52 =	vld [tilespmem:s28+$0x9D10];
	s29 =	spop (v2sf)  }
0x1fa: {  	s25 =	sadd.s32 s25, s17;
	v6 =	vadd.f32 v46, v6;
	v53 =	vld [tilespmem:s28+$0x9D30];
	(v2sf) =	vpush v50, $0x0;
	s29 =	sand.u32 $0x1, s29  }
0x1fb: {  	s25 =	sshra.s32 s25, $0x2;
	v4 =	vadd.f32 v12, v4;
	v5 =	vadd.f32 v13, v5;
	v50 =	vld [tilespmem:s28+$0x9D20];
	s29 =	sshll.u32 s29, $0x6  }
0x1fc: {  	v3 =	vadd.f32 v15, v3;
	v6 =	vadd.f32 v51, v6;
	v51 =	vld [tilespmem:s25+$0x8700];
	s28 =	sadd.s32 s24, s29  }
0x1fd: {  	v4 =	vadd.f32 v16, v4;
	s29 =	spop (v2sf);
	(v2sf) =	vpush v63, $0x0;
	v54 =	vld [tilespmem:s28+$0x9D80]  }
0x1fe: {  	v5 =	vadd.f32 v17, v5;
	v55 =	vld [tilespmem:s28+$0x9D90];
	s29 =	sand.u32 $0x1, s29  }
0x1ff: {  	v3 =	vadd.f32 v19, v3;
	v4 =	vadd.f32 v20, v4;
	v56 =	vld [tilespmem:s28+$0x9DA0];
	s29 =	sshll.u32 s29, $0x6  }
0x200: {  	v5 =	vadd.f32 v21, v5;
	v57 =	vld [tilespmem:s28+$0x9DB0];
	s28 =	sadd.s32 s24, s29  }
0x201: {  	v3 =	vadd.f32 v23, v3;
	v4 =	vadd.f32 v24, v4;
	s29 =	spop (v2sf);
	v59 =	vld [tilespmem:s28+$0x9E00]  }
0x202: {  	v5 =	vadd.f32 v25, v5;
	v60 =	vld [tilespmem:s28+$0x9E10];
	s29 =	sand.u32 $0x1, s29  }
0x203: {  	v3 =	vadd.f32 v27, v3;
	v4 =	vadd.f32 v28, v4;
	v61 =	vld [tilespmem:s28+$0x9E20];
	s29 =	sshll.u32 s29, $0x6  }
0x204: {  	v5 =	vadd.f32 v29, v5;
	v62 =	vld [tilespmem:s28+$0x9E30];
	s28 =	sadd.s32 s24, s29;
	s29 =	spop (v2sf);
	(v2sf) =	vpush v58, $0x0  }
0x205: {  	v3 =	vadd.f32 v31, v3;
	v4 =	vadd.f32 v32, v4;
	v63 =	vld [tilespmem:s28+$0x9E80]  }
0x206: {  	v5 =	vadd.f32 v33, v5;
	v32 =	vld [tilespmem:s28+$0x9E90];
	s29 =	sand.u32 $0x1, s29  }
0x207: {  	v3 =	vadd.f32 v35, v3;
	v4 =	vadd.f32 v36, v4;
	v33 =	vld [tilespmem:s28+$0x9EA0];
	s29 =	sshll.u32 s29, $0x6  }
0x208: {  	v5 =	vadd.f32 v37, v5;
	v36 =	vld [tilespmem:s28+$0x9EB0];
	s28 =	sadd.s32 s24, s29  }
0x209: {  	v3 =	vadd.f32 v39, v3;
	v4 =	vadd.f32 v40, v4;
	v37 =	vld [tilespmem:s28+$0x9F00];
	s29 =	spop (v2sf)  }
0x20a: {  	v5 =	vadd.f32 v41, v5;
	v39 =	vld [tilespmem:s28+$0x9F10];
	s29 =	sand.u32 $0x1, s29  }
0x20b: {  	v3 =	vadd.f32 v43, v3;
	v4 =	vadd.f32 v45, v4;
	v40 =	vld [tilespmem:s28+$0x9F20];
	s29 =	sshll.u32 s29, $0x6  }
0x20c: {  	v2 =	vadd.f32 v2, v5;
	v41 =	vld [tilespmem:s28+$0x9F30];
	s28 =	sadd.s32 s24, s29;
	s29 =	spop (v2sf)  }
0x20d: {  	v3 =	vadd.f32 v48, v3;
	v4 =	vadd.f32 v44, v4;
	v42 =	vld [tilespmem:s28+$0x9F80];
	s29 =	sand.u32 $0x1, s29  }
0x20e: {  	v2 =	vadd.f32 v49, v2;
	v43 =	vld [tilespmem:s28+$0x9F90];
	s29 =	sshll.u32 s29, $0x6  }
0x20f: {  	v3 =	vadd.f32 v47, v3;
	v4 =	vadd.f32 v52, v4;
	v44 =	vld [tilespmem:s28+$0x9FA0];
	s29 =	sadd.s32 s24, s29  }
0x210: {  	v2 =	vadd.f32 v50, v2;
	v46 =	vld [tilespmem:s29+$0xA000]  }
0x211: {  	v3 =	vadd.f32 v54, v3;
	v4 =	vadd.f32 v55, v4;
	v47 =	vld [tilespmem:s29+$0xA010]  }
0x212: {  	s26 =	sand.u32 $0x7, s26;
	v6 =	vadd.f32 v53, v6;
	v2 =	vadd.f32 v56, v2;
	v48 =	vld [tilespmem:s29+$0xA020]  }
0x213: {  	s26 =	sshll.u32 s26, $0x7;
	v3 =	vadd.f32 v59, v3;
	v4 =	vadd.f32 v60, v4;
	v49 =	vld [tilespmem:s29+$0xA030];
	s29 =	spop (v2sf)  }
0x214: {  	s26 =	sadd.s32 s26, s19;
	v6 =	vadd.f32 v57, v6;
	v2 =	vadd.f32 v61, v2;
	v45 =	vld [tilespmem:s28+$0x9FB0];
	s28 =	sand.u32 $0x1, s29  }
0x215: {  	v52 =	vld [tilespmem:s26+$0x10];
	v3 =	vadd.f32 v63, v3;
	v4 =	vadd.f32 v32, v4;
	s28 =	sshll.u32 s28, $0x6  }
0x216: {  	v50 =	vld [tilespmem:s26+$0x0];
	v6 =	vadd.f32 v62, v6;
	v2 =	vadd.f32 v33, v2;
	s24 =	sadd.s32 s24, s28  }
0x217: {  	v3 =	vadd.f32 v37, v3;
	v4 =	vadd.f32 v39, v4;
	v53 =	vld [tilespmem:s24+$0xA080]  }
0x218: {  	v6 =	vadd.f32 v36, v6;
	v2 =	vadd.f32 v40, v2;
	v54 =	vld [tilespmem:s24+$0xA090]  }
0x219: {  	v55 =	vld [tilespmem:s26+$0x20];
	v3 =	vadd.f32 v42, v3;
	v4 =	vadd.f32 v43, v4  }
0x21a: {  	v6 =	vadd.f32 v41, v6;
	v2 =	vadd.f32 v44, v2;
	v56 =	vld [tilespmem:s24+$0xA0A0]  }
0x21b: {  	v57 =	vld [tilespmem:s26+$0x30];
	v3 =	vadd.f32 v46, v3;
	v4 =	vadd.f32 v47, v4  }
0x21c: {  	v6 =	vadd.f32 v45, v6;
	v2 =	vadd.f32 v48, v2;
	v58 =	vld [tilespmem:s24+$0xA0B0]  }
0x21d: {  	v59 =	vld [tilespmem:s25+$0x8730];
	v3 =	vadd.f32 v53, v3;
	v4 =	vadd.f32 v54, v4  }
0x21e: {  	v1 =	vmul.f32 v1, v52;
	v60 =	vmul.f32 v51, v50;
	v6 =	vadd.f32 v49, v6  }
0x21f: {  	v2 =	vadd.f32 v56, v2;
	v3 =	vmul.f32 v3, v50;
	v4 =	vmul.f32 v4, v52  }
0x220: {  	v1 =	vadd.f32 v1, v60;
	v0 =	vmul.f32 v0, v55  }
0x221: {  	v6 =	vadd.f32 v58, v6;
	v2 =	vmul.f32 v2, v55;
	v3 =	vadd.f32 v4, v3  }
0x222: {  	p0 =	sne.s32 s22, $0x4D800;
	v0 =	vadd.f32 v0, v1;
	v61 =	vmul.f32 v59, v57  }
.Ltmp0:
0x223: {  	v62 =	vmul.f32 v6, v57;
	v2 =	vadd.f32 v2, v3;
	(pc) =	sbr.rel @p0 .LBB2_3-.Ltmp0, $4  }
0x224: {  	v0 =	vadd.f32 v61, v0  }
0x225: {  	v63 =	vadd.f32 v62, v2  }
0x226: {  	s21 =	sadd.s32 $0x1, s21;
	s18 =	sadd.s32 $0x1, s18;
	s19 =	sadd.s32 $0x400, s19;
	[tilespmem:s23+$0x1D700] =	vst v0  }
0x227: {  	s17 =	sadd.s32 $0x200, s17;
	s22 =	sadd.s32 $0x2800, s22;
	s20 =	sadd.s32 $0x14, s20;
	[tilespmem:s23+$0x1E700] =	vst v63  }
0x228: {  	s16 =	sshll.u32 s16, $0x4  }
0x229: {  	s17 =	sadd.s32 s8, s16  }
0x22a: {  	[hbm4b:s17+s3] =	stream.linear.scatter [tilespmem:s13], [sflag:$0x2], $0x1000, $0x38;
	[tilespmem:$0x1F700] =	vst v63  }
0x22b: {  	s15 =	sadd.s32 $0x1, s15;
	_ =	swait.ge [sflag:s12], $0x1000  }
0x22c: {  	p0 =	sne.s32 s15, $0x10;
	[sflag:s12] =	ssyncset.done $0x0  }
.Ltmp1:
0x22d: {  	s16 =	sadd.s32 s9, s16;
	[sflag:s12] =	ssyncadd.s32 $0xFFFFF000;
	(pc) =	sbr.rel @p0 .LBB2_2-.Ltmp1, $4  }
0x22e: {  	[hbm4b:s16+s3] =	stream.linear.scatter [tilespmem:s14], [sflag:$0x2], $0x1000, $0x38;
	[tilespmem:$0x1F700] =	vst v63  }
0x22f: {  	_ =	swait.ge [sflag:s12], $0x1000  }
0x230: {  	[sflag:s12] =	ssyncset.done $0x0  }
0x231: {  	[sflag:s12] =	ssyncadd.s32 $0xFFFFF000  }
0x232: {  	s16 =	rddreg [dreg:$0x5]  }
0x233: {  	s15 =	rddreg [dreg:$0x4];
	s16 =	sadd.s32 $0x1, s16  }
0x234: {  	p0 =	sne.s32 s16, s15  }
.Ltmp2:
0x235: {  	_ = 	snop;
	(pc) =	sbr.rel @p0 .LBB2_1-.Ltmp2, $1  }
0x236: {  	_ =	sdelay $0x3  }
0x237: {  	_ =	sfence.sel $0x180000  }
0x238: {  	[bflag:$0x0] =	sbarrier.arrive $0xFFFF  }
0x239: {  	_ =	strace $0x90000047  }
0x23a: {  	s0 =	stileid.u32;
	[bflag:$0x2] =	sbarrier.arrive $0xFFFF  }
0x23b: {  	p0 =	sne.s32 s0, $0x0;
	s0 =	rddreg [dreg:$0x3]  }
0x23c: {  	s0 =	sadd.s32 @!p0 $0x100000, s0  }
0x23d: {  	[sflag:s0] =	ssyncadd.tile.s32 @!p0 $0x1;
	_ =	shalt  }
.Lfunc_end2:
_tile_overlayer_lowered:
.L_overlay_start_2:
0x23e: {  	(tag) =	ssettag $0x2  }
0x23f: {  	s0 =	rddreg [dreg:$0x0];
	s2 =	stileid.u32  }
0x240: {  	s1 =	rddreg [dreg:$0x1];
	p0 =	sne.s32 s2, $0x0  }
0x241: {  	s3 =	rddreg [dreg:$0x2];
	[bflag:$0x3] =	sbarrier.arrive $0xFFFF;
	s2 =	simm.s32 @!p0 $0x1C02  }
0x242: {  	[timem:s3], [sflag:s2] =	dma.local @!p0 [hbm:s0], s1  }
0x243: {  	s0 =	simm.s32 @!p0 $0x2  }
0x244: {  	_ =	swait.ge @!p0 [sflag:s0], s1  }
0x245: {  	s1 =	ssub.s32 @!p0 $0x0, s1;
	[sflag:s0] =	ssyncset.done @!p0 $0x0  }
0x246: {  	[sflag:s0] =	ssyncadd.s32 @!p0 s1  }
0x247: {  	[bflag:$0x3] =	sbarrier.arrive $0xFFFF  }
0x248: {  	_ =	shalt  }

</sc_bundles>
